<compile_context>
chip_gen: v7x
topology: tpu7x:2x2x1
jax: 0.10.2.dev20260603
libtpu: 0.0.44.dev20260713+nightly
codegen_flags: <defaults>
</compile_context>

<pallas_src>
import functools
import math

import jax
import jax.numpy as jnp
from jax.experimental import pallas as pl
from jax.experimental.pallas import tpu as pltpu

_RATIOS = [0.5, 0.5, 0.5]
_RADII = [0.2, 0.3, 0.4]
_K = 32
_QB = 128
_CB = 512


def _rup(x, m):
    return ((x + m - 1) // m) * m


def _lin_in_kernel(x_ref, w0_ref, b0_ref, w1_ref, b1_ref, o_ref):
    h = jnp.dot(x_ref[...], w0_ref[...], preferred_element_type=jnp.float32)
    h = jnp.maximum(h + b0_ref[...], 0.0)
    h = jnp.dot(h, w1_ref[...], preferred_element_type=jnp.float32)
    o_ref[...] = jnp.maximum(h + b1_ref[...], 0.0)


def _lin_in(x, w0, b0, w1, b1):
    n = x.shape[0]
    rb = 1000
    return pl.pallas_call(
        _lin_in_kernel,
        grid=(n // rb,),
        in_specs=[
            pl.BlockSpec((rb, x.shape[1]), lambda i: (i, 0)),
            pl.BlockSpec(w0.shape, lambda i: (0, 0)),
            pl.BlockSpec((1, b0.shape[0]), lambda i: (0, 0)),
            pl.BlockSpec(w1.shape, lambda i: (0, 0)),
            pl.BlockSpec((1, b1.shape[0]), lambda i: (0, 0)),
        ],
        out_specs=pl.BlockSpec((rb, w1.shape[1]), lambda i: (i, 0)),
        out_shape=jax.ShapeDtypeStruct((n, w1.shape[1]), jnp.float32),
    )(x, w0, b0[None, :], w1, b1[None, :])


def _fps_kernel(s, pos_ref, prow_ref, o_ref):
    ll = pos_ref.shape[1]
    nn = s * ll
    pr = pos_ref[...]
    pc = [pr[c * s:(c + 1) * s, :] for c in range(3)]
    iota2 = (jax.lax.broadcasted_iota(jnp.int32, (s, ll), 0) * ll
             + jax.lax.broadcasted_iota(jnp.int32, (s, ll), 1))
    p0 = [pc[c][0:1, 0:1] for c in range(3)]
    d0 = sum((pc[c] - p0[c]) ** 2 for c in range(3))
    o_ref[0:1, :] = jnp.zeros((1, 1), jnp.int32)

    def body(i, d):
        m = jnp.max(d)
        sel = jnp.where(d == m, iota2, nn)
        nxt = jnp.min(sel)
        o_ref[pl.ds(i, 1), :] = jnp.full((1, 1), nxt, jnp.int32)
        prow = prow_ref[pl.ds(nxt, 1), :]
        dn = sum((pc[c] - prow[0:1, c:c + 1]) ** 2 for c in range(3))
        return jnp.minimum(d, dn)

    jax.lax.fori_loop(1, o_ref.shape[0], body, d0)


def _fps(pos_t, n):
    nlev = pos_t.shape[1]
    s = next(f for f in (8, 4, 2, 1) if nlev % f == 0)
    pos_r = pos_t.reshape(3 * s, nlev // s)
    return pl.pallas_call(
        functools.partial(_fps_kernel, s),
        out_shape=jax.ShapeDtypeStruct((n, 1), jnp.int32),
    )(pos_r, pos_t.T)[:, 0]


def _radius_kernel(r2, q_ref, p_ref, lt_ref, nbr_ref, cnt_ref, acc_ref,
                   done_ref):
    cb = pl.program_id(1)
    ncb = pl.num_programs(1)

    @pl.when(cb == 0)
    def _init():
        cnt_ref[...] = jnp.zeros_like(cnt_ref)
        acc_ref[...] = jnp.zeros_like(acc_ref)
        done_ref[0] = 0

    @pl.when(done_ref[0] == 0)
    def _scan():
        q = q_ref[...]
        p = p_ref[...]
        qq = jnp.sum(q * q, axis=1, keepdims=True)
        pp = jnp.sum(p * p, axis=0, keepdims=True)
        qp = jnp.dot(q, p, preferred_element_type=jnp.float32)
        d2 = qq + pp - 2.0 * qp
        m = (d2 <= r2).astype(jnp.float32)
        csum = jnp.dot(m, lt_ref[...], preferred_element_type=jnp.float32)
        cnt = cnt_ref[...]
        slot = cnt + csum - 1.0
        keep = (m > 0.0) & (slot < float(_K))
        jcol = (cb * _CB + jax.lax.broadcasted_iota(jnp.int32, (1, _CB), 1)
                ).astype(jnp.float32)
        jcol = jnp.broadcast_to(jcol, m.shape)
        pieces = [
            jnp.sum(jnp.where(keep & (slot == float(k)), jcol, 0.0),
                    axis=1, keepdims=True)
            for k in range(_K)
        ]
        acc_ref[...] = acc_ref[...] + jnp.concatenate(pieces, axis=1)
        newcnt = cnt + jnp.sum(m, axis=1, keepdims=True)
        cnt_ref[...] = newcnt
        done_ref[0] = jnp.all(newcnt >= float(_K)).astype(jnp.int32)

    @pl.when(cb == ncb - 1)
    def _emit():
        kio = jax.lax.broadcasted_iota(jnp.int32, (_QB, _K), 1).astype(
            jnp.float32)
        valid = kio < cnt_ref[...]
        nbr_ref[...] = jnp.where(valid, acc_ref[...].astype(jnp.int32), -1)


def _radius(q_pad, pos_t_pad, r):
    nsp = q_pad.shape[0]
    npd = pos_t_pad.shape[1]
    rows = jax.lax.broadcasted_iota(jnp.int32, (_CB, _CB), 0)
    cols = jax.lax.broadcasted_iota(jnp.int32, (_CB, _CB), 1)
    lt = (rows <= cols).astype(jnp.float32)
    return pl.pallas_call(
        functools.partial(_radius_kernel, float(r) * float(r)),
        grid=(nsp // _QB, npd // _CB),
        in_specs=[
            pl.BlockSpec((_QB, 3), lambda iq, ic: (iq, 0)),
            pl.BlockSpec((3, _CB), lambda iq, ic: (0, ic)),
            pl.BlockSpec((_CB, _CB), lambda iq, ic: (0, 0)),
        ],
        out_specs=pl.BlockSpec((_QB, _K), lambda iq, ic: (iq, 0)),
        out_shape=jax.ShapeDtypeStruct((nsp, _K), jnp.int32),
        scratch_shapes=[
            pltpu.VMEM((_QB, 1), jnp.float32),
            pltpu.VMEM((_QB, _K), jnp.float32),
            pltpu.SMEM((1,), jnp.int32),
        ],
    )(q_pad, pos_t_pad, lt)


def _angle(v1x, v1y, v1z, v2x, v2y, v2z):
    crx = v1y * v2z - v1z * v2y
    cry = v1z * v2x - v1x * v2z
    crz = v1x * v2y - v1y * v2x
    cn2 = crx * crx + cry * cry + crz * crz
    dot = v1x * v2x + v1y * v2y + v1z * v2z
    safe = (cn2 + dot * dot) > 1e-20
    cn = jnp.sqrt(jnp.where(safe, cn2, 1.0))
    return jnp.where(safe, jnp.arctan2(cn, jnp.where(safe, dot, 1.0)), 0.0)


def _edge_kernel(pi_ref, pj_ref, ni_ref, nj_ref, hj_ref, v_ref,
                 w1a_ref, b1a_ref, w1b_ref, b1b_ref, w2_ref, b2_ref,
                 o_ref, agg_ref):
    ik = pl.program_id(0)
    pi = pi_ref[...]
    pj = pj_ref[...]
    psx = pj[0:1, :] - pi[0:1, :]
    psy = pj[1:2, :] - pi[1:2, :]
    psz = pj[2:3, :] - pi[2:3, :]
    dn2 = psx * psx + psy * psy + psz * psz
    safe = dn2 > 1e-20
    dist = jnp.where(safe, jnp.sqrt(jnp.where(safe, dn2, 1.0)), 0.0)
    ni = ni_ref[...]
    nj = nj_ref[...]
    a1 = _angle(ni[0:1, :], ni[1:2, :], ni[2:3, :], psx, psy, psz)
    a2 = _angle(nj[0:1, :], nj[1:2, :], nj[2:3, :], psx, psy, psz)
    a3 = _angle(ni[0:1, :], ni[1:2, :], ni[2:3, :],
                nj[0:1, :], nj[1:2, :], nj[2:3, :])
    msg = jnp.concatenate([hj_ref[...], dist, a1, a2, a3], axis=0)
    y = jnp.dot(w1a_ref[...], msg, preferred_element_type=jnp.float32)
    y = jnp.maximum(y + b1a_ref[...], 0.0)
    y = jnp.dot(w1b_ref[...], y, preferred_element_type=jnp.float32)
    y = jnp.maximum(y + b1b_ref[...], 0.0)
    y = jnp.where(v_ref[...] > 0.0, y, -jnp.inf)

    @pl.when(ik == 0)
    def _first():
        agg_ref[...] = y

    @pl.when(ik > 0)
    def _rest():
        agg_ref[...] = jnp.maximum(agg_ref[...], y)

    @pl.when(ik == pl.num_programs(0) - 1)
    def _emit():
        z = jnp.dot(w2_ref[...], agg_ref[...],
                    preferred_element_type=jnp.float32)
        o_ref[...] = jnp.maximum(z + b2_ref[...], 0.0)


def _edge(pi_t, pj_t, ni_t, nj_t, hj_t, validf, w1a, b1a, w1b, b1b, w2, b2):
    nsp = pi_t.shape[1] // _K
    d = w1a.shape[0]
    nh = w2.shape[1]
    return pl.pallas_call(
        _edge_kernel,
        grid=(_K,),
        in_specs=[
            pl.BlockSpec((3, nsp), lambda k: (0, k)),
            pl.BlockSpec((3, nsp), lambda k: (0, k)),
            pl.BlockSpec((3, nsp), lambda k: (0, k)),
            pl.BlockSpec((3, nsp), lambda k: (0, k)),
            pl.BlockSpec((nh, nsp), lambda k: (0, k)),
            pl.BlockSpec((1, nsp), lambda k: (0, k)),
            pl.BlockSpec((d, d), lambda k: (0, 0)),
            pl.BlockSpec((d, 1), lambda k: (0, 0)),
            pl.BlockSpec((d, d), lambda k: (0, 0)),
            pl.BlockSpec((d, 1), lambda k: (0, 0)),
            pl.BlockSpec((nh, d), lambda k: (0, 0)),
            pl.BlockSpec((nh, 1), lambda k: (0, 0)),
        ],
        out_specs=pl.BlockSpec((nh, nsp), lambda k: (0, 0)),
        out_shape=jax.ShapeDtypeStruct((nh, nsp), jnp.float32),
        scratch_shapes=[pltpu.VMEM((d, nsp), jnp.float32)],
    )(pi_t, pj_t, ni_t, nj_t, hj_t, validf,
      w1a.T, b1a[:, None], w1b.T, b1b[:, None], w2.T, b2[:, None])


def _final_kernel(h_ref, w0_ref, b0_ref, w1_ref, b1_ref, o_ref):
    pooled = jnp.max(h_ref[...], axis=1, keepdims=True)
    a = jnp.dot(w0_ref[...], pooled, preferred_element_type=jnp.float32)
    a = jnp.maximum(a + b0_ref[...], 0.0)
    o_ref[...] = jnp.dot(w1_ref[...], a,
                         preferred_element_type=jnp.float32) + b1_ref[...]


def _final(h_t, w0, b0, w1, b1):
    return pl.pallas_call(
        _final_kernel,
        out_shape=jax.ShapeDtypeStruct((w1.shape[1], 1), jnp.float32),
    )(h_t, w0.T, b0[:, None], w1.T, b1[:, None])


def kernel(x, pos, norm, batch, w_in0, b_in0, w_in1, b_in1,
           sa0_w1a, sa0_b1a, sa0_w1b, sa0_b1b, sa0_w2, sa0_b2,
           sa1_w1a, sa1_b1a, sa1_w1b, sa1_b1b, sa1_w2, sa1_b2,
           sa2_w1a, sa2_b1a, sa2_w1b, sa2_b1b, sa2_w2, sa2_b2,
           w_out0, b_out0, w_out1, b_out1):
    sa = [
        (sa0_w1a, sa0_b1a, sa0_w1b, sa0_b1b, sa0_w2, sa0_b2),
        (sa1_w1a, sa1_b1a, sa1_w1b, sa1_b1b, sa1_w2, sa1_b2),
        (sa2_w1a, sa2_b1a, sa2_w1b, sa2_b1b, sa2_w2, sa2_b2),
    ]
    h = _lin_in(x, w_in0, b_in0, w_in1, b_in1)
    h_t = h.T
    pos_t = pos.T
    norm_t = norm.T

    for i in range(3):
        nlev = pos_t.shape[1]
        n_s = int(math.ceil(_RATIOS[i] * nlev))
        idx = _fps(pos_t, n_s)

        nsp = _rup(n_s, _QB)
        npd = _rup(nlev, _CB)
        q = jnp.take(pos_t, idx, axis=1).T
        q_pad = jnp.concatenate(
            [q, jnp.broadcast_to(q[0:1], (nsp - n_s, 3))], axis=0)
        pos_t_pad = jnp.concatenate(
            [pos_t, jnp.full((3, npd - nlev), 1e6, jnp.float32)], axis=1)
        nbr = _radius(q_pad, pos_t_pad, _RADII[i])

        nbrT = nbr.T.reshape(-1)
        cl = jnp.maximum(nbrT, 0)
        table = jnp.concatenate([h_t.T, pos_t.T, norm_t.T], axis=1)
        rows = jnp.take(table, cl, axis=0)
        rows_t = rows.T
        hj_t = rows_t[:16]
        pj_t = rows_t[16:19]
        nj_t = rows_t[19:22]
        nq_t = jnp.take(norm_t, idx, axis=1)
        nq_t = jnp.concatenate(
            [nq_t, jnp.zeros((3, nsp - n_s), jnp.float32)], axis=1)
        pi_t = jnp.tile(q_pad.T, (1, _K))
        ni_t = jnp.tile(nq_t, (1, _K))
        validf = (nbrT >= 0).astype(jnp.float32)[None, :]

        w1a, b1a, w1b, b1b, w2, b2 = sa[i]
        h_t = _edge(pi_t, pj_t, ni_t, nj_t, hj_t, validf,
                    w1a, b1a, w1b, b1b, w2, b2)[:, :n_s]
        pos_t = jnp.take(pos_t, idx, axis=1)
        norm_t = jnp.take(norm_t, idx, axis=1)

    out = _final(h_t, w_out0, b_out0, w_out1, b_out1)
    return out.T

# --- scband reference (transcript-rebuilt; emitter-appended) ---
"""Pipeline reference for scband-model-88459146428523 (READ-ONLY COPY).

The authoritative reference and input builder live on the scoring server;
editing this copy changes nothing except your own understanding.
"""

import jax, jax.numpy as jnp
import numpy as np
import math

RATIOS = [0.5, 0.5, 0.5]
RADII = [0.2, 0.3, 0.4]
K = 32
FLOAT_NAMES = ["x", "pos", "norm", "w_in0", "b_in0", "w_in1", "b_in1"]
for _i in range(3):
    FLOAT_NAMES += ["sa%d_w1a" % _i, "sa%d_b1a" % _i, "sa%d_w1b" % _i, "sa%d_b1b" % _i, "sa%d_w2" % _i, "sa%d_b2" % _i]
FLOAT_NAMES += ["w_out0", "b_out0", "w_out1", "b_out1"]


def relu(a):
    return jnp.maximum(a, 0.0)


def fps(pos, n):
    # farthest point sampling, deterministic start at index 0 (eval mode: random_start=False)
    pos = jax.lax.stop_gradient(pos)
    d = jnp.sum((pos - pos[0]) ** 2, axis=1)
    idxs = jnp.zeros((n,), jnp.int32)
    def body(i, st):
        d, idxs = st
        nxt = jnp.argmax(d).astype(jnp.int32)
        idxs = idxs.at[i].set(nxt)
        d = jnp.minimum(d, jnp.sum((pos - pos[nxt]) ** 2, axis=1))
        return (d, idxs)
    _, idxs = jax.lax.fori_loop(1, n, body, (d, idxs))
    return idxs


def radius_nbrs(pos, idx, r):
    # for each query pos[idx], up to K neighbors within radius r, lowest index first (CPU torch_cluster order)
    p = jax.lax.stop_gradient(pos)
    q = p[idx]
    d2 = jnp.sum(q * q, 1)[:, None] + jnp.sum(p * p, 1)[None, :] - 2.0 * (q @ p.T)
    mask = d2 <= r * r
    score = jnp.where(mask, -jnp.arange(p.shape[0], dtype=jnp.float32)[None, :], -jnp.inf)
    top, nbr = jax.lax.top_k(score, K)
    valid = jnp.isfinite(top)
    nbr = jnp.where(valid, nbr, 0)
    return nbr, valid


def get_angle(v1, v2):
    v1, v2 = jnp.broadcast_arrays(v1, v2)
    cr = jnp.cross(v1, v2)
    cn2 = jnp.sum(cr * cr, -1)
    dot = jnp.sum(v1 * v2, -1)
    safe = (cn2 + dot * dot) > 1e-20
    cn = jnp.sqrt(jnp.where(safe, cn2, 1.0))
    return jnp.where(safe, jnp.arctan2(cn, jnp.where(safe, dot, 1.0)), 0.0)


def ppf(pos_i, pos_j, n_i, n_j):
    pseudo = pos_j - pos_i
    dn2 = jnp.sum(pseudo * pseudo, -1)
    safe = dn2 > 1e-20
    dist = jnp.where(safe, jnp.sqrt(jnp.where(safe, dn2, 1.0)), 0.0)
    n_i_b = jnp.broadcast_to(n_i, n_j.shape)
    return jnp.stack([dist, get_angle(n_i_b, pseudo), get_angle(n_j, pseudo), get_angle(n_i_b, n_j)], -1)


def forward(p, batch):
    # lin_in MLP [128,16,16]
    h = relu(relu(p["x"] @ p["w_in0"] + p["b_in0"]) @ p["w_in1"] + p["b_in1"])
    pos, nrm = p["pos"], p["norm"]
    for i in range(3):
        n_s = int(math.ceil(RATIOS[i] * pos.shape[0]))
        idx = fps(pos, n_s)
        nbr, valid = radius_nbrs(pos, idx, RADII[i])
        pos_i = pos[idx][:, None, :]
        pos_j = pos[nbr]
        n_i = nrm[idx][:, None, :]
        n_j = nrm[nbr]
        feats = ppf(pos_i, pos_j, n_i, n_j)
        # PPFConv: local_nn on [x_j, ppf], max aggregation per sampled target, global_nn after
        msg = jnp.concatenate([h[nbr], feats], -1)
        msg = relu(msg @ p["sa%d_w1a" % i] + p["sa%d_b1a" % i])
        msg = relu(msg @ p["sa%d_w1b" % i] + p["sa%d_b1b" % i])
        msg = jnp.where(valid[..., None], msg, -jnp.inf)
        agg = jnp.max(msg, axis=1)
        h = relu(agg @ p["sa%d_w2" % i] + p["sa%d_b2" % i])
        pos, nrm, batch = pos[idx], nrm[idx], batch[idx]
    pooled = jax.ops.segment_max(h, batch, num_segments=1)
    out = relu(pooled @ p["w_out0"] + p["b_out0"]) @ p["w_out1"] + p["b_out1"]
    return out


def setup_inputs(seed: int = 0):
    key = jax.random.key(seed)
    ks = list(jax.random.split(key, 40))
    kit = iter(ks)
    N, nIn, nh, nout, dim = 10000, 128, 16, 10, 20
    inp = {}
    inp["x"] = jax.random.normal(next(kit), (N, nIn), jnp.float32)
    inp["pos"] = jax.random.uniform(next(kit), (N, 3), jnp.float32)
    inp["norm"] = jax.random.normal(next(kit), (N, 3), jnp.float32)
    inp["batch"] = jnp.zeros((N,), jnp.int32)
    def w(kk, shape):
        return 0.1 * jax.random.normal(kk, shape, jnp.float32)
    inp["w_in0"] = w(next(kit), (nIn, nh)); inp["b_in0"] = jnp.zeros((nh,), jnp.float32)
    inp["w_in1"] = w(next(kit), (nh, nh)); inp["b_in1"] = jnp.zeros((nh,), jnp.float32)
    for i in range(3):
        inp["sa%d_w1a" % i] = w(next(kit), (dim, dim)); inp["sa%d_b1a" % i] = jnp.zeros((dim,), jnp.float32)
        inp["sa%d_w1b" % i] = w(next(kit), (dim, dim)); inp["sa%d_b1b" % i] = jnp.zeros((dim,), jnp.float32)
        inp["sa%d_w2" % i] = w(next(kit), (dim, nh)); inp["sa%d_b2" % i] = jnp.zeros((nh,), jnp.float32)
    inp["w_out0"] = w(next(kit), (nh, nh)); inp["b_out0"] = jnp.zeros((nh,), jnp.float32)
    inp["w_out1"] = w(next(kit), (nh, nout)); inp["b_out1"] = jnp.zeros((nout,), jnp.float32)
    return inp


def reference(x, pos, norm, batch, w_in0, b_in0, w_in1, b_in1,
              sa0_w1a, sa0_b1a, sa0_w1b, sa0_b1b, sa0_w2, sa0_b2,
              sa1_w1a, sa1_b1a, sa1_w1b, sa1_b1b, sa1_w2, sa1_b2,
              sa2_w1a, sa2_b1a, sa2_w1b, sa2_b1b, sa2_w2, sa2_b2,
              w_out0, b_out0, w_out1, b_out1):
    inp = dict(locals())
    batch = inp.pop("batch")
    params = {k: v for k, v in inp.items()}
    return forward(params, batch)

if __name__ == "__main__":
    import jax
    _d = setup_inputs()
    print(jax.jit(kernel)(*tuple(_d.values())))

</pallas_src>

<mosaic_0001>
module attributes {stable_mosaic.version = 14 : i64} {
  func.func @_fps_kernel(%arg0: memref<24x1250xf32, #tpu.memory_space<vmem>>, %arg1: memref<10000x3xf32, #tpu.memory_space<vmem>>, %arg2: memref<5000x1xi32, #tpu.memory_space<vmem>>) attributes {dimension_semantics = [], scalar_prefetch = 0 : i64, scratch_operands = 0 : i64, tpu.core_type = #tpu.core_type<tc>} {
    %get3A = arith.constant 0 : index
    %get3A_0 = arith.constant 0 : index
    %get3A_1 = vector.load %arg0[%get3A, %get3A_0] : memref<24x1250xf32, #tpu.memory_space<vmem>>, vector<24x1250xf32>
    %slice3A = vector.extract_strided_slice %get3A_1 {offsets = [0, 0], sizes = [8, 1250], strides = [1, 1]} : vector<24x1250xf32> to vector<8x1250xf32>
    %slice3A_2 = vector.extract_strided_slice %get3A_1 {offsets = [8, 0], sizes = [8, 1250], strides = [1, 1]} : vector<24x1250xf32> to vector<8x1250xf32>
    %slice3A_3 = vector.extract_strided_slice %get3A_1 {offsets = [16, 0], sizes = [8, 1250], strides = [1, 1]} : vector<24x1250xf32> to vector<8x1250xf32>
    %iota3A = tpu.iota {dimensions = array<i32: 0>} : vector<8x1250xi32>
    %mul3A = arith.constant 1250 : i32
    %mul3A_4 = vector.broadcast %mul3A : i32 to vector<8x1250xi32>
    %mul3A_5 = arith.muli %iota3A, %mul3A_4 : vector<8x1250xi32>
    %iota3A_6 = tpu.iota {dimensions = array<i32: 1>} : vector<8x1250xi32>
    %add3A = arith.addi %mul3A_5, %iota3A_6 : vector<8x1250xi32>
    %slice3A_7 = vector.extract_strided_slice %slice3A {offsets = [0, 0], sizes = [1, 1], strides = [1, 1]} : vector<8x1250xf32> to vector<1x1xf32>
    %slice3A_8 = vector.extract_strided_slice %slice3A_2 {offsets = [0, 0], sizes = [1, 1], strides = [1, 1]} : vector<8x1250xf32> to vector<1x1xf32>
    %slice3A_9 = vector.extract_strided_slice %slice3A_3 {offsets = [0, 0], sizes = [1, 1], strides = [1, 1]} : vector<8x1250xf32> to vector<1x1xf32>
    %sub3A = vector.broadcast %slice3A_7 : vector<1x1xf32> to vector<8x1250xf32>
    %sub3A_10 = arith.subf %slice3A, %sub3A : vector<8x1250xf32>
    %integer_pow3A = arith.mulf %sub3A_10, %sub3A_10 : vector<8x1250xf32>
    %add3A_11 = arith.constant 0.000000e+00 : f32
    %add3A_12 = vector.broadcast %add3A_11 : f32 to vector<8x1250xf32>
    %add3A_13 = arith.addf %add3A_12, %integer_pow3A : vector<8x1250xf32>
    %sub3A_14 = vector.broadcast %slice3A_8 : vector<1x1xf32> to vector<8x1250xf32>
    %sub3A_15 = arith.subf %slice3A_2, %sub3A_14 : vector<8x1250xf32>
    %integer_pow3A_16 = arith.mulf %sub3A_15, %sub3A_15 : vector<8x1250xf32>
    %add3A_17 = arith.addf %add3A_13, %integer_pow3A_16 : vector<8x1250xf32>
    %sub3A_18 = vector.broadcast %slice3A_9 : vector<1x1xf32> to vector<8x1250xf32>
    %sub3A_19 = arith.subf %slice3A_3, %sub3A_18 : vector<8x1250xf32>
    %integer_pow3A_20 = arith.mulf %sub3A_19, %sub3A_19 : vector<8x1250xf32>
    %add3A_21 = arith.addf %add3A_17, %integer_pow3A_20 : vector<8x1250xf32>
    %broadcast_in_dim3A = arith.constant 0 : i32
    %broadcast_in_dim3A_22 = vector.broadcast %broadcast_in_dim3A : i32 to vector<1x1xi32>
    %swap3A = arith.constant 0 : index
    %swap3A_23 = arith.constant 0 : index
    %swap3A_24 = vector.load %arg2[%swap3A, %swap3A_23] : memref<5000x1xi32, #tpu.memory_space<vmem>>, vector<1x1xi32>
    tpu.vector_store %arg2[%swap3A, %swap3A_23], %broadcast_in_dim3A_22 {strides = array<i32>} : memref<5000x1xi32, #tpu.memory_space<vmem>>, vector<1x1xi32>,
    %scan3A = arith.constant 1 : i32
    %scan3A_25 = arith.constant 4999 : i32
    %scan3A_26 = arith.addi %scan3A, %scan3A_25 : i32
    %scan3A_27 = arith.constant 1 : i32
    %scan3A_28 = scf.for %scan3A_30 = %scan3A to %scan3A_26 step %scan3A_27 iter_args(%scan3A_31 = %add3A_21) -> (vector<8x1250xf32>)  : i32 {
      %reduce_max3A = vector.shape_cast %scan3A_31 : vector<8x1250xf32> to vector<1x8x1250xf32>
      %reduce_max3A_32 = arith.constant dense<0xFF800000> : vector<1xf32>
      %reduce_max3A_33 = vector.multi_reduction <maximumf>, %reduce_max3A, %reduce_max3A_32 [1, 2] : vector<1x8x1250xf32> to vector<1xf32>
      %reduce_max3A_34 = vector.shape_cast %reduce_max3A_33 : vector<1xf32> to vector<1x1x1xf32>
      %reduce_max3A_35 = vector.extract %reduce_max3A_34[0, 0, 0] : f32 from vector<1x1x1xf32>
      %eq3A = vector.broadcast %reduce_max3A_35 : f32 to vector<8x1250xf32>
      %eq3A_36 = arith.cmpf oeq, %scan3A_31, %eq3A : vector<8x1250xf32>
      %jit3A = arith.constant 10000 : i32
      %broadcast_in_dim3A_37 = vector.broadcast %jit3A : i32 to vector<8x1250xi32>
      %select_n3A = arith.select %eq3A_36, %add3A, %broadcast_in_dim3A_37 : vector<8x1250xi1>, vector<8x1250xi32>
      %reduce_min3A = vector.shape_cast %select_n3A : vector<8x1250xi32> to vector<1x8x1250xi32>
      %reduce_min3A_38 = arith.constant dense<2147483647> : vector<1xi32>
      %reduce_min3A_39 = vector.multi_reduction <minsi>, %reduce_min3A, %reduce_min3A_38 [1, 2] : vector<1x8x1250xi32> to vector<1xi32>
      %reduce_min3A_40 = vector.shape_cast %reduce_min3A_39 : vector<1xi32> to vector<1x1x1xi32>
      %reduce_min3A_41 = vector.extract %reduce_min3A_40[0, 0, 0] : i32 from vector<1x1x1xi32>
      %broadcast_in_dim3A_42 = vector.broadcast %reduce_min3A_41 : i32 to vector<1x1xi32>
      %swap3A_43 = arith.index_cast %scan3A_30 : i32 to index
      %swap3A_44 = arith.constant 0 : index
      %swap3A_45 = vector.load %arg2[%swap3A_43, %swap3A_44] : memref<5000x1xi32, #tpu.memory_space<vmem>>, vector<1x1xi32>
      tpu.vector_store %arg2[%swap3A_43, %swap3A_44], %broadcast_in_dim3A_42 {strides = array<i32>} : memref<5000x1xi32, #tpu.memory_space<vmem>>, vector<1x1xi32>,
      %get3A_46 = arith.index_cast %reduce_min3A_41 : i32 to index
      %get3A_47 = arith.constant 0 : index
      %get3A_48 = vector.load %arg1[%get3A_46, %get3A_47] : memref<10000x3xf32, #tpu.memory_space<vmem>>, vector<1x3xf32>
      %slice3A_49 = vector.extract_strided_slice %get3A_48 {offsets = [0, 0], sizes = [1, 1], strides = [1, 1]} : vector<1x3xf32> to vector<1x1xf32>
      %sub3A_50 = vector.broadcast %slice3A_49 : vector<1x1xf32> to vector<8x1250xf32>
      %sub3A_51 = arith.subf %slice3A, %sub3A_50 : vector<8x1250xf32>
      %integer_pow3A_52 = arith.mulf %sub3A_51, %sub3A_51 : vector<8x1250xf32>
      %add3A_53 = arith.constant 0.000000e+00 : f32
      %add3A_54 = vector.broadcast %add3A_53 : f32 to vector<8x1250xf32>
      %add3A_55 = arith.addf %add3A_54, %integer_pow3A_52 : vector<8x1250xf32>
      %slice3A_56 = vector.extract_strided_slice %get3A_48 {offsets = [0, 1], sizes = [1, 1], strides = [1, 1]} : vector<1x3xf32> to vector<1x1xf32>
      %sub3A_57 = vector.broadcast %slice3A_56 : vector<1x1xf32> to vector<8x1250xf32>
      %sub3A_58 = arith.subf %slice3A_2, %sub3A_57 : vector<8x1250xf32>
      %integer_pow3A_59 = arith.mulf %sub3A_58, %sub3A_58 : vector<8x1250xf32>
      %add3A_60 = arith.addf %add3A_55, %integer_pow3A_59 : vector<8x1250xf32>
      %slice3A_61 = vector.extract_strided_slice %get3A_48 {offsets = [0, 2], sizes = [1, 1], strides = [1, 1]} : vector<1x3xf32> to vector<1x1xf32>
      %sub3A_62 = vector.broadcast %slice3A_61 : vector<1x1xf32> to vector<8x1250xf32>
      %sub3A_63 = arith.subf %slice3A_3, %sub3A_62 : vector<8x1250xf32>
      %integer_pow3A_64 = arith.mulf %sub3A_63, %sub3A_63 : vector<8x1250xf32>
      %add3A_65 = arith.addf %add3A_60, %integer_pow3A_64 : vector<8x1250xf32>
      %min3A = arith.minimumf %scan3A_31, %add3A_65 : vector<8x1250xf32>
      scf.yield %min3A : vector<8x1250xf32>
    }
    %scan3A_29 = arith.constant 4999 : i32
    return
  }
}

module attributes {stable_mosaic.version = 14 : i64} {
  func.func @_lin_in_kernel(%arg0: i32, %arg1: memref<1000x128xf32, #tpu.memory_space<vmem>>, %arg2: memref<128x16xf32, #tpu.memory_space<vmem>>, %arg3: memref<1x16xf32, #tpu.memory_space<vmem>>, %arg4: memref<16x16xf32, #tpu.memory_space<vmem>>, %arg5: memref<1x16xf32, #tpu.memory_space<vmem>>, %arg6: memref<1000x16xf32, #tpu.memory_space<vmem>>) attributes {dimension_semantics = [#tpu.dimension_semantics<arbitrary>], iteration_bounds = array<i64: 10>, scalar_prefetch = 0 : i64, scratch_operands = 0 : i64, tpu.core_type = #tpu.core_type<tc>, window_params = [{transform_indices = @transform_0, window_bounds = array<i64: 1000, 128>}, {pipeline_mode = #tpu.pipeline_mode<synchronous>, transform_indices = @transform_1, window_bounds = array<i64: 128, 16>}, {pipeline_mode = #tpu.pipeline_mode<synchronous>, transform_indices = @transform_2, window_bounds = array<i64: 1, 16>}, {pipeline_mode = #tpu.pipeline_mode<synchronous>, transform_indices = @transform_3, window_bounds = array<i64: 16, 16>}, {pipeline_mode = #tpu.pipeline_mode<synchronous>, transform_indices = @transform_4, window_bounds = array<i64: 1, 16>}, {transform_indices = @transform_5, window_bounds = array<i64: 1000, 16>}]} {
    %get3A = arith.constant 0 : index
    %get3A_0 = arith.constant 0 : index
    %get3A_1 = vector.load %arg1[%get3A, %get3A_0] : memref<1000x128xf32, #tpu.memory_space<vmem>>, vector<1000x128xf32>
    %get3A_2 = arith.constant 0 : index
    %get3A_3 = arith.constant 0 : index
    %get3A_4 = vector.load %arg2[%get3A_2, %get3A_3] : memref<128x16xf32, #tpu.memory_space<vmem>>, vector<128x16xf32>
    %dot_general3A = arith.constant dense<0.000000e+00> : vector<1000x16xf32>
    %dot_general3A_5 = tpu.matmul %get3A_1, %get3A_4, %dot_general3A {dimension_numbers = #tpu.dot_dimension_numbers<[1], [0], [0], [1], [0, 0, 1, 1], [], []>, transpose_lhs_hint = false} : vector<1000x128xf32>, vector<128x16xf32>, vector<1000x16xf32> -> vector<1000x16xf32>
    %get3A_6 = arith.constant 0 : index
    %get3A_7 = arith.constant 0 : index
    %get3A_8 = vector.load %arg3[%get3A_6, %get3A_7] : memref<1x16xf32, #tpu.memory_space<vmem>>, vector<1x16xf32>
    %add3A = vector.broadcast %get3A_8 : vector<1x16xf32> to vector<1000x16xf32>
    %add3A_9 = arith.addf %dot_general3A_5, %add3A : vector<1000x16xf32>
    %max3A = arith.constant 0.000000e+00 : f32
    %max3A_10 = vector.broadcast %max3A : f32 to vector<1000x16xf32>
    %max3A_11 = arith.maximumf %add3A_9, %max3A_10 : vector<1000x16xf32>
    %get3A_12 = arith.constant 0 : index
    %get3A_13 = arith.constant 0 : index
    %get3A_14 = vector.load %arg4[%get3A_12, %get3A_13] : memref<16x16xf32, #tpu.memory_space<vmem>>, vector<16x16xf32>
    %dot_general3A_15 = arith.constant dense<0.000000e+00> : vector<1000x16xf32>
    %dot_general3A_16 = tpu.matmul %max3A_11, %get3A_14, %dot_general3A_15 {dimension_numbers = #tpu.dot_dimension_numbers<[1], [0], [0], [1], [0, 0, 1, 1], [], []>, transpose_lhs_hint = false} : vector<1000x16xf32>, vector<16x16xf32>, vector<1000x16xf32> -> vector<1000x16xf32>
    %get3A_17 = arith.constant 0 : index
    %get3A_18 = arith.constant 0 : index
    %get3A_19 = vector.load %arg5[%get3A_17, %get3A_18] : memref<1x16xf32, #tpu.memory_space<vmem>>, vector<1x16xf32>
    %add3A_20 = vector.broadcast %get3A_19 : vector<1x16xf32> to vector<1000x16xf32>
    %add3A_21 = arith.addf %dot_general3A_16, %add3A_20 : vector<1000x16xf32>
    %max3A_22 = arith.constant 0.000000e+00 : f32
    %max3A_23 = vector.broadcast %max3A_22 : f32 to vector<1000x16xf32>
    %max3A_24 = arith.maximumf %add3A_21, %max3A_23 : vector<1000x16xf32>
    %swap3A = arith.constant 0 : index
    %swap3A_25 = arith.constant 0 : index
    %swap3A_26 = vector.load %arg6[%swap3A, %swap3A_25] : memref<1000x16xf32, #tpu.memory_space<vmem>>, vector<1000x16xf32>
    tpu.vector_store %arg6[%swap3A, %swap3A_25], %max3A_24 {strides = array<i32>} : memref<1000x16xf32, #tpu.memory_space<vmem>>, vector<1000x16xf32>,
    return
  }
  func.func @transform_0(%arg0: i32) -> (i32, i32) {
    %c0_i32 = arith.constant 0 : i32
    %c0_i32_0 = arith.constant 0 : i32
    return %arg0, %c0_i32 : i32, i32
  }
  func.func @transform_1(%arg0: i32) -> (i32, i32) {
    %c0_i32 = arith.constant 0 : i32
    %c0_i32_0 = arith.constant 0 : i32
    %c0_i32_1 = arith.constant 0 : i32
    return %c0_i32, %c0_i32_0 : i32, i32
  }
  func.func @transform_2(%arg0: i32) -> (i32, i32) {
    %c0_i32 = arith.constant 0 : i32
    %c0_i32_0 = arith.constant 0 : i32
    %c0_i32_1 = arith.constant 0 : i32
    return %c0_i32, %c0_i32_0 : i32, i32
  }
  func.func @transform_3(%arg0: i32) -> (i32, i32) {
    %c0_i32 = arith.constant 0 : i32
    %c0_i32_0 = arith.constant 0 : i32
    %c0_i32_1 = arith.constant 0 : i32
    return %c0_i32, %c0_i32_0 : i32, i32
  }
  func.func @transform_4(%arg0: i32) -> (i32, i32) {
    %c0_i32 = arith.constant 0 : i32
    %c0_i32_0 = arith.constant 0 : i32
    %c0_i32_1 = arith.constant 0 : i32
    return %c0_i32, %c0_i32_0 : i32, i32
  }
  func.func @transform_5(%arg0: i32) -> (i32, i32) {
    %c0_i32 = arith.constant 0 : i32
    %c0_i32_0 = arith.constant 0 : i32
    return %arg0, %c0_i32 : i32, i32
  }
}

module attributes {stable_mosaic.version = 14 : i64} {
  func.func @_radius_kernel(%arg0: i32, %arg1: i32, %arg2: memref<128x3xf32, #tpu.memory_space<vmem>>, %arg3: memref<3x512xf32, #tpu.memory_space<vmem>>, %arg4: memref<512x512xf32, #tpu.memory_space<vmem>>, %arg5: memref<128x32xi32, #tpu.memory_space<vmem>>, %arg6: memref<128x1xf32, #tpu.memory_space<vmem>>, %arg7: memref<128x32xf32, #tpu.memory_space<vmem>>, %arg8: memref<1xi32, #tpu.memory_space<smem>>) attributes {dimension_semantics = [#tpu.dimension_semantics<arbitrary>, #tpu.dimension_semantics<arbitrary>], iteration_bounds = array<i64: 40, 20>, scalar_prefetch = 0 : i64, scratch_operands = 3 : i64, tpu.core_type = #tpu.core_type<tc>, window_params = [{transform_indices = @transform_0, window_bounds = array<i64: 128, 3>}, {transform_indices = @transform_1, window_bounds = array<i64: 3, 512>}, {pipeline_mode = #tpu.pipeline_mode<synchronous>, transform_indices = @transform_2, window_bounds = array<i64: 512, 512>}, {transform_indices = @transform_3, window_bounds = array<i64: 128, 32>}]} {
    %eq3A = arith.constant 0 : i32
    %eq3A_0 = arith.cmpi eq, %arg1, %eq3A : i32
    %convert_element_type3A = arith.extui %eq3A_0 : i1 to i32
    %cond3A = arith.constant 0 : i32
    %cond3A_1 = arith.cmpi ne, %convert_element_type3A, %cond3A : i32
    scf.if %cond3A_1 {
      %broadcast_in_dim3A = arith.constant 0.000000e+00 : f32
      %broadcast_in_dim3A_13 = vector.broadcast %broadcast_in_dim3A : f32 to vector<128x1xf32>
      %swap3A = arith.constant 0 : index
      %swap3A_14 = arith.constant 0 : index
      %swap3A_15 = vector.load %arg6[%swap3A, %swap3A_14] : memref<128x1xf32, #tpu.memory_space<vmem>>, vector<128x1xf32>
      tpu.vector_store %arg6[%swap3A, %swap3A_14], %broadcast_in_dim3A_13 {strides = array<i32>} : memref<128x1xf32, #tpu.memory_space<vmem>>, vector<128x1xf32>,
      %broadcast_in_dim3A_16 = arith.constant 0.000000e+00 : f32
      %broadcast_in_dim3A_17 = vector.broadcast %broadcast_in_dim3A_16 : f32 to vector<128x32xf32>
      %swap3A_18 = arith.constant 0 : index
      %swap3A_19 = arith.constant 0 : index
      %swap3A_20 = vector.load %arg7[%swap3A_18, %swap3A_19] : memref<128x32xf32, #tpu.memory_space<vmem>>, vector<128x32xf32>
      tpu.vector_store %arg7[%swap3A_18, %swap3A_19], %broadcast_in_dim3A_17 {strides = array<i32>} : memref<128x32xf32, #tpu.memory_space<vmem>>, vector<128x32xf32>,
      %swap3A_21 = arith.constant 0 : i32
      %swap3A_22 = arith.constant 0 : index
      %swap3A_23 = memref.load %arg8[%swap3A_22] : memref<1xi32, #tpu.memory_space<smem>>
      memref.store %swap3A_21, %arg8[%swap3A_22] : memref<1xi32, #tpu.memory_space<smem>>
    } else {
    }
    %get3A = arith.constant 0 : index
    %get3A_2 = memref.load %arg8[%get3A] : memref<1xi32, #tpu.memory_space<smem>>
    %eq3A_3 = arith.constant 0 : i32
    %eq3A_4 = arith.cmpi eq, %get3A_2, %eq3A_3 : i32
    %convert_element_type3A_5 = arith.extui %eq3A_4 : i1 to i32
    %cond3A_6 = arith.constant 0 : i32
    %cond3A_7 = arith.cmpi ne, %convert_element_type3A_5, %cond3A_6 : i32
    scf.if %cond3A_7 {
      %get3A_13 = arith.constant 0 : index
      %get3A_14 = arith.constant 0 : index
      %get3A_15 = vector.load %arg2[%get3A_13, %get3A_14] : memref<128x3xf32, #tpu.memory_space<vmem>>, vector<128x3xf32>
      %get3A_16 = arith.constant 0 : index
      %get3A_17 = arith.constant 0 : index
      %get3A_18 = vector.load %arg3[%get3A_16, %get3A_17] : memref<3x512xf32, #tpu.memory_space<vmem>>, vector<3x512xf32>
      %mul3A = arith.mulf %get3A_15, %get3A_15 : vector<128x3xf32>
      %reduce_sum3A = arith.constant dense<0.000000e+00> : vector<128xf32>
      %reduce_sum3A_19 = vector.multi_reduction <add>, %mul3A, %reduce_sum3A [1] : vector<128x3xf32> to vector<128xf32>
      %broadcast_in_dim3A = vector.shape_cast %reduce_sum3A_19 : vector<128xf32> to vector<128x1xf32>
      %mul3A_20 = arith.mulf %get3A_18, %get3A_18 : vector<3x512xf32>
      %reduce_sum3A_21 = arith.constant dense<0.000000e+00> : vector<512xf32>
      %reduce_sum3A_22 = vector.multi_reduction <add>, %mul3A_20, %reduce_sum3A_21 [0] : vector<3x512xf32> to vector<512xf32>
      %broadcast_in_dim3A_23 = vector.shape_cast %reduce_sum3A_22 : vector<512xf32> to vector<1x512xf32>
      %dot_general3A = arith.constant dense<0.000000e+00> : vector<128x512xf32>
      %dot_general3A_24 = tpu.matmul %get3A_15, %get3A_18, %dot_general3A {dimension_numbers = #tpu.dot_dimension_numbers<[1], [0], [0], [1], [0, 0, 1, 1], [], []>, transpose_lhs_hint = false} : vector<128x3xf32>, vector<3x512xf32>, vector<128x512xf32> -> vector<128x512xf32>
      %add3A = vector.broadcast %broadcast_in_dim3A : vector<128x1xf32> to vector<128x512xf32>
      %add3A_25 = vector.broadcast %broadcast_in_dim3A_23 : vector<1x512xf32> to vector<128x512xf32>
      %add3A_26 = arith.addf %add3A, %add3A_25 : vector<128x512xf32>
      %mul3A_27 = arith.constant 2.000000e+00 : f32
      %mul3A_28 = vector.broadcast %mul3A_27 : f32 to vector<128x512xf32>
      %mul3A_29 = arith.mulf %mul3A_28, %dot_general3A_24 : vector<128x512xf32>
      %sub3A = arith.subf %add3A_26, %mul3A_29 : vector<128x512xf32>
      %le3A = arith.constant 4.000000e-02 : f32
      %le3A_30 = vector.broadcast %le3A : f32 to vector<128x512xf32>
      %le3A_31 = arith.cmpf ole, %sub3A, %le3A_30 : vector<128x512xf32>
      %convert_element_type3A_32 = arith.extui %le3A_31 : vector<128x512xi1> to vector<128x512xi32>
      %convert_element_type3A_33 = arith.sitofp %convert_element_type3A_32 : vector<128x512xi32> to vector<128x512xf32>
      %get3A_34 = arith.constant 0 : index
      %get3A_35 = arith.constant 0 : index
      %get3A_36 = vector.load %arg4[%get3A_34, %get3A_35] : memref<512x512xf32, #tpu.memory_space<vmem>>, vector<512x512xf32>
      %dot_general3A_37 = arith.constant dense<0.000000e+00> : vector<128x512xf32>
      %dot_general3A_38 = tpu.matmul %convert_element_type3A_33, %get3A_36, %dot_general3A_37 {dimension_numbers = #tpu.dot_dimension_numbers<[1], [0], [0], [1], [0, 0, 1, 1], [], []>, transpose_lhs_hint = false} : vector<128x512xf32>, vector<512x512xf32>, vector<128x512xf32> -> vector<128x512xf32>
      %get3A_39 = arith.constant 0 : index
      %get3A_40 = arith.constant 0 : index
      %get3A_41 = vector.load %arg6[%get3A_39, %get3A_40] : memref<128x1xf32, #tpu.memory_space<vmem>>, vector<128x1xf32>
      %add3A_42 = vector.broadcast %get3A_41 : vector<128x1xf32> to vector<128x512xf32>
      %add3A_43 = arith.addf %add3A_42, %dot_general3A_38 : vector<128x512xf32>
      %sub3A_44 = arith.constant 1.000000e+00 : f32
      %sub3A_45 = vector.broadcast %sub3A_44 : f32 to vector<128x512xf32>
      %sub3A_46 = arith.subf %add3A_43, %sub3A_45 : vector<128x512xf32>
      %gt3A = arith.constant 0.000000e+00 : f32
      %gt3A_47 = vector.broadcast %gt3A : f32 to vector<128x512xf32>
      %gt3A_48 = arith.cmpf ogt, %convert_element_type3A_33, %gt3A_47 : vector<128x512xf32>
      %lt3A = arith.constant 3.200000e+01 : f32
      %lt3A_49 = vector.broadcast %lt3A : f32 to vector<128x512xf32>
      %lt3A_50 = arith.cmpf olt, %sub3A_46, %lt3A_49 : vector<128x512xf32>
      %and3A = arith.andi %gt3A_48, %lt3A_50 : vector<128x512xi1>
      %mul3A_51 = arith.constant 512 : i32
      %mul3A_52 = arith.muli %arg1, %mul3A_51 : i32
      %iota3A = tpu.iota {dimensions = array<i32: 1>} : vector<1x512xi32>
      %add3A_53 = vector.broadcast %mul3A_52 : i32 to vector<1x512xi32>
      %add3A_54 = arith.addi %add3A_53, %iota3A : vector<1x512xi32>
      %convert_element_type3A_55 = arith.sitofp %add3A_54 : vector<1x512xi32> to vector<1x512xf32>
      %broadcast_in_dim3A_56 = vector.shape_cast %convert_element_type3A_55 : vector<1x512xf32> to vector<1x512xf32>
      %broadcast_in_dim3A_57 = vector.broadcast %broadcast_in_dim3A_56 : vector<1x512xf32> to vector<128x512xf32>
      %eq3A_58 = arith.constant 0.000000e+00 : f32
      %eq3A_59 = vector.broadcast %eq3A_58 : f32 to vector<128x512xf32>
      %eq3A_60 = arith.cmpf oeq, %sub3A_46, %eq3A_59 : vector<128x512xf32>
      %and3A_61 = arith.andi %and3A, %eq3A_60 : vector<128x512xi1>
      %jit3A = arith.constant 0.000000e+00 : f32
      %broadcast_in_dim3A_62 = vector.broadcast %jit3A : f32 to vector<128x512xf32>
      %select_n3A = arith.select %and3A_61, %broadcast_in_dim3A_57, %broadcast_in_dim3A_62 : vector<128x512xi1>, vector<128x512xf32>
      %reduce_sum3A_63 = arith.constant dense<0.000000e+00> : vector<128xf32>
      %reduce_sum3A_64 = vector.multi_reduction <add>, %select_n3A, %reduce_sum3A_63 [1] : vector<128x512xf32> to vector<128xf32>
      %broadcast_in_dim3A_65 = vector.shape_cast %reduce_sum3A_64 : vector<128xf32> to vector<128x1xf32>
      %eq3A_66 = arith.constant 1.000000e+00 : f32
      %eq3A_67 = vector.broadcast %eq3A_66 : f32 to vector<128x512xf32>
      %eq3A_68 = arith.cmpf oeq, %sub3A_46, %eq3A_67 : vector<128x512xf32>
      %and3A_69 = arith.andi %and3A, %eq3A_68 : vector<128x512xi1>
      %jit3A_70 = arith.constant 0.000000e+00 : f32
      %broadcast_in_dim3A_71 = vector.broadcast %jit3A_70 : f32 to vector<128x512xf32>
      %select_n3A_72 = arith.select %and3A_69, %broadcast_in_dim3A_57, %broadcast_in_dim3A_71 : vector<128x512xi1>, vector<128x512xf32>
      %reduce_sum3A_73 = arith.constant dense<0.000000e+00> : vector<128xf32>
      %reduce_sum3A_74 = vector.multi_reduction <add>, %select_n3A_72, %reduce_sum3A_73 [1] : vector<128x512xf32> to vector<128xf32>
      %broadcast_in_dim3A_75 = vector.shape_cast %reduce_sum3A_74 : vector<128xf32> to vector<128x1xf32>
      %eq3A_76 = arith.constant 2.000000e+00 : f32
      %eq3A_77 = vector.broadcast %eq3A_76 : f32 to vector<128x512xf32>
      %eq3A_78 = arith.cmpf oeq, %sub3A_46, %eq3A_77 : vector<128x512xf32>
      %and3A_79 = arith.andi %and3A, %eq3A_78 : vector<128x512xi1>
      %jit3A_80 = arith.constant 0.000000e+00 : f32
      %broadcast_in_dim3A_81 = vector.broadcast %jit3A_80 : f32 to vector<128x512xf32>
      %select_n3A_82 = arith.select %and3A_79, %broadcast_in_dim3A_57, %broadcast_in_dim3A_81 : vector<128x512xi1>, vector<128x512xf32>
      %reduce_sum3A_83 = arith.constant dense<0.000000e+00> : vector<128xf32>
      %reduce_sum3A_84 = vector.multi_reduction <add>, %select_n3A_82, %reduce_sum3A_83 [1] : vector<128x512xf32> to vector<128xf32>
      %broadcast_in_dim3A_85 = vector.shape_cast %reduce_sum3A_84 : vector<128xf32> to vector<128x1xf32>
      %eq3A_86 = arith.constant 3.000000e+00 : f32
      %eq3A_87 = vector.broadcast %eq3A_86 : f32 to vector<128x512xf32>
      %eq3A_88 = arith.cmpf oeq, %sub3A_46, %eq3A_87 : vector<128x512xf32>
      %and3A_89 = arith.andi %and3A, %eq3A_88 : vector<128x512xi1>
      %jit3A_90 = arith.constant 0.000000e+00 : f32
      %broadcast_in_dim3A_91 = vector.broadcast %jit3A_90 : f32 to vector<128x512xf32>
      %select_n3A_92 = arith.select %and3A_89, %broadcast_in_dim3A_57, %broadcast_in_dim3A_91 : vector<128x512xi1>, vector<128x512xf32>
      %reduce_sum3A_93 = arith.constant dense<0.000000e+00> : vector<128xf32>
      %reduce_sum3A_94 = vector.multi_reduction <add>, %select_n3A_92, %reduce_sum3A_93 [1] : vector<128x512xf32> to vector<128xf32>
      %broadcast_in_dim3A_95 = vector.shape_cast %reduce_sum3A_94 : vector<128xf32> to vector<128x1xf32>
      %eq3A_96 = arith.constant 4.000000e+00 : f32
      %eq3A_97 = vector.broadcast %eq3A_96 : f32 to vector<128x512xf32>
      %eq3A_98 = arith.cmpf oeq, %sub3A_46, %eq3A_97 : vector<128x512xf32>
      %and3A_99 = arith.andi %and3A, %eq3A_98 : vector<128x512xi1>
      %jit3A_100 = arith.constant 0.000000e+00 : f32
      %broadcast_in_dim3A_101 = vector.broadcast %jit3A_100 : f32 to vector<128x512xf32>
      %select_n3A_102 = arith.select %and3A_99, %broadcast_in_dim3A_57, %broadcast_in_dim3A_101 : vector<128x512xi1>, vector<128x512xf32>
      %reduce_sum3A_103 = arith.constant dense<0.000000e+00> : vector<128xf32>
      %reduce_sum3A_104 = vector.multi_reduction <add>, %select_n3A_102, %reduce_sum3A_103 [1] : vector<128x512xf32> to vector<128xf32>
      %broadcast_in_dim3A_105 = vector.shape_cast %reduce_sum3A_104 : vector<128xf32> to vector<128x1xf32>
      %eq3A_106 = arith.constant 5.000000e+00 : f32
      %eq3A_107 = vector.broadcast %eq3A_106 : f32 to vector<128x512xf32>
      %eq3A_108 = arith.cmpf oeq, %sub3A_46, %eq3A_107 : vector<128x512xf32>
      %and3A_109 = arith.andi %and3A, %eq3A_108 : vector<128x512xi1>
      %jit3A_110 = arith.constant 0.000000e+00 : f32
      %broadcast_in_dim3A_111 = vector.broadcast %jit3A_110 : f32 to vector<128x512xf32>
      %select_n3A_112 = arith.select %and3A_109, %broadcast_in_dim3A_57, %broadcast_in_dim3A_111 : vector<128x512xi1>, vector<128x512xf32>
      %reduce_sum3A_113 = arith.constant dense<0.000000e+00> : vector<128xf32>
      %reduce_sum3A_114 = vector.multi_reduction <add>, %select_n3A_112, %reduce_sum3A_113 [1] : vector<128x512xf32> to vector<128xf32>
      %broadcast_in_dim3A_115 = vector.shape_cast %reduce_sum3A_114 : vector<128xf32> to vector<128x1xf32>
      %eq3A_116 = arith.constant 6.000000e+00 : f32
      %eq3A_117 = vector.broadcast %eq3A_116 : f32 to vector<128x512xf32>
      %eq3A_118 = arith.cmpf oeq, %sub3A_46, %eq3A_117 : vector<128x512xf32>
      %and3A_119 = arith.andi %and3A, %eq3A_118 : vector<128x512xi1>
      %jit3A_120 = arith.constant 0.000000e+00 : f32
      %broadcast_in_dim3A_121 = vector.broadcast %jit3A_120 : f32 to vector<128x512xf32>
      %select_n3A_122 = arith.select %and3A_119, %broadcast_in_dim3A_57, %broadcast_in_dim3A_121 : vector<128x512xi1>, vector<128x512xf32>
      %reduce_sum3A_123 = arith.constant dense<0.000000e+00> : vector<128xf32>
      %reduce_sum3A_124 = vector.multi_reduction <add>, %select_n3A_122, %reduce_sum3A_123 [1] : vector<128x512xf32> to vector<128xf32>
      %broadcast_in_dim3A_125 = vector.shape_cast %reduce_sum3A_124 : vector<128xf32> to vector<128x1xf32>
      %eq3A_126 = arith.constant 7.000000e+00 : f32
      %eq3A_127 = vector.broadcast %eq3A_126 : f32 to vector<128x512xf32>
      %eq3A_128 = arith.cmpf oeq, %sub3A_46, %eq3A_127 : vector<128x512xf32>
      %and3A_129 = arith.andi %and3A, %eq3A_128 : vector<128x512xi1>
      %jit3A_130 = arith.constant 0.000000e+00 : f32
      %broadcast_in_dim3A_131 = vector.broadcast %jit3A_130 : f32 to vector<128x512xf32>
      %select_n3A_132 = arith.select %and3A_129, %broadcast_in_dim3A_57, %broadcast_in_dim3A_131 : vector<128x512xi1>, vector<128x512xf32>
      %reduce_sum3A_133 = arith.constant dense<0.000000e+00> : vector<128xf32>
      %reduce_sum3A_134 = vector.multi_reduction <add>, %select_n3A_132, %reduce_sum3A_133 [1] : vector<128x512xf32> to vector<128xf32>
      %broadcast_in_dim3A_135 = vector.shape_cast %reduce_sum3A_134 : vector<128xf32> to vector<128x1xf32>
      %eq3A_136 = arith.constant 8.000000e+00 : f32
      %eq3A_137 = vector.broadcast %eq3A_136 : f32 to vector<128x512xf32>
      %eq3A_138 = arith.cmpf oeq, %sub3A_46, %eq3A_137 : vector<128x512xf32>
      %and3A_139 = arith.andi %and3A, %eq3A_138 : vector<128x512xi1>
      %jit3A_140 = arith.constant 0.000000e+00 : f32
      %broadcast_in_dim3A_141 = vector.broadcast %jit3A_140 : f32 to vector<128x512xf32>
      %select_n3A_142 = arith.select %and3A_139, %broadcast_in_dim3A_57, %broadcast_in_dim3A_141 : vector<128x512xi1>, vector<128x512xf32>
      %reduce_sum3A_143 = arith.constant dense<0.000000e+00> : vector<128xf32>
      %reduce_sum3A_144 = vector.multi_reduction <add>, %select_n3A_142, %reduce_sum3A_143 [1] : vector<128x512xf32> to vector<128xf32>
      %broadcast_in_dim3A_145 = vector.shape_cast %reduce_sum3A_144 : vector<128xf32> to vector<128x1xf32>
      %eq3A_146 = arith.constant 9.000000e+00 : f32
      %eq3A_147 = vector.broadcast %eq3A_146 : f32 to vector<128x512xf32>
      %eq3A_148 = arith.cmpf oeq, %sub3A_46, %eq3A_147 : vector<128x512xf32>
      %and3A_149 = arith.andi %and3A, %eq3A_148 : vector<128x512xi1>
      %jit3A_150 = arith.constant 0.000000e+00 : f32
      %broadcast_in_dim3A_151 = vector.broadcast %jit3A_150 : f32 to vector<128x512xf32>
      %select_n3A_152 = arith.select %and3A_149, %broadcast_in_dim3A_57, %broadcast_in_dim3A_151 : vector<128x512xi1>, vector<128x512xf32>
      %reduce_sum3A_153 = arith.constant dense<0.000000e+00> : vector<128xf32>
      %reduce_sum3A_154 = vector.multi_reduction <add>, %select_n3A_152, %reduce_sum3A_153 [1] : vector<128x512xf32> to vector<128xf32>
      %broadcast_in_dim3A_155 = vector.shape_cast %reduce_sum3A_154 : vector<128xf32> to vector<128x1xf32>
      %eq3A_156 = arith.constant 1.000000e+01 : f32
      %eq3A_157 = vector.broadcast %eq3A_156 : f32 to vector<128x512xf32>
      %eq3A_158 = arith.cmpf oeq, %sub3A_46, %eq3A_157 : vector<128x512xf32>
      %and3A_159 = arith.andi %and3A, %eq3A_158 : vector<128x512xi1>
      %jit3A_160 = arith.constant 0.000000e+00 : f32
      %broadcast_in_dim3A_161 = vector.broadcast %jit3A_160 : f32 to vector<128x512xf32>
      %select_n3A_162 = arith.select %and3A_159, %broadcast_in_dim3A_57, %broadcast_in_dim3A_161 : vector<128x512xi1>, vector<128x512xf32>
      %reduce_sum3A_163 = arith.constant dense<0.000000e+00> : vector<128xf32>
      %reduce_sum3A_164 = vector.multi_reduction <add>, %select_n3A_162, %reduce_sum3A_163 [1] : vector<128x512xf32> to vector<128xf32>
      %broadcast_in_dim3A_165 = vector.shape_cast %reduce_sum3A_164 : vector<128xf32> to vector<128x1xf32>
      %eq3A_166 = arith.constant 1.100000e+01 : f32
      %eq3A_167 = vector.broadcast %eq3A_166 : f32 to vector<128x512xf32>
      %eq3A_168 = arith.cmpf oeq, %sub3A_46, %eq3A_167 : vector<128x512xf32>
      %and3A_169 = arith.andi %and3A, %eq3A_168 : vector<128x512xi1>
      %jit3A_170 = arith.constant 0.000000e+00 : f32
      %broadcast_in_dim3A_171 = vector.broadcast %jit3A_170 : f32 to vector<128x512xf32>
      %select_n3A_172 = arith.select %and3A_169, %broadcast_in_dim3A_57, %broadcast_in_dim3A_171 : vector<128x512xi1>, vector<128x512xf32>
      %reduce_sum3A_173 = arith.constant dense<0.000000e+00> : vector<128xf32>
      %reduce_sum3A_174 = vector.multi_reduction <add>, %select_n3A_172, %reduce_sum3A_173 [1] : vector<128x512xf32> to vector<128xf32>
      %broadcast_in_dim3A_175 = vector.shape_cast %reduce_sum3A_174 : vector<128xf32> to vector<128x1xf32>
      %eq3A_176 = arith.constant 1.200000e+01 : f32
      %eq3A_177 = vector.broadcast %eq3A_176 : f32 to vector<128x512xf32>
      %eq3A_178 = arith.cmpf oeq, %sub3A_46, %eq3A_177 : vector<128x512xf32>
      %and3A_179 = arith.andi %and3A, %eq3A_178 : vector<128x512xi1>
      %jit3A_180 = arith.constant 0.000000e+00 : f32
      %broadcast_in_dim3A_181 = vector.broadcast %jit3A_180 : f32 to vector<128x512xf32>
      %select_n3A_182 = arith.select %and3A_179, %broadcast_in_dim3A_57, %broadcast_in_dim3A_181 : vector<128x512xi1>, vector<128x512xf32>
      %reduce_sum3A_183 = arith.constant dense<0.000000e+00> : vector<128xf32>
      %reduce_sum3A_184 = vector.multi_reduction <add>, %select_n3A_182, %reduce_sum3A_183 [1] : vector<128x512xf32> to vector<128xf32>
      %broadcast_in_dim3A_185 = vector.shape_cast %reduce_sum3A_184 : vector<128xf32> to vector<128x1xf32>
      %eq3A_186 = arith.constant 1.300000e+01 : f32
      %eq3A_187 = vector.broadcast %eq3A_186 : f32 to vector<128x512xf32>
      %eq3A_188 = arith.cmpf oeq, %sub3A_46, %eq3A_187 : vector<128x512xf32>
      %and3A_189 = arith.andi %and3A, %eq3A_188 : vector<128x512xi1>
      %jit3A_190 = arith.constant 0.000000e+00 : f32
      %broadcast_in_dim3A_191 = vector.broadcast %jit3A_190 : f32 to vector<128x512xf32>
      %select_n3A_192 = arith.select %and3A_189, %broadcast_in_dim3A_57, %broadcast_in_dim3A_191 : vector<128x512xi1>, vector<128x512xf32>
      %reduce_sum3A_193 = arith.constant dense<0.000000e+00> : vector<128xf32>
      %reduce_sum3A_194 = vector.multi_reduction <add>, %select_n3A_192, %reduce_sum3A_193 [1] : vector<128x512xf32> to vector<128xf32>
      %broadcast_in_dim3A_195 = vector.shape_cast %reduce_sum3A_194 : vector<128xf32> to vector<128x1xf32>
      %eq3A_196 = arith.constant 1.400000e+01 : f32
      %eq3A_197 = vector.broadcast %eq3A_196 : f32 to vector<128x512xf32>
      %eq3A_198 = arith.cmpf oeq, %sub3A_46, %eq3A_197 : vector<128x512xf32>
      %and3A_199 = arith.andi %and3A, %eq3A_198 : vector<128x512xi1>
      %jit3A_200 = arith.constant 0.000000e+00 : f32
      %broadcast_in_dim3A_201 = vector.broadcast %jit3A_200 : f32 to vector<128x512xf32>
      %select_n3A_202 = arith.select %and3A_199, %broadcast_in_dim3A_57, %broadcast_in_dim3A_201 : vector<128x512xi1>, vector<128x512xf32>
      %reduce_sum3A_203 = arith.constant dense<0.000000e+00> : vector<128xf32>
      %reduce_sum3A_204 = vector.multi_reduction <add>, %select_n3A_202, %reduce_sum3A_203 [1] : vector<128x512xf32> to vector<128xf32>
      %broadcast_in_dim3A_205 = vector.shape_cast %reduce_sum3A_204 : vector<128xf32> to vector<128x1xf32>
      %eq3A_206 = arith.constant 1.500000e+01 : f32
      %eq3A_207 = vector.broadcast %eq3A_206 : f32 to vector<128x512xf32>
      %eq3A_208 = arith.cmpf oeq, %sub3A_46, %eq3A_207 : vector<128x512xf32>
      %and3A_209 = arith.andi %and3A, %eq3A_208 : vector<128x512xi1>
      %jit3A_210 = arith.constant 0.000000e+00 : f32
      %broadcast_in_dim3A_211 = vector.broadcast %jit3A_210 : f32 to vector<128x512xf32>
      %select_n3A_212 = arith.select %and3A_209, %broadcast_in_dim3A_57, %broadcast_in_dim3A_211 : vector<128x512xi1>, vector<128x512xf32>
      %reduce_sum3A_213 = arith.constant dense<0.000000e+00> : vector<128xf32>
      %reduce_sum3A_214 = vector.multi_reduction <add>, %select_n3A_212, %reduce_sum3A_213 [1] : vector<128x512xf32> to vector<128xf32>
      %broadcast_in_dim3A_215 = vector.shape_cast %reduce_sum3A_214 : vector<128xf32> to vector<128x1xf32>
      %eq3A_216 = arith.constant 1.600000e+01 : f32
      %eq3A_217 = vector.broadcast %eq3A_216 : f32 to vector<128x512xf32>
      %eq3A_218 = arith.cmpf oeq, %sub3A_46, %eq3A_217 : vector<128x512xf32>
      %and3A_219 = arith.andi %and3A, %eq3A_218 : vector<128x512xi1>
      %jit3A_220 = arith.constant 0.000000e+00 : f32
      %broadcast_in_dim3A_221 = vector.broadcast %jit3A_220 : f32 to vector<128x512xf32>
      %select_n3A_222 = arith.select %and3A_219, %broadcast_in_dim3A_57, %broadcast_in_dim3A_221 : vector<128x512xi1>, vector<128x512xf32>
      %reduce_sum3A_223 = arith.constant dense<0.000000e+00> : vector<128xf32>
      %reduce_sum3A_224 = vector.multi_reduction <add>, %select_n3A_222, %reduce_sum3A_223 [1] : vector<128x512xf32> to vector<128xf32>
      %broadcast_in_dim3A_225 = vector.shape_cast %reduce_sum3A_224 : vector<128xf32> to vector<128x1xf32>
      %eq3A_226 = arith.constant 1.700000e+01 : f32
      %eq3A_227 = vector.broadcast %eq3A_226 : f32 to vector<128x512xf32>
      %eq3A_228 = arith.cmpf oeq, %sub3A_46, %eq3A_227 : vector<128x512xf32>
      %and3A_229 = arith.andi %and3A, %eq3A_228 : vector<128x512xi1>
      %jit3A_230 = arith.constant 0.000000e+00 : f32
      %broadcast_in_dim3A_231 = vector.broadcast %jit3A_230 : f32 to vector<128x512xf32>
      %select_n3A_232 = arith.select %and3A_229, %broadcast_in_dim3A_57, %broadcast_in_dim3A_231 : vector<128x512xi1>, vector<128x512xf32>
      %reduce_sum3A_233 = arith.constant dense<0.000000e+00> : vector<128xf32>
      %reduce_sum3A_234 = vector.multi_reduction <add>, %select_n3A_232, %reduce_sum3A_233 [1] : vector<128x512xf32> to vector<128xf32>
      %broadcast_in_dim3A_235 = vector.shape_cast %reduce_sum3A_234 : vector<128xf32> to vector<128x1xf32>
      %eq3A_236 = arith.constant 1.800000e+01 : f32
      %eq3A_237 = vector.broadcast %eq3A_236 : f32 to vector<128x512xf32>
      %eq3A_238 = arith.cmpf oeq, %sub3A_46, %eq3A_237 : vector<128x512xf32>
      %and3A_239 = arith.andi %and3A, %eq3A_238 : vector<128x512xi1>
      %jit3A_240 = arith.constant 0.000000e+00 : f32
      %broadcast_in_dim3A_241 = vector.broadcast %jit3A_240 : f32 to vector<128x512xf32>
      %select_n3A_242 = arith.select %and3A_239, %broadcast_in_dim3A_57, %broadcast_in_dim3A_241 : vector<128x512xi1>, vector<128x512xf32>
      %reduce_sum3A_243 = arith.constant dense<0.000000e+00> : vector<128xf32>
      %reduce_sum3A_244 = vector.multi_reduction <add>, %select_n3A_242, %reduce_sum3A_243 [1] : vector<128x512xf32> to vector<128xf32>
      %broadcast_in_dim3A_245 = vector.shape_cast %reduce_sum3A_244 : vector<128xf32> to vector<128x1xf32>
      %eq3A_246 = arith.constant 1.900000e+01 : f32
      %eq3A_247 = vector.broadcast %eq3A_246 : f32 to vector<128x512xf32>
      %eq3A_248 = arith.cmpf oeq, %sub3A_46, %eq3A_247 : vector<128x512xf32>
      %and3A_249 = arith.andi %and3A, %eq3A_248 : vector<128x512xi1>
      %jit3A_250 = arith.constant 0.000000e+00 : f32
      %broadcast_in_dim3A_251 = vector.broadcast %jit3A_250 : f32 to vector<128x512xf32>
      %select_n3A_252 = arith.select %and3A_249, %broadcast_in_dim3A_57, %broadcast_in_dim3A_251 : vector<128x512xi1>, vector<128x512xf32>
      %reduce_sum3A_253 = arith.constant dense<0.000000e+00> : vector<128xf32>
      %reduce_sum3A_254 = vector.multi_reduction <add>, %select_n3A_252, %reduce_sum3A_253 [1] : vector<128x512xf32> to vector<128xf32>
      %broadcast_in_dim3A_255 = vector.shape_cast %reduce_sum3A_254 : vector<128xf32> to vector<128x1xf32>
      %eq3A_256 = arith.constant 2.000000e+01 : f32
      %eq3A_257 = vector.broadcast %eq3A_256 : f32 to vector<128x512xf32>
      %eq3A_258 = arith.cmpf oeq, %sub3A_46, %eq3A_257 : vector<128x512xf32>
      %and3A_259 = arith.andi %and3A, %eq3A_258 : vector<128x512xi1>
      %jit3A_260 = arith.constant 0.000000e+00 : f32
      %broadcast_in_dim3A_261 = vector.broadcast %jit3A_260 : f32 to vector<128x512xf32>
      %select_n3A_262 = arith.select %and3A_259, %broadcast_in_dim3A_57, %broadcast_in_dim3A_261 : vector<128x512xi1>, vector<128x512xf32>
      %reduce_sum3A_263 = arith.constant dense<0.000000e+00> : vector<128xf32>
      %reduce_sum3A_264 = vector.multi_reduction <add>, %select_n3A_262, %reduce_sum3A_263 [1] : vector<128x512xf32> to vector<128xf32>
      %broadcast_in_dim3A_265 = vector.shape_cast %reduce_sum3A_264 : vector<128xf32> to vector<128x1xf32>
      %eq3A_266 = arith.constant 2.100000e+01 : f32
      %eq3A_267 = vector.broadcast %eq3A_266 : f32 to vector<128x512xf32>
      %eq3A_268 = arith.cmpf oeq, %sub3A_46, %eq3A_267 : vector<128x512xf32>
      %and3A_269 = arith.andi %and3A, %eq3A_268 : vector<128x512xi1>
      %jit3A_270 = arith.constant 0.000000e+00 : f32
      %broadcast_in_dim3A_271 = vector.broadcast %jit3A_270 : f32 to vector<128x512xf32>
      %select_n3A_272 = arith.select %and3A_269, %broadcast_in_dim3A_57, %broadcast_in_dim3A_271 : vector<128x512xi1>, vector<128x512xf32>
      %reduce_sum3A_273 = arith.constant dense<0.000000e+00> : vector<128xf32>
      %reduce_sum3A_274 = vector.multi_reduction <add>, %select_n3A_272, %reduce_sum3A_273 [1] : vector<128x512xf32> to vector<128xf32>
      %broadcast_in_dim3A_275 = vector.shape_cast %reduce_sum3A_274 : vector<128xf32> to vector<128x1xf32>
      %eq3A_276 = arith.constant 2.200000e+01 : f32
      %eq3A_277 = vector.broadcast %eq3A_276 : f32 to vector<128x512xf32>
      %eq3A_278 = arith.cmpf oeq, %sub3A_46, %eq3A_277 : vector<128x512xf32>
      %and3A_279 = arith.andi %and3A, %eq3A_278 : vector<128x512xi1>
      %jit3A_280 = arith.constant 0.000000e+00 : f32
      %broadcast_in_dim3A_281 = vector.broadcast %jit3A_280 : f32 to vector<128x512xf32>
      %select_n3A_282 = arith.select %and3A_279, %broadcast_in_dim3A_57, %broadcast_in_dim3A_281 : vector<128x512xi1>, vector<128x512xf32>
      %reduce_sum3A_283 = arith.constant dense<0.000000e+00> : vector<128xf32>
      %reduce_sum3A_284 = vector.multi_reduction <add>, %select_n3A_282, %reduce_sum3A_283 [1] : vector<128x512xf32> to vector<128xf32>
      %broadcast_in_dim3A_285 = vector.shape_cast %reduce_sum3A_284 : vector<128xf32> to vector<128x1xf32>
      %eq3A_286 = arith.constant 2.300000e+01 : f32
      %eq3A_287 = vector.broadcast %eq3A_286 : f32 to vector<128x512xf32>
      %eq3A_288 = arith.cmpf oeq, %sub3A_46, %eq3A_287 : vector<128x512xf32>
      %and3A_289 = arith.andi %and3A, %eq3A_288 : vector<128x512xi1>
      %jit3A_290 = arith.constant 0.000000e+00 : f32
      %broadcast_in_dim3A_291 = vector.broadcast %jit3A_290 : f32 to vector<128x512xf32>
      %select_n3A_292 = arith.select %and3A_289, %broadcast_in_dim3A_57, %broadcast_in_dim3A_291 : vector<128x512xi1>, vector<128x512xf32>
      %reduce_sum3A_293 = arith.constant dense<0.000000e+00> : vector<128xf32>
      %reduce_sum3A_294 = vector.multi_reduction <add>, %select_n3A_292, %reduce_sum3A_293 [1] : vector<128x512xf32> to vector<128xf32>
      %broadcast_in_dim3A_295 = vector.shape_cast %reduce_sum3A_294 : vector<128xf32> to vector<128x1xf32>
      %eq3A_296 = arith.constant 2.400000e+01 : f32
      %eq3A_297 = vector.broadcast %eq3A_296 : f32 to vector<128x512xf32>
      %eq3A_298 = arith.cmpf oeq, %sub3A_46, %eq3A_297 : vector<128x512xf32>
      %and3A_299 = arith.andi %and3A, %eq3A_298 : vector<128x512xi1>
      %jit3A_300 = arith.constant 0.000000e+00 : f32
      %broadcast_in_dim3A_301 = vector.broadcast %jit3A_300 : f32 to vector<128x512xf32>
      %select_n3A_302 = arith.select %and3A_299, %broadcast_in_dim3A_57, %broadcast_in_dim3A_301 : vector<128x512xi1>, vector<128x512xf32>
      %reduce_sum3A_303 = arith.constant dense<0.000000e+00> : vector<128xf32>
      %reduce_sum3A_304 = vector.multi_reduction <add>, %select_n3A_302, %reduce_sum3A_303 [1] : vector<128x512xf32> to vector<128xf32>
      %broadcast_in_dim3A_305 = vector.shape_cast %reduce_sum3A_304 : vector<128xf32> to vector<128x1xf32>
      %eq3A_306 = arith.constant 2.500000e+01 : f32
      %eq3A_307 = vector.broadcast %eq3A_306 : f32 to vector<128x512xf32>
      %eq3A_308 = arith.cmpf oeq, %sub3A_46, %eq3A_307 : vector<128x512xf32>
      %and3A_309 = arith.andi %and3A, %eq3A_308 : vector<128x512xi1>
      %jit3A_310 = arith.constant 0.000000e+00 : f32
      %broadcast_in_dim3A_311 = vector.broadcast %jit3A_310 : f32 to vector<128x512xf32>
      %select_n3A_312 = arith.select %and3A_309, %broadcast_in_dim3A_57, %broadcast_in_dim3A_311 : vector<128x512xi1>, vector<128x512xf32>
      %reduce_sum3A_313 = arith.constant dense<0.000000e+00> : vector<128xf32>
      %reduce_sum3A_314 = vector.multi_reduction <add>, %select_n3A_312, %reduce_sum3A_313 [1] : vector<128x512xf32> to vector<128xf32>
      %broadcast_in_dim3A_315 = vector.shape_cast %reduce_sum3A_314 : vector<128xf32> to vector<128x1xf32>
      %eq3A_316 = arith.constant 2.600000e+01 : f32
      %eq3A_317 = vector.broadcast %eq3A_316 : f32 to vector<128x512xf32>
      %eq3A_318 = arith.cmpf oeq, %sub3A_46, %eq3A_317 : vector<128x512xf32>
      %and3A_319 = arith.andi %and3A, %eq3A_318 : vector<128x512xi1>
      %jit3A_320 = arith.constant 0.000000e+00 : f32
      %broadcast_in_dim3A_321 = vector.broadcast %jit3A_320 : f32 to vector<128x512xf32>
      %select_n3A_322 = arith.select %and3A_319, %broadcast_in_dim3A_57, %broadcast_in_dim3A_321 : vector<128x512xi1>, vector<128x512xf32>
      %reduce_sum3A_323 = arith.constant dense<0.000000e+00> : vector<128xf32>
      %reduce_sum3A_324 = vector.multi_reduction <add>, %select_n3A_322, %reduce_sum3A_323 [1] : vector<128x512xf32> to vector<128xf32>
      %broadcast_in_dim3A_325 = vector.shape_cast %reduce_sum3A_324 : vector<128xf32> to vector<128x1xf32>
      %eq3A_326 = arith.constant 2.700000e+01 : f32
      %eq3A_327 = vector.broadcast %eq3A_326 : f32 to vector<128x512xf32>
      %eq3A_328 = arith.cmpf oeq, %sub3A_46, %eq3A_327 : vector<128x512xf32>
      %and3A_329 = arith.andi %and3A, %eq3A_328 : vector<128x512xi1>
      %jit3A_330 = arith.constant 0.000000e+00 : f32
      %broadcast_in_dim3A_331 = vector.broadcast %jit3A_330 : f32 to vector<128x512xf32>
      %select_n3A_332 = arith.select %and3A_329, %broadcast_in_dim3A_57, %broadcast_in_dim3A_331 : vector<128x512xi1>, vector<128x512xf32>
      %reduce_sum3A_333 = arith.constant dense<0.000000e+00> : vector<128xf32>
      %reduce_sum3A_334 = vector.multi_reduction <add>, %select_n3A_332, %reduce_sum3A_333 [1] : vector<128x512xf32> to vector<128xf32>
      %broadcast_in_dim3A_335 = vector.shape_cast %reduce_sum3A_334 : vector<128xf32> to vector<128x1xf32>
      %eq3A_336 = arith.constant 2.800000e+01 : f32
      %eq3A_337 = vector.broadcast %eq3A_336 : f32 to vector<128x512xf32>
      %eq3A_338 = arith.cmpf oeq, %sub3A_46, %eq3A_337 : vector<128x512xf32>
      %and3A_339 = arith.andi %and3A, %eq3A_338 : vector<128x512xi1>
      %jit3A_340 = arith.constant 0.000000e+00 : f32
      %broadcast_in_dim3A_341 = vector.broadcast %jit3A_340 : f32 to vector<128x512xf32>
      %select_n3A_342 = arith.select %and3A_339, %broadcast_in_dim3A_57, %broadcast_in_dim3A_341 : vector<128x512xi1>, vector<128x512xf32>
      %reduce_sum3A_343 = arith.constant dense<0.000000e+00> : vector<128xf32>
      %reduce_sum3A_344 = vector.multi_reduction <add>, %select_n3A_342, %reduce_sum3A_343 [1] : vector<128x512xf32> to vector<128xf32>
      %broadcast_in_dim3A_345 = vector.shape_cast %reduce_sum3A_344 : vector<128xf32> to vector<128x1xf32>
      %eq3A_346 = arith.constant 2.900000e+01 : f32
      %eq3A_347 = vector.broadcast %eq3A_346 : f32 to vector<128x512xf32>
      %eq3A_348 = arith.cmpf oeq, %sub3A_46, %eq3A_347 : vector<128x512xf32>
      %and3A_349 = arith.andi %and3A, %eq3A_348 : vector<128x512xi1>
      %jit3A_350 = arith.constant 0.000000e+00 : f32
      %broadcast_in_dim3A_351 = vector.broadcast %jit3A_350 : f32 to vector<128x512xf32>
      %select_n3A_352 = arith.select %and3A_349, %broadcast_in_dim3A_57, %broadcast_in_dim3A_351 : vector<128x512xi1>, vector<128x512xf32>
      %reduce_sum3A_353 = arith.constant dense<0.000000e+00> : vector<128xf32>
      %reduce_sum3A_354 = vector.multi_reduction <add>, %select_n3A_352, %reduce_sum3A_353 [1] : vector<128x512xf32> to vector<128xf32>
      %broadcast_in_dim3A_355 = vector.shape_cast %reduce_sum3A_354 : vector<128xf32> to vector<128x1xf32>
      %eq3A_356 = arith.constant 3.000000e+01 : f32
      %eq3A_357 = vector.broadcast %eq3A_356 : f32 to vector<128x512xf32>
      %eq3A_358 = arith.cmpf oeq, %sub3A_46, %eq3A_357 : vector<128x512xf32>
      %and3A_359 = arith.andi %and3A, %eq3A_358 : vector<128x512xi1>
      %jit3A_360 = arith.constant 0.000000e+00 : f32
      %broadcast_in_dim3A_361 = vector.broadcast %jit3A_360 : f32 to vector<128x512xf32>
      %select_n3A_362 = arith.select %and3A_359, %broadcast_in_dim3A_57, %broadcast_in_dim3A_361 : vector<128x512xi1>, vector<128x512xf32>
      %reduce_sum3A_363 = arith.constant dense<0.000000e+00> : vector<128xf32>
      %reduce_sum3A_364 = vector.multi_reduction <add>, %select_n3A_362, %reduce_sum3A_363 [1] : vector<128x512xf32> to vector<128xf32>
      %broadcast_in_dim3A_365 = vector.shape_cast %reduce_sum3A_364 : vector<128xf32> to vector<128x1xf32>
      %eq3A_366 = arith.constant 3.100000e+01 : f32
      %eq3A_367 = vector.broadcast %eq3A_366 : f32 to vector<128x512xf32>
      %eq3A_368 = arith.cmpf oeq, %sub3A_46, %eq3A_367 : vector<128x512xf32>
      %and3A_369 = arith.andi %and3A, %eq3A_368 : vector<128x512xi1>
      %jit3A_370 = arith.constant 0.000000e+00 : f32
      %broadcast_in_dim3A_371 = vector.broadcast %jit3A_370 : f32 to vector<128x512xf32>
      %select_n3A_372 = arith.select %and3A_369, %broadcast_in_dim3A_57, %broadcast_in_dim3A_371 : vector<128x512xi1>, vector<128x512xf32>
      %reduce_sum3A_373 = arith.constant dense<0.000000e+00> : vector<128xf32>
      %reduce_sum3A_374 = vector.multi_reduction <add>, %select_n3A_372, %reduce_sum3A_373 [1] : vector<128x512xf32> to vector<128xf32>
      %broadcast_in_dim3A_375 = vector.shape_cast %reduce_sum3A_374 : vector<128xf32> to vector<128x1xf32>
      %get3A_376 = arith.constant 0 : index
      %get3A_377 = arith.constant 0 : index
      %get3A_378 = vector.load %arg7[%get3A_376, %get3A_377] : memref<128x32xf32, #tpu.memory_space<vmem>>, vector<128x32xf32>
      %concatenate3A = tpu.concatenate %broadcast_in_dim3A_65, %broadcast_in_dim3A_75, %broadcast_in_dim3A_85, %broadcast_in_dim3A_95, %broadcast_in_dim3A_105, %broadcast_in_dim3A_115, %broadcast_in_dim3A_125, %broadcast_in_dim3A_135, %broadcast_in_dim3A_145, %broadcast_in_dim3A_155, %broadcast_in_dim3A_165, %broadcast_in_dim3A_175, %broadcast_in_dim3A_185, %broadcast_in_dim3A_195, %broadcast_in_dim3A_205, %broadcast_in_dim3A_215, %broadcast_in_dim3A_225, %broadcast_in_dim3A_235, %broadcast_in_dim3A_245, %broadcast_in_dim3A_255, %broadcast_in_dim3A_265, %broadcast_in_dim3A_275, %broadcast_in_dim3A_285, %broadcast_in_dim3A_295, %broadcast_in_dim3A_305, %broadcast_in_dim3A_315, %broadcast_in_dim3A_325, %broadcast_in_dim3A_335, %broadcast_in_dim3A_345, %broadcast_in_dim3A_355, %broadcast_in_dim3A_365, %broadcast_in_dim3A_375 in 1 : vector<128x1xf32>, vector<128x1xf32>, vector<128x1xf32>, vector<128x1xf32>, vector<128x1xf32>, vector<128x1xf32>, vector<128x1xf32>, vector<128x1xf32>, vector<128x1xf32>, vector<128x1xf32>, vector<128x1xf32>, vector<128x1xf32>, vector<128x1xf32>, vector<128x1xf32>, vector<128x1xf32>, vector<128x1xf32>, vector<128x1xf32>, vector<128x1xf32>, vector<128x1xf32>, vector<128x1xf32>, vector<128x1xf32>, vector<128x1xf32>, vector<128x1xf32>, vector<128x1xf32>, vector<128x1xf32>, vector<128x1xf32>, vector<128x1xf32>, vector<128x1xf32>, vector<128x1xf32>, vector<128x1xf32>, vector<128x1xf32>, vector<128x1xf32> -> vector<128x32xf32>
      %add3A_379 = arith.addf %get3A_378, %concatenate3A : vector<128x32xf32>
      %swap3A = arith.constant 0 : index
      %swap3A_380 = arith.constant 0 : index
      %swap3A_381 = vector.load %arg7[%swap3A, %swap3A_380] : memref<128x32xf32, #tpu.memory_space<vmem>>, vector<128x32xf32>
      tpu.vector_store %arg7[%swap3A, %swap3A_380], %add3A_379 {strides = array<i32>} : memref<128x32xf32, #tpu.memory_space<vmem>>, vector<128x32xf32>,
      %reduce_sum3A_382 = arith.constant dense<0.000000e+00> : vector<128xf32>
      %reduce_sum3A_383 = vector.multi_reduction <add>, %convert_element_type3A_33, %reduce_sum3A_382 [1] : vector<128x512xf32> to vector<128xf32>
      %broadcast_in_dim3A_384 = vector.shape_cast %reduce_sum3A_383 : vector<128xf32> to vector<128x1xf32>
      %add3A_385 = arith.addf %get3A_41, %broadcast_in_dim3A_384 : vector<128x1xf32>
      %swap3A_386 = arith.constant 0 : index
      %swap3A_387 = arith.constant 0 : index
      %swap3A_388 = vector.load %arg6[%swap3A_386, %swap3A_387] : memref<128x1xf32, #tpu.memory_space<vmem>>, vector<128x1xf32>
      tpu.vector_store %arg6[%swap3A_386, %swap3A_387], %add3A_385 {strides = array<i32>} : memref<128x1xf32, #tpu.memory_space<vmem>>, vector<128x1xf32>,
      %ge3A = arith.constant 3.200000e+01 : f32
      %ge3A_389 = vector.broadcast %ge3A : f32 to vector<128x1xf32>
      %ge3A_390 = arith.cmpf oge, %add3A_385, %ge3A_389 : vector<128x1xf32>
      %reduce_and3A = arith.constant 1.000000e+00 : f32
      %reduce_and3A_391 = arith.constant 0.000000e+00 : f32
      %reduce_and3A_392 = vector.broadcast %reduce_and3A : f32 to vector<128x1xf32>
      %reduce_and3A_393 = vector.broadcast %reduce_and3A_391 : f32 to vector<128x1xf32>
      %reduce_and3A_394 = arith.select %ge3A_390, %reduce_and3A_392, %reduce_and3A_393 : vector<128x1xi1>, vector<128x1xf32>
      %reduce_and3A_395 = vector.shape_cast %reduce_and3A_394 : vector<128x1xf32> to vector<1x128x1xf32>
      %reduce_and3A_396 = arith.constant dense<0x7F800000> : vector<1xf32>
      %reduce_and3A_397 = vector.multi_reduction <minimumf>, %reduce_and3A_395, %reduce_and3A_396 [1, 2] : vector<1x128x1xf32> to vector<1xf32>
      %reduce_and3A_398 = vector.shape_cast %reduce_and3A_397 : vector<1xf32> to vector<1x1x1xf32>
      %reduce_and3A_399 = vector.extract %reduce_and3A_398[0, 0, 0] : f32 from vector<1x1x1xf32>
      %reduce_and3A_400 = arith.constant 0.000000e+00 : f32
      %reduce_and3A_401 = arith.cmpf ogt, %reduce_and3A_399, %reduce_and3A_400 : f32
      %convert_element_type3A_402 = arith.extui %reduce_and3A_401 : i1 to i32
      %swap3A_403 = arith.constant 0 : index
      %swap3A_404 = memref.load %arg8[%swap3A_403] : memref<1xi32, #tpu.memory_space<smem>>
      memref.store %convert_element_type3A_402, %arg8[%swap3A_403] : memref<1xi32, #tpu.memory_space<smem>>
    } else {
    }
    %eq3A_8 = arith.constant 19 : i32
    %eq3A_9 = arith.cmpi eq, %arg1, %eq3A_8 : i32
    %convert_element_type3A_10 = arith.extui %eq3A_9 : i1 to i32
    %cond3A_11 = arith.constant 0 : i32
    %cond3A_12 = arith.cmpi ne, %convert_element_type3A_10, %cond3A_11 : i32
    scf.if %cond3A_12 {
      %iota3A = tpu.iota {dimensions = array<i32: 1>} : vector<128x32xi32>
      %convert_element_type3A_13 = arith.sitofp %iota3A : vector<128x32xi32> to vector<128x32xf32>
      %get3A_14 = arith.constant 0 : index
      %get3A_15 = arith.constant 0 : index
      %get3A_16 = vector.load %arg6[%get3A_14, %get3A_15] : memref<128x1xf32, #tpu.memory_space<vmem>>, vector<128x1xf32>
      %lt3A = vector.broadcast %get3A_16 : vector<128x1xf32> to vector<128x32xf32>
      %lt3A_17 = arith.cmpf olt, %convert_element_type3A_13, %lt3A : vector<128x32xf32>
      %get3A_18 = arith.constant 0 : index
      %get3A_19 = arith.constant 0 : index
      %get3A_20 = vector.load %arg7[%get3A_18, %get3A_19] : memref<128x32xf32, #tpu.memory_space<vmem>>, vector<128x32xf32>
      %convert_element_type3A_21 = arith.fptosi %get3A_20 : vector<128x32xf32> to vector<128x32xi32>
      %jit3A = arith.constant -1 : i32
      %broadcast_in_dim3A = vector.broadcast %jit3A : i32 to vector<128x32xi32>
      %select_n3A = arith.select %lt3A_17, %convert_element_type3A_21, %broadcast_in_dim3A : vector<128x32xi1>, vector<128x32xi32>
      %swap3A = arith.constant 0 : index
      %swap3A_22 = arith.constant 0 : index
      %swap3A_23 = vector.load %arg5[%swap3A, %swap3A_22] : memref<128x32xi32, #tpu.memory_space<vmem>>, vector<128x32xi32>
      tpu.vector_store %arg5[%swap3A, %swap3A_22], %select_n3A {strides = array<i32>} : memref<128x32xi32, #tpu.memory_space<vmem>>, vector<128x32xi32>,
    } else {
    }
    return
  }
  func.func @transform_0(%arg0: i32, %arg1: i32) -> (i32, i32) {
    %c0_i32 = arith.constant 0 : i32
    %c0_i32_0 = arith.constant 0 : i32
    return %arg0, %c0_i32 : i32, i32
  }
  func.func @transform_1(%arg0: i32, %arg1: i32) -> (i32, i32) {
    %c0_i32 = arith.constant 0 : i32
    %c0_i32_0 = arith.constant 0 : i32
    return %c0_i32, %arg1 : i32, i32
  }
  func.func @transform_2(%arg0: i32, %arg1: i32) -> (i32, i32) {
    %c0_i32 = arith.constant 0 : i32
    %c0_i32_0 = arith.constant 0 : i32
    %c0_i32_1 = arith.constant 0 : i32
    return %c0_i32, %c0_i32_0 : i32, i32
  }
  func.func @transform_3(%arg0: i32, %arg1: i32) -> (i32, i32) {
    %c0_i32 = arith.constant 0 : i32
    %c0_i32_0 = arith.constant 0 : i32
    return %arg0, %c0_i32 : i32, i32
  }
}

module attributes {stable_mosaic.version = 14 : i64} {
  func.func @_fps_kernel(%arg0: memref<24x625xf32, #tpu.memory_space<vmem>>, %arg1: memref<5000x3xf32, #tpu.memory_space<vmem>>, %arg2: memref<2500x1xi32, #tpu.memory_space<vmem>>) attributes {dimension_semantics = [], scalar_prefetch = 0 : i64, scratch_operands = 0 : i64, tpu.core_type = #tpu.core_type<tc>} {
    %get3A = arith.constant 0 : index
    %get3A_0 = arith.constant 0 : index
    %get3A_1 = vector.load %arg0[%get3A, %get3A_0] : memref<24x625xf32, #tpu.memory_space<vmem>>, vector<24x625xf32>
    %slice3A = vector.extract_strided_slice %get3A_1 {offsets = [0, 0], sizes = [8, 625], strides = [1, 1]} : vector<24x625xf32> to vector<8x625xf32>
    %slice3A_2 = vector.extract_strided_slice %get3A_1 {offsets = [8, 0], sizes = [8, 625], strides = [1, 1]} : vector<24x625xf32> to vector<8x625xf32>
    %slice3A_3 = vector.extract_strided_slice %get3A_1 {offsets = [16, 0], sizes = [8, 625], strides = [1, 1]} : vector<24x625xf32> to vector<8x625xf32>
    %iota3A = tpu.iota {dimensions = array<i32: 0>} : vector<8x625xi32>
    %mul3A = arith.constant 625 : i32
    %mul3A_4 = vector.broadcast %mul3A : i32 to vector<8x625xi32>
    %mul3A_5 = arith.muli %iota3A, %mul3A_4 : vector<8x625xi32>
    %iota3A_6 = tpu.iota {dimensions = array<i32: 1>} : vector<8x625xi32>
    %add3A = arith.addi %mul3A_5, %iota3A_6 : vector<8x625xi32>
    %slice3A_7 = vector.extract_strided_slice %slice3A {offsets = [0, 0], sizes = [1, 1], strides = [1, 1]} : vector<8x625xf32> to vector<1x1xf32>
    %slice3A_8 = vector.extract_strided_slice %slice3A_2 {offsets = [0, 0], sizes = [1, 1], strides = [1, 1]} : vector<8x625xf32> to vector<1x1xf32>
    %slice3A_9 = vector.extract_strided_slice %slice3A_3 {offsets = [0, 0], sizes = [1, 1], strides = [1, 1]} : vector<8x625xf32> to vector<1x1xf32>
    %sub3A = vector.broadcast %slice3A_7 : vector<1x1xf32> to vector<8x625xf32>
    %sub3A_10 = arith.subf %slice3A, %sub3A : vector<8x625xf32>
    %integer_pow3A = arith.mulf %sub3A_10, %sub3A_10 : vector<8x625xf32>
    %add3A_11 = arith.constant 0.000000e+00 : f32
    %add3A_12 = vector.broadcast %add3A_11 : f32 to vector<8x625xf32>
    %add3A_13 = arith.addf %add3A_12, %integer_pow3A : vector<8x625xf32>
    %sub3A_14 = vector.broadcast %slice3A_8 : vector<1x1xf32> to vector<8x625xf32>
    %sub3A_15 = arith.subf %slice3A_2, %sub3A_14 : vector<8x625xf32>
    %integer_pow3A_16 = arith.mulf %sub3A_15, %sub3A_15 : vector<8x625xf32>
    %add3A_17 = arith.addf %add3A_13, %integer_pow3A_16 : vector<8x625xf32>
    %sub3A_18 = vector.broadcast %slice3A_9 : vector<1x1xf32> to vector<8x625xf32>
    %sub3A_19 = arith.subf %slice3A_3, %sub3A_18 : vector<8x625xf32>
    %integer_pow3A_20 = arith.mulf %sub3A_19, %sub3A_19 : vector<8x625xf32>
    %add3A_21 = arith.addf %add3A_17, %integer_pow3A_20 : vector<8x625xf32>
    %broadcast_in_dim3A = arith.constant 0 : i32
    %broadcast_in_dim3A_22 = vector.broadcast %broadcast_in_dim3A : i32 to vector<1x1xi32>
    %swap3A = arith.constant 0 : index
    %swap3A_23 = arith.constant 0 : index
    %swap3A_24 = vector.load %arg2[%swap3A, %swap3A_23] : memref<2500x1xi32, #tpu.memory_space<vmem>>, vector<1x1xi32>
    tpu.vector_store %arg2[%swap3A, %swap3A_23], %broadcast_in_dim3A_22 {strides = array<i32>} : memref<2500x1xi32, #tpu.memory_space<vmem>>, vector<1x1xi32>,
    %scan3A = arith.constant 1 : i32
    %scan3A_25 = arith.constant 2499 : i32
    %scan3A_26 = arith.addi %scan3A, %scan3A_25 : i32
    %scan3A_27 = arith.constant 1 : i32
    %scan3A_28 = scf.for %scan3A_30 = %scan3A to %scan3A_26 step %scan3A_27 iter_args(%scan3A_31 = %add3A_21) -> (vector<8x625xf32>)  : i32 {
      %reduce_max3A = vector.shape_cast %scan3A_31 : vector<8x625xf32> to vector<1x8x625xf32>
      %reduce_max3A_32 = arith.constant dense<0xFF800000> : vector<1xf32>
      %reduce_max3A_33 = vector.multi_reduction <maximumf>, %reduce_max3A, %reduce_max3A_32 [1, 2] : vector<1x8x625xf32> to vector<1xf32>
      %reduce_max3A_34 = vector.shape_cast %reduce_max3A_33 : vector<1xf32> to vector<1x1x1xf32>
      %reduce_max3A_35 = vector.extract %reduce_max3A_34[0, 0, 0] : f32 from vector<1x1x1xf32>
      %eq3A = vector.broadcast %reduce_max3A_35 : f32 to vector<8x625xf32>
      %eq3A_36 = arith.cmpf oeq, %scan3A_31, %eq3A : vector<8x625xf32>
      %jit3A = arith.constant 5000 : i32
      %broadcast_in_dim3A_37 = vector.broadcast %jit3A : i32 to vector<8x625xi32>
      %select_n3A = arith.select %eq3A_36, %add3A, %broadcast_in_dim3A_37 : vector<8x625xi1>, vector<8x625xi32>
      %reduce_min3A = vector.shape_cast %select_n3A : vector<8x625xi32> to vector<1x8x625xi32>
      %reduce_min3A_38 = arith.constant dense<2147483647> : vector<1xi32>
      %reduce_min3A_39 = vector.multi_reduction <minsi>, %reduce_min3A, %reduce_min3A_38 [1, 2] : vector<1x8x625xi32> to vector<1xi32>
      %reduce_min3A_40 = vector.shape_cast %reduce_min3A_39 : vector<1xi32> to vector<1x1x1xi32>
      %reduce_min3A_41 = vector.extract %reduce_min3A_40[0, 0, 0] : i32 from vector<1x1x1xi32>
      %broadcast_in_dim3A_42 = vector.broadcast %reduce_min3A_41 : i32 to vector<1x1xi32>
      %swap3A_43 = arith.index_cast %scan3A_30 : i32 to index
      %swap3A_44 = arith.constant 0 : index
      %swap3A_45 = vector.load %arg2[%swap3A_43, %swap3A_44] : memref<2500x1xi32, #tpu.memory_space<vmem>>, vector<1x1xi32>
      tpu.vector_store %arg2[%swap3A_43, %swap3A_44], %broadcast_in_dim3A_42 {strides = array<i32>} : memref<2500x1xi32, #tpu.memory_space<vmem>>, vector<1x1xi32>,
      %get3A_46 = arith.index_cast %reduce_min3A_41 : i32 to index
      %get3A_47 = arith.constant 0 : index
      %get3A_48 = vector.load %arg1[%get3A_46, %get3A_47] : memref<5000x3xf32, #tpu.memory_space<vmem>>, vector<1x3xf32>
      %slice3A_49 = vector.extract_strided_slice %get3A_48 {offsets = [0, 0], sizes = [1, 1], strides = [1, 1]} : vector<1x3xf32> to vector<1x1xf32>
      %sub3A_50 = vector.broadcast %slice3A_49 : vector<1x1xf32> to vector<8x625xf32>
      %sub3A_51 = arith.subf %slice3A, %sub3A_50 : vector<8x625xf32>
      %integer_pow3A_52 = arith.mulf %sub3A_51, %sub3A_51 : vector<8x625xf32>
      %add3A_53 = arith.constant 0.000000e+00 : f32
      %add3A_54 = vector.broadcast %add3A_53 : f32 to vector<8x625xf32>
      %add3A_55 = arith.addf %add3A_54, %integer_pow3A_52 : vector<8x625xf32>
      %slice3A_56 = vector.extract_strided_slice %get3A_48 {offsets = [0, 1], sizes = [1, 1], strides = [1, 1]} : vector<1x3xf32> to vector<1x1xf32>
      %sub3A_57 = vector.broadcast %slice3A_56 : vector<1x1xf32> to vector<8x625xf32>
      %sub3A_58 = arith.subf %slice3A_2, %sub3A_57 : vector<8x625xf32>
      %integer_pow3A_59 = arith.mulf %sub3A_58, %sub3A_58 : vector<8x625xf32>
      %add3A_60 = arith.addf %add3A_55, %integer_pow3A_59 : vector<8x625xf32>
      %slice3A_61 = vector.extract_strided_slice %get3A_48 {offsets = [0, 2], sizes = [1, 1], strides = [1, 1]} : vector<1x3xf32> to vector<1x1xf32>
      %sub3A_62 = vector.broadcast %slice3A_61 : vector<1x1xf32> to vector<8x625xf32>
      %sub3A_63 = arith.subf %slice3A_3, %sub3A_62 : vector<8x625xf32>
      %integer_pow3A_64 = arith.mulf %sub3A_63, %sub3A_63 : vector<8x625xf32>
      %add3A_65 = arith.addf %add3A_60, %integer_pow3A_64 : vector<8x625xf32>
      %min3A = arith.minimumf %scan3A_31, %add3A_65 : vector<8x625xf32>
      scf.yield %min3A : vector<8x625xf32>
    }
    %scan3A_29 = arith.constant 2499 : i32
    return
  }
}

module attributes {stable_mosaic.version = 14 : i64} {
  func.func @_radius_kernel(%arg0: i32, %arg1: i32, %arg2: memref<128x3xf32, #tpu.memory_space<vmem>>, %arg3: memref<3x512xf32, #tpu.memory_space<vmem>>, %arg4: memref<512x512xf32, #tpu.memory_space<vmem>>, %arg5: memref<128x32xi32, #tpu.memory_space<vmem>>, %arg6: memref<128x1xf32, #tpu.memory_space<vmem>>, %arg7: memref<128x32xf32, #tpu.memory_space<vmem>>, %arg8: memref<1xi32, #tpu.memory_space<smem>>) attributes {dimension_semantics = [#tpu.dimension_semantics<arbitrary>, #tpu.dimension_semantics<arbitrary>], iteration_bounds = array<i64: 20, 10>, scalar_prefetch = 0 : i64, scratch_operands = 3 : i64, tpu.core_type = #tpu.core_type<tc>, window_params = [{transform_indices = @transform_0, window_bounds = array<i64: 128, 3>}, {transform_indices = @transform_1, window_bounds = array<i64: 3, 512>}, {pipeline_mode = #tpu.pipeline_mode<synchronous>, transform_indices = @transform_2, window_bounds = array<i64: 512, 512>}, {transform_indices = @transform_3, window_bounds = array<i64: 128, 32>}]} {
    %eq3A = arith.constant 0 : i32
    %eq3A_0 = arith.cmpi eq, %arg1, %eq3A : i32
    %convert_element_type3A = arith.extui %eq3A_0 : i1 to i32
    %cond3A = arith.constant 0 : i32
    %cond3A_1 = arith.cmpi ne, %convert_element_type3A, %cond3A : i32
    scf.if %cond3A_1 {
      %broadcast_in_dim3A = arith.constant 0.000000e+00 : f32
      %broadcast_in_dim3A_13 = vector.broadcast %broadcast_in_dim3A : f32 to vector<128x1xf32>
      %swap3A = arith.constant 0 : index
      %swap3A_14 = arith.constant 0 : index
      %swap3A_15 = vector.load %arg6[%swap3A, %swap3A_14] : memref<128x1xf32, #tpu.memory_space<vmem>>, vector<128x1xf32>
      tpu.vector_store %arg6[%swap3A, %swap3A_14], %broadcast_in_dim3A_13 {strides = array<i32>} : memref<128x1xf32, #tpu.memory_space<vmem>>, vector<128x1xf32>,
      %broadcast_in_dim3A_16 = arith.constant 0.000000e+00 : f32
      %broadcast_in_dim3A_17 = vector.broadcast %broadcast_in_dim3A_16 : f32 to vector<128x32xf32>
      %swap3A_18 = arith.constant 0 : index
      %swap3A_19 = arith.constant 0 : index
      %swap3A_20 = vector.load %arg7[%swap3A_18, %swap3A_19] : memref<128x32xf32, #tpu.memory_space<vmem>>, vector<128x32xf32>
      tpu.vector_store %arg7[%swap3A_18, %swap3A_19], %broadcast_in_dim3A_17 {strides = array<i32>} : memref<128x32xf32, #tpu.memory_space<vmem>>, vector<128x32xf32>,
      %swap3A_21 = arith.constant 0 : i32
      %swap3A_22 = arith.constant 0 : index
      %swap3A_23 = memref.load %arg8[%swap3A_22] : memref<1xi32, #tpu.memory_space<smem>>
      memref.store %swap3A_21, %arg8[%swap3A_22] : memref<1xi32, #tpu.memory_space<smem>>
    } else {
    }
    %get3A = arith.constant 0 : index
    %get3A_2 = memref.load %arg8[%get3A] : memref<1xi32, #tpu.memory_space<smem>>
    %eq3A_3 = arith.constant 0 : i32
    %eq3A_4 = arith.cmpi eq, %get3A_2, %eq3A_3 : i32
    %convert_element_type3A_5 = arith.extui %eq3A_4 : i1 to i32
    %cond3A_6 = arith.constant 0 : i32
    %cond3A_7 = arith.cmpi ne, %convert_element_type3A_5, %cond3A_6 : i32
    scf.if %cond3A_7 {
      %get3A_13 = arith.constant 0 : index
      %get3A_14 = arith.constant 0 : index
      %get3A_15 = vector.load %arg2[%get3A_13, %get3A_14] : memref<128x3xf32, #tpu.memory_space<vmem>>, vector<128x3xf32>
      %get3A_16 = arith.constant 0 : index
      %get3A_17 = arith.constant 0 : index
      %get3A_18 = vector.load %arg3[%get3A_16, %get3A_17] : memref<3x512xf32, #tpu.memory_space<vmem>>, vector<3x512xf32>
      %mul3A = arith.mulf %get3A_15, %get3A_15 : vector<128x3xf32>
      %reduce_sum3A = arith.constant dense<0.000000e+00> : vector<128xf32>
      %reduce_sum3A_19 = vector.multi_reduction <add>, %mul3A, %reduce_sum3A [1] : vector<128x3xf32> to vector<128xf32>
      %broadcast_in_dim3A = vector.shape_cast %reduce_sum3A_19 : vector<128xf32> to vector<128x1xf32>
      %mul3A_20 = arith.mulf %get3A_18, %get3A_18 : vector<3x512xf32>
      %reduce_sum3A_21 = arith.constant dense<0.000000e+00> : vector<512xf32>
      %reduce_sum3A_22 = vector.multi_reduction <add>, %mul3A_20, %reduce_sum3A_21 [0] : vector<3x512xf32> to vector<512xf32>
      %broadcast_in_dim3A_23 = vector.shape_cast %reduce_sum3A_22 : vector<512xf32> to vector<1x512xf32>
      %dot_general3A = arith.constant dense<0.000000e+00> : vector<128x512xf32>
      %dot_general3A_24 = tpu.matmul %get3A_15, %get3A_18, %dot_general3A {dimension_numbers = #tpu.dot_dimension_numbers<[1], [0], [0], [1], [0, 0, 1, 1], [], []>, transpose_lhs_hint = false} : vector<128x3xf32>, vector<3x512xf32>, vector<128x512xf32> -> vector<128x512xf32>
      %add3A = vector.broadcast %broadcast_in_dim3A : vector<128x1xf32> to vector<128x512xf32>
      %add3A_25 = vector.broadcast %broadcast_in_dim3A_23 : vector<1x512xf32> to vector<128x512xf32>
      %add3A_26 = arith.addf %add3A, %add3A_25 : vector<128x512xf32>
      %mul3A_27 = arith.constant 2.000000e+00 : f32
      %mul3A_28 = vector.broadcast %mul3A_27 : f32 to vector<128x512xf32>
      %mul3A_29 = arith.mulf %mul3A_28, %dot_general3A_24 : vector<128x512xf32>
      %sub3A = arith.subf %add3A_26, %mul3A_29 : vector<128x512xf32>
      %le3A = arith.constant 9.000000e-02 : f32
      %le3A_30 = vector.broadcast %le3A : f32 to vector<128x512xf32>
      %le3A_31 = arith.cmpf ole, %sub3A, %le3A_30 : vector<128x512xf32>
      %convert_element_type3A_32 = arith.extui %le3A_31 : vector<128x512xi1> to vector<128x512xi32>
      %convert_element_type3A_33 = arith.sitofp %convert_element_type3A_32 : vector<128x512xi32> to vector<128x512xf32>
      %get3A_34 = arith.constant 0 : index
      %get3A_35 = arith.constant 0 : index
      %get3A_36 = vector.load %arg4[%get3A_34, %get3A_35] : memref<512x512xf32, #tpu.memory_space<vmem>>, vector<512x512xf32>
      %dot_general3A_37 = arith.constant dense<0.000000e+00> : vector<128x512xf32>
      %dot_general3A_38 = tpu.matmul %convert_element_type3A_33, %get3A_36, %dot_general3A_37 {dimension_numbers = #tpu.dot_dimension_numbers<[1], [0], [0], [1], [0, 0, 1, 1], [], []>, transpose_lhs_hint = false} : vector<128x512xf32>, vector<512x512xf32>, vector<128x512xf32> -> vector<128x512xf32>
      %get3A_39 = arith.constant 0 : index
      %get3A_40 = arith.constant 0 : index
      %get3A_41 = vector.load %arg6[%get3A_39, %get3A_40] : memref<128x1xf32, #tpu.memory_space<vmem>>, vector<128x1xf32>
      %add3A_42 = vector.broadcast %get3A_41 : vector<128x1xf32> to vector<128x512xf32>
      %add3A_43 = arith.addf %add3A_42, %dot_general3A_38 : vector<128x512xf32>
      %sub3A_44 = arith.constant 1.000000e+00 : f32
      %sub3A_45 = vector.broadcast %sub3A_44 : f32 to vector<128x512xf32>
      %sub3A_46 = arith.subf %add3A_43, %sub3A_45 : vector<128x512xf32>
      %gt3A = arith.constant 0.000000e+00 : f32
      %gt3A_47 = vector.broadcast %gt3A : f32 to vector<128x512xf32>
      %gt3A_48 = arith.cmpf ogt, %convert_element_type3A_33, %gt3A_47 : vector<128x512xf32>
      %lt3A = arith.constant 3.200000e+01 : f32
      %lt3A_49 = vector.broadcast %lt3A : f32 to vector<128x512xf32>
      %lt3A_50 = arith.cmpf olt, %sub3A_46, %lt3A_49 : vector<128x512xf32>
      %and3A = arith.andi %gt3A_48, %lt3A_50 : vector<128x512xi1>
      %mul3A_51 = arith.constant 512 : i32
      %mul3A_52 = arith.muli %arg1, %mul3A_51 : i32
      %iota3A = tpu.iota {dimensions = array<i32: 1>} : vector<1x512xi32>
      %add3A_53 = vector.broadcast %mul3A_52 : i32 to vector<1x512xi32>
      %add3A_54 = arith.addi %add3A_53, %iota3A : vector<1x512xi32>
      %convert_element_type3A_55 = arith.sitofp %add3A_54 : vector<1x512xi32> to vector<1x512xf32>
      %broadcast_in_dim3A_56 = vector.shape_cast %convert_element_type3A_55 : vector<1x512xf32> to vector<1x512xf32>
      %broadcast_in_dim3A_57 = vector.broadcast %broadcast_in_dim3A_56 : vector<1x512xf32> to vector<128x512xf32>
      %eq3A_58 = arith.constant 0.000000e+00 : f32
      %eq3A_59 = vector.broadcast %eq3A_58 : f32 to vector<128x512xf32>
      %eq3A_60 = arith.cmpf oeq, %sub3A_46, %eq3A_59 : vector<128x512xf32>
      %and3A_61 = arith.andi %and3A, %eq3A_60 : vector<128x512xi1>
      %jit3A = arith.constant 0.000000e+00 : f32
      %broadcast_in_dim3A_62 = vector.broadcast %jit3A : f32 to vector<128x512xf32>
      %select_n3A = arith.select %and3A_61, %broadcast_in_dim3A_57, %broadcast_in_dim3A_62 : vector<128x512xi1>, vector<128x512xf32>
      %reduce_sum3A_63 = arith.constant dense<0.000000e+00> : vector<128xf32>
      %reduce_sum3A_64 = vector.multi_reduction <add>, %select_n3A, %reduce_sum3A_63 [1] : vector<128x512xf32> to vector<128xf32>
      %broadcast_in_dim3A_65 = vector.shape_cast %reduce_sum3A_64 : vector<128xf32> to vector<128x1xf32>
      %eq3A_66 = arith.constant 1.000000e+00 : f32
      %eq3A_67 = vector.broadcast %eq3A_66 : f32 to vector<128x512xf32>
      %eq3A_68 = arith.cmpf oeq, %sub3A_46, %eq3A_67 : vector<128x512xf32>
      %and3A_69 = arith.andi %and3A, %eq3A_68 : vector<128x512xi1>
      %jit3A_70 = arith.constant 0.000000e+00 : f32
      %broadcast_in_dim3A_71 = vector.broadcast %jit3A_70 : f32 to vector<128x512xf32>
      %select_n3A_72 = arith.select %and3A_69, %broadcast_in_dim3A_57, %broadcast_in_dim3A_71 : vector<128x512xi1>, vector<128x512xf32>
      %reduce_sum3A_73 = arith.constant dense<0.000000e+00> : vector<128xf32>
      %reduce_sum3A_74 = vector.multi_reduction <add>, %select_n3A_72, %reduce_sum3A_73 [1] : vector<128x512xf32> to vector<128xf32>
      %broadcast_in_dim3A_75 = vector.shape_cast %reduce_sum3A_74 : vector<128xf32> to vector<128x1xf32>
      %eq3A_76 = arith.constant 2.000000e+00 : f32
      %eq3A_77 = vector.broadcast %eq3A_76 : f32 to vector<128x512xf32>
      %eq3A_78 = arith.cmpf oeq, %sub3A_46, %eq3A_77 : vector<128x512xf32>
      %and3A_79 = arith.andi %and3A, %eq3A_78 : vector<128x512xi1>
      %jit3A_80 = arith.constant 0.000000e+00 : f32
      %broadcast_in_dim3A_81 = vector.broadcast %jit3A_80 : f32 to vector<128x512xf32>
      %select_n3A_82 = arith.select %and3A_79, %broadcast_in_dim3A_57, %broadcast_in_dim3A_81 : vector<128x512xi1>, vector<128x512xf32>
      %reduce_sum3A_83 = arith.constant dense<0.000000e+00> : vector<128xf32>
      %reduce_sum3A_84 = vector.multi_reduction <add>, %select_n3A_82, %reduce_sum3A_83 [1] : vector<128x512xf32> to vector<128xf32>
      %broadcast_in_dim3A_85 = vector.shape_cast %reduce_sum3A_84 : vector<128xf32> to vector<128x1xf32>
      %eq3A_86 = arith.constant 3.000000e+00 : f32
      %eq3A_87 = vector.broadcast %eq3A_86 : f32 to vector<128x512xf32>
      %eq3A_88 = arith.cmpf oeq, %sub3A_46, %eq3A_87 : vector<128x512xf32>
      %and3A_89 = arith.andi %and3A, %eq3A_88 : vector<128x512xi1>
      %jit3A_90 = arith.constant 0.000000e+00 : f32
      %broadcast_in_dim3A_91 = vector.broadcast %jit3A_90 : f32 to vector<128x512xf32>
      %select_n3A_92 = arith.select %and3A_89, %broadcast_in_dim3A_57, %broadcast_in_dim3A_91 : vector<128x512xi1>, vector<128x512xf32>
      %reduce_sum3A_93 = arith.constant dense<0.000000e+00> : vector<128xf32>
      %reduce_sum3A_94 = vector.multi_reduction <add>, %select_n3A_92, %reduce_sum3A_93 [1] : vector<128x512xf32> to vector<128xf32>
      %broadcast_in_dim3A_95 = vector.shape_cast %reduce_sum3A_94 : vector<128xf32> to vector<128x1xf32>
      %eq3A_96 = arith.constant 4.000000e+00 : f32
      %eq3A_97 = vector.broadcast %eq3A_96 : f32 to vector<128x512xf32>
      %eq3A_98 = arith.cmpf oeq, %sub3A_46, %eq3A_97 : vector<128x512xf32>
      %and3A_99 = arith.andi %and3A, %eq3A_98 : vector<128x512xi1>
      %jit3A_100 = arith.constant 0.000000e+00 : f32
      %broadcast_in_dim3A_101 = vector.broadcast %jit3A_100 : f32 to vector<128x512xf32>
      %select_n3A_102 = arith.select %and3A_99, %broadcast_in_dim3A_57, %broadcast_in_dim3A_101 : vector<128x512xi1>, vector<128x512xf32>
      %reduce_sum3A_103 = arith.constant dense<0.000000e+00> : vector<128xf32>
      %reduce_sum3A_104 = vector.multi_reduction <add>, %select_n3A_102, %reduce_sum3A_103 [1] : vector<128x512xf32> to vector<128xf32>
      %broadcast_in_dim3A_105 = vector.shape_cast %reduce_sum3A_104 : vector<128xf32> to vector<128x1xf32>
      %eq3A_106 = arith.constant 5.000000e+00 : f32
      %eq3A_107 = vector.broadcast %eq3A_106 : f32 to vector<128x512xf32>
      %eq3A_108 = arith.cmpf oeq, %sub3A_46, %eq3A_107 : vector<128x512xf32>
      %and3A_109 = arith.andi %and3A, %eq3A_108 : vector<128x512xi1>
      %jit3A_110 = arith.constant 0.000000e+00 : f32
      %broadcast_in_dim3A_111 = vector.broadcast %jit3A_110 : f32 to vector<128x512xf32>
      %select_n3A_112 = arith.select %and3A_109, %broadcast_in_dim3A_57, %broadcast_in_dim3A_111 : vector<128x512xi1>, vector<128x512xf32>
      %reduce_sum3A_113 = arith.constant dense<0.000000e+00> : vector<128xf32>
      %reduce_sum3A_114 = vector.multi_reduction <add>, %select_n3A_112, %reduce_sum3A_113 [1] : vector<128x512xf32> to vector<128xf32>
      %broadcast_in_dim3A_115 = vector.shape_cast %reduce_sum3A_114 : vector<128xf32> to vector<128x1xf32>
      %eq3A_116 = arith.constant 6.000000e+00 : f32
      %eq3A_117 = vector.broadcast %eq3A_116 : f32 to vector<128x512xf32>
      %eq3A_118 = arith.cmpf oeq, %sub3A_46, %eq3A_117 : vector<128x512xf32>
      %and3A_119 = arith.andi %and3A, %eq3A_118 : vector<128x512xi1>
      %jit3A_120 = arith.constant 0.000000e+00 : f32
      %broadcast_in_dim3A_121 = vector.broadcast %jit3A_120 : f32 to vector<128x512xf32>
      %select_n3A_122 = arith.select %and3A_119, %broadcast_in_dim3A_57, %broadcast_in_dim3A_121 : vector<128x512xi1>, vector<128x512xf32>
      %reduce_sum3A_123 = arith.constant dense<0.000000e+00> : vector<128xf32>
      %reduce_sum3A_124 = vector.multi_reduction <add>, %select_n3A_122, %reduce_sum3A_123 [1] : vector<128x512xf32> to vector<128xf32>
      %broadcast_in_dim3A_125 = vector.shape_cast %reduce_sum3A_124 : vector<128xf32> to vector<128x1xf32>
      %eq3A_126 = arith.constant 7.000000e+00 : f32
      %eq3A_127 = vector.broadcast %eq3A_126 : f32 to vector<128x512xf32>
      %eq3A_128 = arith.cmpf oeq, %sub3A_46, %eq3A_127 : vector<128x512xf32>
      %and3A_129 = arith.andi %and3A, %eq3A_128 : vector<128x512xi1>
      %jit3A_130 = arith.constant 0.000000e+00 : f32
      %broadcast_in_dim3A_131 = vector.broadcast %jit3A_130 : f32 to vector<128x512xf32>
      %select_n3A_132 = arith.select %and3A_129, %broadcast_in_dim3A_57, %broadcast_in_dim3A_131 : vector<128x512xi1>, vector<128x512xf32>
      %reduce_sum3A_133 = arith.constant dense<0.000000e+00> : vector<128xf32>
      %reduce_sum3A_134 = vector.multi_reduction <add>, %select_n3A_132, %reduce_sum3A_133 [1] : vector<128x512xf32> to vector<128xf32>
      %broadcast_in_dim3A_135 = vector.shape_cast %reduce_sum3A_134 : vector<128xf32> to vector<128x1xf32>
      %eq3A_136 = arith.constant 8.000000e+00 : f32
      %eq3A_137 = vector.broadcast %eq3A_136 : f32 to vector<128x512xf32>
      %eq3A_138 = arith.cmpf oeq, %sub3A_46, %eq3A_137 : vector<128x512xf32>
      %and3A_139 = arith.andi %and3A, %eq3A_138 : vector<128x512xi1>
      %jit3A_140 = arith.constant 0.000000e+00 : f32
      %broadcast_in_dim3A_141 = vector.broadcast %jit3A_140 : f32 to vector<128x512xf32>
      %select_n3A_142 = arith.select %and3A_139, %broadcast_in_dim3A_57, %broadcast_in_dim3A_141 : vector<128x512xi1>, vector<128x512xf32>
      %reduce_sum3A_143 = arith.constant dense<0.000000e+00> : vector<128xf32>
      %reduce_sum3A_144 = vector.multi_reduction <add>, %select_n3A_142, %reduce_sum3A_143 [1] : vector<128x512xf32> to vector<128xf32>
      %broadcast_in_dim3A_145 = vector.shape_cast %reduce_sum3A_144 : vector<128xf32> to vector<128x1xf32>
      %eq3A_146 = arith.constant 9.000000e+00 : f32
      %eq3A_147 = vector.broadcast %eq3A_146 : f32 to vector<128x512xf32>
      %eq3A_148 = arith.cmpf oeq, %sub3A_46, %eq3A_147 : vector<128x512xf32>
      %and3A_149 = arith.andi %and3A, %eq3A_148 : vector<128x512xi1>
      %jit3A_150 = arith.constant 0.000000e+00 : f32
      %broadcast_in_dim3A_151 = vector.broadcast %jit3A_150 : f32 to vector<128x512xf32>
      %select_n3A_152 = arith.select %and3A_149, %broadcast_in_dim3A_57, %broadcast_in_dim3A_151 : vector<128x512xi1>, vector<128x512xf32>
      %reduce_sum3A_153 = arith.constant dense<0.000000e+00> : vector<128xf32>
      %reduce_sum3A_154 = vector.multi_reduction <add>, %select_n3A_152, %reduce_sum3A_153 [1] : vector<128x512xf32> to vector<128xf32>
      %broadcast_in_dim3A_155 = vector.shape_cast %reduce_sum3A_154 : vector<128xf32> to vector<128x1xf32>
      %eq3A_156 = arith.constant 1.000000e+01 : f32
      %eq3A_157 = vector.broadcast %eq3A_156 : f32 to vector<128x512xf32>
      %eq3A_158 = arith.cmpf oeq, %sub3A_46, %eq3A_157 : vector<128x512xf32>
      %and3A_159 = arith.andi %and3A, %eq3A_158 : vector<128x512xi1>
      %jit3A_160 = arith.constant 0.000000e+00 : f32
      %broadcast_in_dim3A_161 = vector.broadcast %jit3A_160 : f32 to vector<128x512xf32>
      %select_n3A_162 = arith.select %and3A_159, %broadcast_in_dim3A_57, %broadcast_in_dim3A_161 : vector<128x512xi1>, vector<128x512xf32>
      %reduce_sum3A_163 = arith.constant dense<0.000000e+00> : vector<128xf32>
      %reduce_sum3A_164 = vector.multi_reduction <add>, %select_n3A_162, %reduce_sum3A_163 [1] : vector<128x512xf32> to vector<128xf32>
      %broadcast_in_dim3A_165 = vector.shape_cast %reduce_sum3A_164 : vector<128xf32> to vector<128x1xf32>
      %eq3A_166 = arith.constant 1.100000e+01 : f32
      %eq3A_167 = vector.broadcast %eq3A_166 : f32 to vector<128x512xf32>
      %eq3A_168 = arith.cmpf oeq, %sub3A_46, %eq3A_167 : vector<128x512xf32>
      %and3A_169 = arith.andi %and3A, %eq3A_168 : vector<128x512xi1>
      %jit3A_170 = arith.constant 0.000000e+00 : f32
      %broadcast_in_dim3A_171 = vector.broadcast %jit3A_170 : f32 to vector<128x512xf32>
      %select_n3A_172 = arith.select %and3A_169, %broadcast_in_dim3A_57, %broadcast_in_dim3A_171 : vector<128x512xi1>, vector<128x512xf32>
      %reduce_sum3A_173 = arith.constant dense<0.000000e+00> : vector<128xf32>
      %reduce_sum3A_174 = vector.multi_reduction <add>, %select_n3A_172, %reduce_sum3A_173 [1] : vector<128x512xf32> to vector<128xf32>
      %broadcast_in_dim3A_175 = vector.shape_cast %reduce_sum3A_174 : vector<128xf32> to vector<128x1xf32>
      %eq3A_176 = arith.constant 1.200000e+01 : f32
      %eq3A_177 = vector.broadcast %eq3A_176 : f32 to vector<128x512xf32>
      %eq3A_178 = arith.cmpf oeq, %sub3A_46, %eq3A_177 : vector<128x512xf32>
      %and3A_179 = arith.andi %and3A, %eq3A_178 : vector<128x512xi1>
      %jit3A_180 = arith.constant 0.000000e+00 : f32
      %broadcast_in_dim3A_181 = vector.broadcast %jit3A_180 : f32 to vector<128x512xf32>
      %select_n3A_182 = arith.select %and3A_179, %broadcast_in_dim3A_57, %broadcast_in_dim3A_181 : vector<128x512xi1>, vector<128x512xf32>
      %reduce_sum3A_183 = arith.constant dense<0.000000e+00> : vector<128xf32>
      %reduce_sum3A_184 = vector.multi_reduction <add>, %select_n3A_182, %reduce_sum3A_183 [1] : vector<128x512xf32> to vector<128xf32>
      %broadcast_in_dim3A_185 = vector.shape_cast %reduce_sum3A_184 : vector<128xf32> to vector<128x1xf32>
      %eq3A_186 = arith.constant 1.300000e+01 : f32
      %eq3A_187 = vector.broadcast %eq3A_186 : f32 to vector<128x512xf32>
      %eq3A_188 = arith.cmpf oeq, %sub3A_46, %eq3A_187 : vector<128x512xf32>
      %and3A_189 = arith.andi %and3A, %eq3A_188 : vector<128x512xi1>
      %jit3A_190 = arith.constant 0.000000e+00 : f32
      %broadcast_in_dim3A_191 = vector.broadcast %jit3A_190 : f32 to vector<128x512xf32>
      %select_n3A_192 = arith.select %and3A_189, %broadcast_in_dim3A_57, %broadcast_in_dim3A_191 : vector<128x512xi1>, vector<128x512xf32>
      %reduce_sum3A_193 = arith.constant dense<0.000000e+00> : vector<128xf32>
      %reduce_sum3A_194 = vector.multi_reduction <add>, %select_n3A_192, %reduce_sum3A_193 [1] : vector<128x512xf32> to vector<128xf32>
      %broadcast_in_dim3A_195 = vector.shape_cast %reduce_sum3A_194 : vector<128xf32> to vector<128x1xf32>
      %eq3A_196 = arith.constant 1.400000e+01 : f32
      %eq3A_197 = vector.broadcast %eq3A_196 : f32 to vector<128x512xf32>
      %eq3A_198 = arith.cmpf oeq, %sub3A_46, %eq3A_197 : vector<128x512xf32>
      %and3A_199 = arith.andi %and3A, %eq3A_198 : vector<128x512xi1>
      %jit3A_200 = arith.constant 0.000000e+00 : f32
      %broadcast_in_dim3A_201 = vector.broadcast %jit3A_200 : f32 to vector<128x512xf32>
      %select_n3A_202 = arith.select %and3A_199, %broadcast_in_dim3A_57, %broadcast_in_dim3A_201 : vector<128x512xi1>, vector<128x512xf32>
      %reduce_sum3A_203 = arith.constant dense<0.000000e+00> : vector<128xf32>
      %reduce_sum3A_204 = vector.multi_reduction <add>, %select_n3A_202, %reduce_sum3A_203 [1] : vector<128x512xf32> to vector<128xf32>
      %broadcast_in_dim3A_205 = vector.shape_cast %reduce_sum3A_204 : vector<128xf32> to vector<128x1xf32>
      %eq3A_206 = arith.constant 1.500000e+01 : f32
      %eq3A_207 = vector.broadcast %eq3A_206 : f32 to vector<128x512xf32>
      %eq3A_208 = arith.cmpf oeq, %sub3A_46, %eq3A_207 : vector<128x512xf32>
      %and3A_209 = arith.andi %and3A, %eq3A_208 : vector<128x512xi1>
      %jit3A_210 = arith.constant 0.000000e+00 : f32
      %broadcast_in_dim3A_211 = vector.broadcast %jit3A_210 : f32 to vector<128x512xf32>
      %select_n3A_212 = arith.select %and3A_209, %broadcast_in_dim3A_57, %broadcast_in_dim3A_211 : vector<128x512xi1>, vector<128x512xf32>
      %reduce_sum3A_213 = arith.constant dense<0.000000e+00> : vector<128xf32>
      %reduce_sum3A_214 = vector.multi_reduction <add>, %select_n3A_212, %reduce_sum3A_213 [1] : vector<128x512xf32> to vector<128xf32>
      %broadcast_in_dim3A_215 = vector.shape_cast %reduce_sum3A_214 : vector<128xf32> to vector<128x1xf32>
      %eq3A_216 = arith.constant 1.600000e+01 : f32
      %eq3A_217 = vector.broadcast %eq3A_216 : f32 to vector<128x512xf32>
      %eq3A_218 = arith.cmpf oeq, %sub3A_46, %eq3A_217 : vector<128x512xf32>
      %and3A_219 = arith.andi %and3A, %eq3A_218 : vector<128x512xi1>
      %jit3A_220 = arith.constant 0.000000e+00 : f32
      %broadcast_in_dim3A_221 = vector.broadcast %jit3A_220 : f32 to vector<128x512xf32>
      %select_n3A_222 = arith.select %and3A_219, %broadcast_in_dim3A_57, %broadcast_in_dim3A_221 : vector<128x512xi1>, vector<128x512xf32>
      %reduce_sum3A_223 = arith.constant dense<0.000000e+00> : vector<128xf32>
      %reduce_sum3A_224 = vector.multi_reduction <add>, %select_n3A_222, %reduce_sum3A_223 [1] : vector<128x512xf32> to vector<128xf32>
      %broadcast_in_dim3A_225 = vector.shape_cast %reduce_sum3A_224 : vector<128xf32> to vector<128x1xf32>
      %eq3A_226 = arith.constant 1.700000e+01 : f32
      %eq3A_227 = vector.broadcast %eq3A_226 : f32 to vector<128x512xf32>
      %eq3A_228 = arith.cmpf oeq, %sub3A_46, %eq3A_227 : vector<128x512xf32>
      %and3A_229 = arith.andi %and3A, %eq3A_228 : vector<128x512xi1>
      %jit3A_230 = arith.constant 0.000000e+00 : f32
      %broadcast_in_dim3A_231 = vector.broadcast %jit3A_230 : f32 to vector<128x512xf32>
      %select_n3A_232 = arith.select %and3A_229, %broadcast_in_dim3A_57, %broadcast_in_dim3A_231 : vector<128x512xi1>, vector<128x512xf32>
      %reduce_sum3A_233 = arith.constant dense<0.000000e+00> : vector<128xf32>
      %reduce_sum3A_234 = vector.multi_reduction <add>, %select_n3A_232, %reduce_sum3A_233 [1] : vector<128x512xf32> to vector<128xf32>
      %broadcast_in_dim3A_235 = vector.shape_cast %reduce_sum3A_234 : vector<128xf32> to vector<128x1xf32>
      %eq3A_236 = arith.constant 1.800000e+01 : f32
      %eq3A_237 = vector.broadcast %eq3A_236 : f32 to vector<128x512xf32>
      %eq3A_238 = arith.cmpf oeq, %sub3A_46, %eq3A_237 : vector<128x512xf32>
      %and3A_239 = arith.andi %and3A, %eq3A_238 : vector<128x512xi1>
      %jit3A_240 = arith.constant 0.000000e+00 : f32
      %broadcast_in_dim3A_241 = vector.broadcast %jit3A_240 : f32 to vector<128x512xf32>
      %select_n3A_242 = arith.select %and3A_239, %broadcast_in_dim3A_57, %broadcast_in_dim3A_241 : vector<128x512xi1>, vector<128x512xf32>
      %reduce_sum3A_243 = arith.constant dense<0.000000e+00> : vector<128xf32>
      %reduce_sum3A_244 = vector.multi_reduction <add>, %select_n3A_242, %reduce_sum3A_243 [1] : vector<128x512xf32> to vector<128xf32>
      %broadcast_in_dim3A_245 = vector.shape_cast %reduce_sum3A_244 : vector<128xf32> to vector<128x1xf32>
      %eq3A_246 = arith.constant 1.900000e+01 : f32
      %eq3A_247 = vector.broadcast %eq3A_246 : f32 to vector<128x512xf32>
      %eq3A_248 = arith.cmpf oeq, %sub3A_46, %eq3A_247 : vector<128x512xf32>
      %and3A_249 = arith.andi %and3A, %eq3A_248 : vector<128x512xi1>
      %jit3A_250 = arith.constant 0.000000e+00 : f32
      %broadcast_in_dim3A_251 = vector.broadcast %jit3A_250 : f32 to vector<128x512xf32>
      %select_n3A_252 = arith.select %and3A_249, %broadcast_in_dim3A_57, %broadcast_in_dim3A_251 : vector<128x512xi1>, vector<128x512xf32>
      %reduce_sum3A_253 = arith.constant dense<0.000000e+00> : vector<128xf32>
      %reduce_sum3A_254 = vector.multi_reduction <add>, %select_n3A_252, %reduce_sum3A_253 [1] : vector<128x512xf32> to vector<128xf32>
      %broadcast_in_dim3A_255 = vector.shape_cast %reduce_sum3A_254 : vector<128xf32> to vector<128x1xf32>
      %eq3A_256 = arith.constant 2.000000e+01 : f32
      %eq3A_257 = vector.broadcast %eq3A_256 : f32 to vector<128x512xf32>
      %eq3A_258 = arith.cmpf oeq, %sub3A_46, %eq3A_257 : vector<128x512xf32>
      %and3A_259 = arith.andi %and3A, %eq3A_258 : vector<128x512xi1>
      %jit3A_260 = arith.constant 0.000000e+00 : f32
      %broadcast_in_dim3A_261 = vector.broadcast %jit3A_260 : f32 to vector<128x512xf32>
      %select_n3A_262 = arith.select %and3A_259, %broadcast_in_dim3A_57, %broadcast_in_dim3A_261 : vector<128x512xi1>, vector<128x512xf32>
      %reduce_sum3A_263 = arith.constant dense<0.000000e+00> : vector<128xf32>
      %reduce_sum3A_264 = vector.multi_reduction <add>, %select_n3A_262, %reduce_sum3A_263 [1] : vector<128x512xf32> to vector<128xf32>
      %broadcast_in_dim3A_265 = vector.shape_cast %reduce_sum3A_264 : vector<128xf32> to vector<128x1xf32>
      %eq3A_266 = arith.constant 2.100000e+01 : f32
      %eq3A_267 = vector.broadcast %eq3A_266 : f32 to vector<128x512xf32>
      %eq3A_268 = arith.cmpf oeq, %sub3A_46, %eq3A_267 : vector<128x512xf32>
      %and3A_269 = arith.andi %and3A, %eq3A_268 : vector<128x512xi1>
      %jit3A_270 = arith.constant 0.000000e+00 : f32
      %broadcast_in_dim3A_271 = vector.broadcast %jit3A_270 : f32 to vector<128x512xf32>
      %select_n3A_272 = arith.select %and3A_269, %broadcast_in_dim3A_57, %broadcast_in_dim3A_271 : vector<128x512xi1>, vector<128x512xf32>
      %reduce_sum3A_273 = arith.constant dense<0.000000e+00> : vector<128xf32>
      %reduce_sum3A_274 = vector.multi_reduction <add>, %select_n3A_272, %reduce_sum3A_273 [1] : vector<128x512xf32> to vector<128xf32>
      %broadcast_in_dim3A_275 = vector.shape_cast %reduce_sum3A_274 : vector<128xf32> to vector<128x1xf32>
      %eq3A_276 = arith.constant 2.200000e+01 : f32
      %eq3A_277 = vector.broadcast %eq3A_276 : f32 to vector<128x512xf32>
      %eq3A_278 = arith.cmpf oeq, %sub3A_46, %eq3A_277 : vector<128x512xf32>
      %and3A_279 = arith.andi %and3A, %eq3A_278 : vector<128x512xi1>
      %jit3A_280 = arith.constant 0.000000e+00 : f32
      %broadcast_in_dim3A_281 = vector.broadcast %jit3A_280 : f32 to vector<128x512xf32>
      %select_n3A_282 = arith.select %and3A_279, %broadcast_in_dim3A_57, %broadcast_in_dim3A_281 : vector<128x512xi1>, vector<128x512xf32>
      %reduce_sum3A_283 = arith.constant dense<0.000000e+00> : vector<128xf32>
      %reduce_sum3A_284 = vector.multi_reduction <add>, %select_n3A_282, %reduce_sum3A_283 [1] : vector<128x512xf32> to vector<128xf32>
      %broadcast_in_dim3A_285 = vector.shape_cast %reduce_sum3A_284 : vector<128xf32> to vector<128x1xf32>
      %eq3A_286 = arith.constant 2.300000e+01 : f32
      %eq3A_287 = vector.broadcast %eq3A_286 : f32 to vector<128x512xf32>
      %eq3A_288 = arith.cmpf oeq, %sub3A_46, %eq3A_287 : vector<128x512xf32>
      %and3A_289 = arith.andi %and3A, %eq3A_288 : vector<128x512xi1>
      %jit3A_290 = arith.constant 0.000000e+00 : f32
      %broadcast_in_dim3A_291 = vector.broadcast %jit3A_290 : f32 to vector<128x512xf32>
      %select_n3A_292 = arith.select %and3A_289, %broadcast_in_dim3A_57, %broadcast_in_dim3A_291 : vector<128x512xi1>, vector<128x512xf32>
      %reduce_sum3A_293 = arith.constant dense<0.000000e+00> : vector<128xf32>
      %reduce_sum3A_294 = vector.multi_reduction <add>, %select_n3A_292, %reduce_sum3A_293 [1] : vector<128x512xf32> to vector<128xf32>
      %broadcast_in_dim3A_295 = vector.shape_cast %reduce_sum3A_294 : vector<128xf32> to vector<128x1xf32>
      %eq3A_296 = arith.constant 2.400000e+01 : f32
      %eq3A_297 = vector.broadcast %eq3A_296 : f32 to vector<128x512xf32>
      %eq3A_298 = arith.cmpf oeq, %sub3A_46, %eq3A_297 : vector<128x512xf32>
      %and3A_299 = arith.andi %and3A, %eq3A_298 : vector<128x512xi1>
      %jit3A_300 = arith.constant 0.000000e+00 : f32
      %broadcast_in_dim3A_301 = vector.broadcast %jit3A_300 : f32 to vector<128x512xf32>
      %select_n3A_302 = arith.select %and3A_299, %broadcast_in_dim3A_57, %broadcast_in_dim3A_301 : vector<128x512xi1>, vector<128x512xf32>
      %reduce_sum3A_303 = arith.constant dense<0.000000e+00> : vector<128xf32>
      %reduce_sum3A_304 = vector.multi_reduction <add>, %select_n3A_302, %reduce_sum3A_303 [1] : vector<128x512xf32> to vector<128xf32>
      %broadcast_in_dim3A_305 = vector.shape_cast %reduce_sum3A_304 : vector<128xf32> to vector<128x1xf32>
      %eq3A_306 = arith.constant 2.500000e+01 : f32
      %eq3A_307 = vector.broadcast %eq3A_306 : f32 to vector<128x512xf32>
      %eq3A_308 = arith.cmpf oeq, %sub3A_46, %eq3A_307 : vector<128x512xf32>
      %and3A_309 = arith.andi %and3A, %eq3A_308 : vector<128x512xi1>
      %jit3A_310 = arith.constant 0.000000e+00 : f32
      %broadcast_in_dim3A_311 = vector.broadcast %jit3A_310 : f32 to vector<128x512xf32>
      %select_n3A_312 = arith.select %and3A_309, %broadcast_in_dim3A_57, %broadcast_in_dim3A_311 : vector<128x512xi1>, vector<128x512xf32>
      %reduce_sum3A_313 = arith.constant dense<0.000000e+00> : vector<128xf32>
      %reduce_sum3A_314 = vector.multi_reduction <add>, %select_n3A_312, %reduce_sum3A_313 [1] : vector<128x512xf32> to vector<128xf32>
      %broadcast_in_dim3A_315 = vector.shape_cast %reduce_sum3A_314 : vector<128xf32> to vector<128x1xf32>
      %eq3A_316 = arith.constant 2.600000e+01 : f32
      %eq3A_317 = vector.broadcast %eq3A_316 : f32 to vector<128x512xf32>
      %eq3A_318 = arith.cmpf oeq, %sub3A_46, %eq3A_317 : vector<128x512xf32>
      %and3A_319 = arith.andi %and3A, %eq3A_318 : vector<128x512xi1>
      %jit3A_320 = arith.constant 0.000000e+00 : f32
      %broadcast_in_dim3A_321 = vector.broadcast %jit3A_320 : f32 to vector<128x512xf32>
      %select_n3A_322 = arith.select %and3A_319, %broadcast_in_dim3A_57, %broadcast_in_dim3A_321 : vector<128x512xi1>, vector<128x512xf32>
      %reduce_sum3A_323 = arith.constant dense<0.000000e+00> : vector<128xf32>
      %reduce_sum3A_324 = vector.multi_reduction <add>, %select_n3A_322, %reduce_sum3A_323 [1] : vector<128x512xf32> to vector<128xf32>
      %broadcast_in_dim3A_325 = vector.shape_cast %reduce_sum3A_324 : vector<128xf32> to vector<128x1xf32>
      %eq3A_326 = arith.constant 2.700000e+01 : f32
      %eq3A_327 = vector.broadcast %eq3A_326 : f32 to vector<128x512xf32>
      %eq3A_328 = arith.cmpf oeq, %sub3A_46, %eq3A_327 : vector<128x512xf32>
      %and3A_329 = arith.andi %and3A, %eq3A_328 : vector<128x512xi1>
      %jit3A_330 = arith.constant 0.000000e+00 : f32
      %broadcast_in_dim3A_331 = vector.broadcast %jit3A_330 : f32 to vector<128x512xf32>
      %select_n3A_332 = arith.select %and3A_329, %broadcast_in_dim3A_57, %broadcast_in_dim3A_331 : vector<128x512xi1>, vector<128x512xf32>
      %reduce_sum3A_333 = arith.constant dense<0.000000e+00> : vector<128xf32>
      %reduce_sum3A_334 = vector.multi_reduction <add>, %select_n3A_332, %reduce_sum3A_333 [1] : vector<128x512xf32> to vector<128xf32>
      %broadcast_in_dim3A_335 = vector.shape_cast %reduce_sum3A_334 : vector<128xf32> to vector<128x1xf32>
      %eq3A_336 = arith.constant 2.800000e+01 : f32
      %eq3A_337 = vector.broadcast %eq3A_336 : f32 to vector<128x512xf32>
      %eq3A_338 = arith.cmpf oeq, %sub3A_46, %eq3A_337 : vector<128x512xf32>
      %and3A_339 = arith.andi %and3A, %eq3A_338 : vector<128x512xi1>
      %jit3A_340 = arith.constant 0.000000e+00 : f32
      %broadcast_in_dim3A_341 = vector.broadcast %jit3A_340 : f32 to vector<128x512xf32>
      %select_n3A_342 = arith.select %and3A_339, %broadcast_in_dim3A_57, %broadcast_in_dim3A_341 : vector<128x512xi1>, vector<128x512xf32>
      %reduce_sum3A_343 = arith.constant dense<0.000000e+00> : vector<128xf32>
      %reduce_sum3A_344 = vector.multi_reduction <add>, %select_n3A_342, %reduce_sum3A_343 [1] : vector<128x512xf32> to vector<128xf32>
      %broadcast_in_dim3A_345 = vector.shape_cast %reduce_sum3A_344 : vector<128xf32> to vector<128x1xf32>
      %eq3A_346 = arith.constant 2.900000e+01 : f32
      %eq3A_347 = vector.broadcast %eq3A_346 : f32 to vector<128x512xf32>
      %eq3A_348 = arith.cmpf oeq, %sub3A_46, %eq3A_347 : vector<128x512xf32>
      %and3A_349 = arith.andi %and3A, %eq3A_348 : vector<128x512xi1>
      %jit3A_350 = arith.constant 0.000000e+00 : f32
      %broadcast_in_dim3A_351 = vector.broadcast %jit3A_350 : f32 to vector<128x512xf32>
      %select_n3A_352 = arith.select %and3A_349, %broadcast_in_dim3A_57, %broadcast_in_dim3A_351 : vector<128x512xi1>, vector<128x512xf32>
      %reduce_sum3A_353 = arith.constant dense<0.000000e+00> : vector<128xf32>
      %reduce_sum3A_354 = vector.multi_reduction <add>, %select_n3A_352, %reduce_sum3A_353 [1] : vector<128x512xf32> to vector<128xf32>
      %broadcast_in_dim3A_355 = vector.shape_cast %reduce_sum3A_354 : vector<128xf32> to vector<128x1xf32>
      %eq3A_356 = arith.constant 3.000000e+01 : f32
      %eq3A_357 = vector.broadcast %eq3A_356 : f32 to vector<128x512xf32>
      %eq3A_358 = arith.cmpf oeq, %sub3A_46, %eq3A_357 : vector<128x512xf32>
      %and3A_359 = arith.andi %and3A, %eq3A_358 : vector<128x512xi1>
      %jit3A_360 = arith.constant 0.000000e+00 : f32
      %broadcast_in_dim3A_361 = vector.broadcast %jit3A_360 : f32 to vector<128x512xf32>
      %select_n3A_362 = arith.select %and3A_359, %broadcast_in_dim3A_57, %broadcast_in_dim3A_361 : vector<128x512xi1>, vector<128x512xf32>
      %reduce_sum3A_363 = arith.constant dense<0.000000e+00> : vector<128xf32>
      %reduce_sum3A_364 = vector.multi_reduction <add>, %select_n3A_362, %reduce_sum3A_363 [1] : vector<128x512xf32> to vector<128xf32>
      %broadcast_in_dim3A_365 = vector.shape_cast %reduce_sum3A_364 : vector<128xf32> to vector<128x1xf32>
      %eq3A_366 = arith.constant 3.100000e+01 : f32
      %eq3A_367 = vector.broadcast %eq3A_366 : f32 to vector<128x512xf32>
      %eq3A_368 = arith.cmpf oeq, %sub3A_46, %eq3A_367 : vector<128x512xf32>
      %and3A_369 = arith.andi %and3A, %eq3A_368 : vector<128x512xi1>
      %jit3A_370 = arith.constant 0.000000e+00 : f32
      %broadcast_in_dim3A_371 = vector.broadcast %jit3A_370 : f32 to vector<128x512xf32>
      %select_n3A_372 = arith.select %and3A_369, %broadcast_in_dim3A_57, %broadcast_in_dim3A_371 : vector<128x512xi1>, vector<128x512xf32>
      %reduce_sum3A_373 = arith.constant dense<0.000000e+00> : vector<128xf32>
      %reduce_sum3A_374 = vector.multi_reduction <add>, %select_n3A_372, %reduce_sum3A_373 [1] : vector<128x512xf32> to vector<128xf32>
      %broadcast_in_dim3A_375 = vector.shape_cast %reduce_sum3A_374 : vector<128xf32> to vector<128x1xf32>
      %get3A_376 = arith.constant 0 : index
      %get3A_377 = arith.constant 0 : index
      %get3A_378 = vector.load %arg7[%get3A_376, %get3A_377] : memref<128x32xf32, #tpu.memory_space<vmem>>, vector<128x32xf32>
      %concatenate3A = tpu.concatenate %broadcast_in_dim3A_65, %broadcast_in_dim3A_75, %broadcast_in_dim3A_85, %broadcast_in_dim3A_95, %broadcast_in_dim3A_105, %broadcast_in_dim3A_115, %broadcast_in_dim3A_125, %broadcast_in_dim3A_135, %broadcast_in_dim3A_145, %broadcast_in_dim3A_155, %broadcast_in_dim3A_165, %broadcast_in_dim3A_175, %broadcast_in_dim3A_185, %broadcast_in_dim3A_195, %broadcast_in_dim3A_205, %broadcast_in_dim3A_215, %broadcast_in_dim3A_225, %broadcast_in_dim3A_235, %broadcast_in_dim3A_245, %broadcast_in_dim3A_255, %broadcast_in_dim3A_265, %broadcast_in_dim3A_275, %broadcast_in_dim3A_285, %broadcast_in_dim3A_295, %broadcast_in_dim3A_305, %broadcast_in_dim3A_315, %broadcast_in_dim3A_325, %broadcast_in_dim3A_335, %broadcast_in_dim3A_345, %broadcast_in_dim3A_355, %broadcast_in_dim3A_365, %broadcast_in_dim3A_375 in 1 : vector<128x1xf32>, vector<128x1xf32>, vector<128x1xf32>, vector<128x1xf32>, vector<128x1xf32>, vector<128x1xf32>, vector<128x1xf32>, vector<128x1xf32>, vector<128x1xf32>, vector<128x1xf32>, vector<128x1xf32>, vector<128x1xf32>, vector<128x1xf32>, vector<128x1xf32>, vector<128x1xf32>, vector<128x1xf32>, vector<128x1xf32>, vector<128x1xf32>, vector<128x1xf32>, vector<128x1xf32>, vector<128x1xf32>, vector<128x1xf32>, vector<128x1xf32>, vector<128x1xf32>, vector<128x1xf32>, vector<128x1xf32>, vector<128x1xf32>, vector<128x1xf32>, vector<128x1xf32>, vector<128x1xf32>, vector<128x1xf32>, vector<128x1xf32> -> vector<128x32xf32>
      %add3A_379 = arith.addf %get3A_378, %concatenate3A : vector<128x32xf32>
      %swap3A = arith.constant 0 : index
      %swap3A_380 = arith.constant 0 : index
      %swap3A_381 = vector.load %arg7[%swap3A, %swap3A_380] : memref<128x32xf32, #tpu.memory_space<vmem>>, vector<128x32xf32>
      tpu.vector_store %arg7[%swap3A, %swap3A_380], %add3A_379 {strides = array<i32>} : memref<128x32xf32, #tpu.memory_space<vmem>>, vector<128x32xf32>,
      %reduce_sum3A_382 = arith.constant dense<0.000000e+00> : vector<128xf32>
      %reduce_sum3A_383 = vector.multi_reduction <add>, %convert_element_type3A_33, %reduce_sum3A_382 [1] : vector<128x512xf32> to vector<128xf32>
      %broadcast_in_dim3A_384 = vector.shape_cast %reduce_sum3A_383 : vector<128xf32> to vector<128x1xf32>
      %add3A_385 = arith.addf %get3A_41, %broadcast_in_dim3A_384 : vector<128x1xf32>
      %swap3A_386 = arith.constant 0 : index
      %swap3A_387 = arith.constant 0 : index
      %swap3A_388 = vector.load %arg6[%swap3A_386, %swap3A_387] : memref<128x1xf32, #tpu.memory_space<vmem>>, vector<128x1xf32>
      tpu.vector_store %arg6[%swap3A_386, %swap3A_387], %add3A_385 {strides = array<i32>} : memref<128x1xf32, #tpu.memory_space<vmem>>, vector<128x1xf32>,
      %ge3A = arith.constant 3.200000e+01 : f32
      %ge3A_389 = vector.broadcast %ge3A : f32 to vector<128x1xf32>
      %ge3A_390 = arith.cmpf oge, %add3A_385, %ge3A_389 : vector<128x1xf32>
      %reduce_and3A = arith.constant 1.000000e+00 : f32
      %reduce_and3A_391 = arith.constant 0.000000e+00 : f32
      %reduce_and3A_392 = vector.broadcast %reduce_and3A : f32 to vector<128x1xf32>
      %reduce_and3A_393 = vector.broadcast %reduce_and3A_391 : f32 to vector<128x1xf32>
      %reduce_and3A_394 = arith.select %ge3A_390, %reduce_and3A_392, %reduce_and3A_393 : vector<128x1xi1>, vector<128x1xf32>
      %reduce_and3A_395 = vector.shape_cast %reduce_and3A_394 : vector<128x1xf32> to vector<1x128x1xf32>
      %reduce_and3A_396 = arith.constant dense<0x7F800000> : vector<1xf32>
      %reduce_and3A_397 = vector.multi_reduction <minimumf>, %reduce_and3A_395, %reduce_and3A_396 [1, 2] : vector<1x128x1xf32> to vector<1xf32>
      %reduce_and3A_398 = vector.shape_cast %reduce_and3A_397 : vector<1xf32> to vector<1x1x1xf32>
      %reduce_and3A_399 = vector.extract %reduce_and3A_398[0, 0, 0] : f32 from vector<1x1x1xf32>
      %reduce_and3A_400 = arith.constant 0.000000e+00 : f32
      %reduce_and3A_401 = arith.cmpf ogt, %reduce_and3A_399, %reduce_and3A_400 : f32
      %convert_element_type3A_402 = arith.extui %reduce_and3A_401 : i1 to i32
      %swap3A_403 = arith.constant 0 : index
      %swap3A_404 = memref.load %arg8[%swap3A_403] : memref<1xi32, #tpu.memory_space<smem>>
      memref.store %convert_element_type3A_402, %arg8[%swap3A_403] : memref<1xi32, #tpu.memory_space<smem>>
    } else {
    }
    %eq3A_8 = arith.constant 9 : i32
    %eq3A_9 = arith.cmpi eq, %arg1, %eq3A_8 : i32
    %convert_element_type3A_10 = arith.extui %eq3A_9 : i1 to i32
    %cond3A_11 = arith.constant 0 : i32
    %cond3A_12 = arith.cmpi ne, %convert_element_type3A_10, %cond3A_11 : i32
    scf.if %cond3A_12 {
      %iota3A = tpu.iota {dimensions = array<i32: 1>} : vector<128x32xi32>
      %convert_element_type3A_13 = arith.sitofp %iota3A : vector<128x32xi32> to vector<128x32xf32>
      %get3A_14 = arith.constant 0 : index
      %get3A_15 = arith.constant 0 : index
      %get3A_16 = vector.load %arg6[%get3A_14, %get3A_15] : memref<128x1xf32, #tpu.memory_space<vmem>>, vector<128x1xf32>
      %lt3A = vector.broadcast %get3A_16 : vector<128x1xf32> to vector<128x32xf32>
      %lt3A_17 = arith.cmpf olt, %convert_element_type3A_13, %lt3A : vector<128x32xf32>
      %get3A_18 = arith.constant 0 : index
      %get3A_19 = arith.constant 0 : index
      %get3A_20 = vector.load %arg7[%get3A_18, %get3A_19] : memref<128x32xf32, #tpu.memory_space<vmem>>, vector<128x32xf32>
      %convert_element_type3A_21 = arith.fptosi %get3A_20 : vector<128x32xf32> to vector<128x32xi32>
      %jit3A = arith.constant -1 : i32
      %broadcast_in_dim3A = vector.broadcast %jit3A : i32 to vector<128x32xi32>
      %select_n3A = arith.select %lt3A_17, %convert_element_type3A_21, %broadcast_in_dim3A : vector<128x32xi1>, vector<128x32xi32>
      %swap3A = arith.constant 0 : index
      %swap3A_22 = arith.constant 0 : index
      %swap3A_23 = vector.load %arg5[%swap3A, %swap3A_22] : memref<128x32xi32, #tpu.memory_space<vmem>>, vector<128x32xi32>
      tpu.vector_store %arg5[%swap3A, %swap3A_22], %select_n3A {strides = array<i32>} : memref<128x32xi32, #tpu.memory_space<vmem>>, vector<128x32xi32>,
    } else {
    }
    return
  }
  func.func @transform_0(%arg0: i32, %arg1: i32) -> (i32, i32) {
    %c0_i32 = arith.constant 0 : i32
    %c0_i32_0 = arith.constant 0 : i32
    return %arg0, %c0_i32 : i32, i32
  }
  func.func @transform_1(%arg0: i32, %arg1: i32) -> (i32, i32) {
    %c0_i32 = arith.constant 0 : i32
    %c0_i32_0 = arith.constant 0 : i32
    return %c0_i32, %arg1 : i32, i32
  }
  func.func @transform_2(%arg0: i32, %arg1: i32) -> (i32, i32) {
    %c0_i32 = arith.constant 0 : i32
    %c0_i32_0 = arith.constant 0 : i32
    %c0_i32_1 = arith.constant 0 : i32
    return %c0_i32, %c0_i32_0 : i32, i32
  }
  func.func @transform_3(%arg0: i32, %arg1: i32) -> (i32, i32) {
    %c0_i32 = arith.constant 0 : i32
    %c0_i32_0 = arith.constant 0 : i32
    return %arg0, %c0_i32 : i32, i32
  }
}

module attributes {stable_mosaic.version = 14 : i64} {
  func.func @_edge_kernel(%arg0: i32, %arg1: memref<3x5120xf32, #tpu.memory_space<vmem>>, %arg2: memref<3x5120xf32, #tpu.memory_space<vmem>>, %arg3: memref<3x5120xf32, #tpu.memory_space<vmem>>, %arg4: memref<3x5120xf32, #tpu.memory_space<vmem>>, %arg5: memref<16x5120xf32, #tpu.memory_space<vmem>>, %arg6: memref<1x5120xf32, #tpu.memory_space<vmem>>, %arg7: memref<20x20xf32, #tpu.memory_space<vmem>>, %arg8: memref<20x1xf32, #tpu.memory_space<vmem>>, %arg9: memref<20x20xf32, #tpu.memory_space<vmem>>, %arg10: memref<20x1xf32, #tpu.memory_space<vmem>>, %arg11: memref<16x20xf32, #tpu.memory_space<vmem>>, %arg12: memref<16x1xf32, #tpu.memory_space<vmem>>, %arg13: memref<16x5120xf32, #tpu.memory_space<vmem>>, %arg14: memref<20x5120xf32, #tpu.memory_space<vmem>>) attributes {dimension_semantics = [#tpu.dimension_semantics<arbitrary>], iteration_bounds = array<i64: 32>, scalar_prefetch = 0 : i64, scratch_operands = 1 : i64, tpu.core_type = #tpu.core_type<tc>, window_params = [{transform_indices = @transform_0, window_bounds = array<i64: 3, 5120>}, {transform_indices = @transform_1, window_bounds = array<i64: 3, 5120>}, {transform_indices = @transform_2, window_bounds = array<i64: 3, 5120>}, {transform_indices = @transform_3, window_bounds = array<i64: 3, 5120>}, {transform_indices = @transform_4, window_bounds = array<i64: 16, 5120>}, {transform_indices = @transform_5, window_bounds = array<i64: 1, 5120>}, {pipeline_mode = #tpu.pipeline_mode<synchronous>, transform_indices = @transform_6, window_bounds = array<i64: 20, 20>}, {pipeline_mode = #tpu.pipeline_mode<synchronous>, transform_indices = @transform_7, window_bounds = array<i64: 20, 1>}, {pipeline_mode = #tpu.pipeline_mode<synchronous>, transform_indices = @transform_8, window_bounds = array<i64: 20, 20>}, {pipeline_mode = #tpu.pipeline_mode<synchronous>, transform_indices = @transform_9, window_bounds = array<i64: 20, 1>}, {pipeline_mode = #tpu.pipeline_mode<synchronous>, transform_indices = @transform_10, window_bounds = array<i64: 16, 20>}, {pipeline_mode = #tpu.pipeline_mode<synchronous>, transform_indices = @transform_11, window_bounds = array<i64: 16, 1>}, {pipeline_mode = #tpu.pipeline_mode<synchronous>, transform_indices = @transform_12, window_bounds = array<i64: 16, 5120>}]} {
    %get3A = arith.constant 0 : index
    %get3A_0 = arith.constant 0 : index
    %get3A_1 = vector.load %arg1[%get3A, %get3A_0] : memref<3x5120xf32, #tpu.memory_space<vmem>>, vector<3x5120xf32>
    %get3A_2 = arith.constant 0 : index
    %get3A_3 = arith.constant 0 : index
    %get3A_4 = vector.load %arg2[%get3A_2, %get3A_3] : memref<3x5120xf32, #tpu.memory_space<vmem>>, vector<3x5120xf32>
    %slice3A = vector.extract_strided_slice %get3A_4 {offsets = [0, 0], sizes = [1, 5120], strides = [1, 1]} : vector<3x5120xf32> to vector<1x5120xf32>
    %slice3A_5 = vector.extract_strided_slice %get3A_1 {offsets = [0, 0], sizes = [1, 5120], strides = [1, 1]} : vector<3x5120xf32> to vector<1x5120xf32>
    %sub3A = arith.subf %slice3A, %slice3A_5 : vector<1x5120xf32>
    %slice3A_6 = vector.extract_strided_slice %get3A_4 {offsets = [1, 0], sizes = [1, 5120], strides = [1, 1]} : vector<3x5120xf32> to vector<1x5120xf32>
    %slice3A_7 = vector.extract_strided_slice %get3A_1 {offsets = [1, 0], sizes = [1, 5120], strides = [1, 1]} : vector<3x5120xf32> to vector<1x5120xf32>
    %sub3A_8 = arith.subf %slice3A_6, %slice3A_7 : vector<1x5120xf32>
    %slice3A_9 = vector.extract_strided_slice %get3A_4 {offsets = [2, 0], sizes = [1, 5120], strides = [1, 1]} : vector<3x5120xf32> to vector<1x5120xf32>
    %slice3A_10 = vector.extract_strided_slice %get3A_1 {offsets = [2, 0], sizes = [1, 5120], strides = [1, 1]} : vector<3x5120xf32> to vector<1x5120xf32>
    %sub3A_11 = arith.subf %slice3A_9, %slice3A_10 : vector<1x5120xf32>
    %mul3A = arith.mulf %sub3A, %sub3A : vector<1x5120xf32>
    %mul3A_12 = arith.mulf %sub3A_8, %sub3A_8 : vector<1x5120xf32>
    %add3A = arith.addf %mul3A, %mul3A_12 : vector<1x5120xf32>
    %mul3A_13 = arith.mulf %sub3A_11, %sub3A_11 : vector<1x5120xf32>
    %add3A_14 = arith.addf %add3A, %mul3A_13 : vector<1x5120xf32>
    %gt3A = arith.constant 9.99999968E-21 : f32
    %gt3A_15 = vector.broadcast %gt3A : f32 to vector<1x5120xf32>
    %gt3A_16 = arith.cmpf ogt, %add3A_14, %gt3A_15 : vector<1x5120xf32>
    %jit3A = arith.constant 1.000000e+00 : f32
    %broadcast_in_dim3A = vector.broadcast %jit3A : f32 to vector<1x5120xf32>
    %select_n3A = arith.select %gt3A_16, %add3A_14, %broadcast_in_dim3A : vector<1x5120xi1>, vector<1x5120xf32>
    %sqrt3A = math.sqrt %select_n3A : vector<1x5120xf32>
    %jit3A_17 = arith.constant 0.000000e+00 : f32
    %broadcast_in_dim3A_18 = vector.broadcast %jit3A_17 : f32 to vector<1x5120xf32>
    %select_n3A_19 = arith.select %gt3A_16, %sqrt3A, %broadcast_in_dim3A_18 : vector<1x5120xi1>, vector<1x5120xf32>
    %get3A_20 = arith.constant 0 : index
    %get3A_21 = arith.constant 0 : index
    %get3A_22 = vector.load %arg3[%get3A_20, %get3A_21] : memref<3x5120xf32, #tpu.memory_space<vmem>>, vector<3x5120xf32>
    %get3A_23 = arith.constant 0 : index
    %get3A_24 = arith.constant 0 : index
    %get3A_25 = vector.load %arg4[%get3A_23, %get3A_24] : memref<3x5120xf32, #tpu.memory_space<vmem>>, vector<3x5120xf32>
    %slice3A_26 = vector.extract_strided_slice %get3A_22 {offsets = [0, 0], sizes = [1, 5120], strides = [1, 1]} : vector<3x5120xf32> to vector<1x5120xf32>
    %slice3A_27 = vector.extract_strided_slice %get3A_22 {offsets = [1, 0], sizes = [1, 5120], strides = [1, 1]} : vector<3x5120xf32> to vector<1x5120xf32>
    %slice3A_28 = vector.extract_strided_slice %get3A_22 {offsets = [2, 0], sizes = [1, 5120], strides = [1, 1]} : vector<3x5120xf32> to vector<1x5120xf32>
    %mul3A_29 = arith.mulf %slice3A_27, %sub3A_11 : vector<1x5120xf32>
    %mul3A_30 = arith.mulf %slice3A_28, %sub3A_8 : vector<1x5120xf32>
    %sub3A_31 = arith.subf %mul3A_29, %mul3A_30 : vector<1x5120xf32>
    %mul3A_32 = arith.mulf %slice3A_28, %sub3A : vector<1x5120xf32>
    %mul3A_33 = arith.mulf %slice3A_26, %sub3A_11 : vector<1x5120xf32>
    %sub3A_34 = arith.subf %mul3A_32, %mul3A_33 : vector<1x5120xf32>
    %mul3A_35 = arith.mulf %slice3A_26, %sub3A_8 : vector<1x5120xf32>
    %mul3A_36 = arith.mulf %slice3A_27, %sub3A : vector<1x5120xf32>
    %sub3A_37 = arith.subf %mul3A_35, %mul3A_36 : vector<1x5120xf32>
    %mul3A_38 = arith.mulf %sub3A_31, %sub3A_31 : vector<1x5120xf32>
    %mul3A_39 = arith.mulf %sub3A_34, %sub3A_34 : vector<1x5120xf32>
    %add3A_40 = arith.addf %mul3A_38, %mul3A_39 : vector<1x5120xf32>
    %mul3A_41 = arith.mulf %sub3A_37, %sub3A_37 : vector<1x5120xf32>
    %add3A_42 = arith.addf %add3A_40, %mul3A_41 : vector<1x5120xf32>
    %mul3A_43 = arith.mulf %slice3A_26, %sub3A : vector<1x5120xf32>
    %mul3A_44 = arith.mulf %slice3A_27, %sub3A_8 : vector<1x5120xf32>
    %add3A_45 = arith.addf %mul3A_43, %mul3A_44 : vector<1x5120xf32>
    %mul3A_46 = arith.mulf %slice3A_28, %sub3A_11 : vector<1x5120xf32>
    %add3A_47 = arith.addf %add3A_45, %mul3A_46 : vector<1x5120xf32>
    %mul3A_48 = arith.mulf %add3A_47, %add3A_47 : vector<1x5120xf32>
    %add3A_49 = arith.addf %add3A_42, %mul3A_48 : vector<1x5120xf32>
    %gt3A_50 = arith.constant 9.99999968E-21 : f32
    %gt3A_51 = vector.broadcast %gt3A_50 : f32 to vector<1x5120xf32>
    %gt3A_52 = arith.cmpf ogt, %add3A_49, %gt3A_51 : vector<1x5120xf32>
    %jit3A_53 = arith.constant 1.000000e+00 : f32
    %broadcast_in_dim3A_54 = vector.broadcast %jit3A_53 : f32 to vector<1x5120xf32>
    %select_n3A_55 = arith.select %gt3A_52, %add3A_42, %broadcast_in_dim3A_54 : vector<1x5120xi1>, vector<1x5120xf32>
    %sqrt3A_56 = math.sqrt %select_n3A_55 : vector<1x5120xf32>
    %jit3A_57 = arith.constant 1.000000e+00 : f32
    %broadcast_in_dim3A_58 = vector.broadcast %jit3A_57 : f32 to vector<1x5120xf32>
    %select_n3A_59 = arith.select %gt3A_52, %add3A_47, %broadcast_in_dim3A_58 : vector<1x5120xi1>, vector<1x5120xf32>
    %atan23A = math.atan2 %sqrt3A_56, %select_n3A_59 : vector<1x5120xf32>
    %jit3A_60 = arith.constant 0.000000e+00 : f32
    %broadcast_in_dim3A_61 = vector.broadcast %jit3A_60 : f32 to vector<1x5120xf32>
    %select_n3A_62 = arith.select %gt3A_52, %atan23A, %broadcast_in_dim3A_61 : vector<1x5120xi1>, vector<1x5120xf32>
    %slice3A_63 = vector.extract_strided_slice %get3A_25 {offsets = [0, 0], sizes = [1, 5120], strides = [1, 1]} : vector<3x5120xf32> to vector<1x5120xf32>
    %slice3A_64 = vector.extract_strided_slice %get3A_25 {offsets = [1, 0], sizes = [1, 5120], strides = [1, 1]} : vector<3x5120xf32> to vector<1x5120xf32>
    %slice3A_65 = vector.extract_strided_slice %get3A_25 {offsets = [2, 0], sizes = [1, 5120], strides = [1, 1]} : vector<3x5120xf32> to vector<1x5120xf32>
    %mul3A_66 = arith.mulf %slice3A_64, %sub3A_11 : vector<1x5120xf32>
    %mul3A_67 = arith.mulf %slice3A_65, %sub3A_8 : vector<1x5120xf32>
    %sub3A_68 = arith.subf %mul3A_66, %mul3A_67 : vector<1x5120xf32>
    %mul3A_69 = arith.mulf %slice3A_65, %sub3A : vector<1x5120xf32>
    %mul3A_70 = arith.mulf %slice3A_63, %sub3A_11 : vector<1x5120xf32>
    %sub3A_71 = arith.subf %mul3A_69, %mul3A_70 : vector<1x5120xf32>
    %mul3A_72 = arith.mulf %slice3A_63, %sub3A_8 : vector<1x5120xf32>
    %mul3A_73 = arith.mulf %slice3A_64, %sub3A : vector<1x5120xf32>
    %sub3A_74 = arith.subf %mul3A_72, %mul3A_73 : vector<1x5120xf32>
    %mul3A_75 = arith.mulf %sub3A_68, %sub3A_68 : vector<1x5120xf32>
    %mul3A_76 = arith.mulf %sub3A_71, %sub3A_71 : vector<1x5120xf32>
    %add3A_77 = arith.addf %mul3A_75, %mul3A_76 : vector<1x5120xf32>
    %mul3A_78 = arith.mulf %sub3A_74, %sub3A_74 : vector<1x5120xf32>
    %add3A_79 = arith.addf %add3A_77, %mul3A_78 : vector<1x5120xf32>
    %mul3A_80 = arith.mulf %slice3A_63, %sub3A : vector<1x5120xf32>
    %mul3A_81 = arith.mulf %slice3A_64, %sub3A_8 : vector<1x5120xf32>
    %add3A_82 = arith.addf %mul3A_80, %mul3A_81 : vector<1x5120xf32>
    %mul3A_83 = arith.mulf %slice3A_65, %sub3A_11 : vector<1x5120xf32>
    %add3A_84 = arith.addf %add3A_82, %mul3A_83 : vector<1x5120xf32>
    %mul3A_85 = arith.mulf %add3A_84, %add3A_84 : vector<1x5120xf32>
    %add3A_86 = arith.addf %add3A_79, %mul3A_85 : vector<1x5120xf32>
    %gt3A_87 = arith.constant 9.99999968E-21 : f32
    %gt3A_88 = vector.broadcast %gt3A_87 : f32 to vector<1x5120xf32>
    %gt3A_89 = arith.cmpf ogt, %add3A_86, %gt3A_88 : vector<1x5120xf32>
    %jit3A_90 = arith.constant 1.000000e+00 : f32
    %broadcast_in_dim3A_91 = vector.broadcast %jit3A_90 : f32 to vector<1x5120xf32>
    %select_n3A_92 = arith.select %gt3A_89, %add3A_79, %broadcast_in_dim3A_91 : vector<1x5120xi1>, vector<1x5120xf32>
    %sqrt3A_93 = math.sqrt %select_n3A_92 : vector<1x5120xf32>
    %jit3A_94 = arith.constant 1.000000e+00 : f32
    %broadcast_in_dim3A_95 = vector.broadcast %jit3A_94 : f32 to vector<1x5120xf32>
    %select_n3A_96 = arith.select %gt3A_89, %add3A_84, %broadcast_in_dim3A_95 : vector<1x5120xi1>, vector<1x5120xf32>
    %atan23A_97 = math.atan2 %sqrt3A_93, %select_n3A_96 : vector<1x5120xf32>
    %jit3A_98 = arith.constant 0.000000e+00 : f32
    %broadcast_in_dim3A_99 = vector.broadcast %jit3A_98 : f32 to vector<1x5120xf32>
    %select_n3A_100 = arith.select %gt3A_89, %atan23A_97, %broadcast_in_dim3A_99 : vector<1x5120xi1>, vector<1x5120xf32>
    %slice3A_101 = vector.extract_strided_slice %get3A_22 {offsets = [0, 0], sizes = [1, 5120], strides = [1, 1]} : vector<3x5120xf32> to vector<1x5120xf32>
    %slice3A_102 = vector.extract_strided_slice %get3A_22 {offsets = [1, 0], sizes = [1, 5120], strides = [1, 1]} : vector<3x5120xf32> to vector<1x5120xf32>
    %slice3A_103 = vector.extract_strided_slice %get3A_22 {offsets = [2, 0], sizes = [1, 5120], strides = [1, 1]} : vector<3x5120xf32> to vector<1x5120xf32>
    %slice3A_104 = vector.extract_strided_slice %get3A_25 {offsets = [0, 0], sizes = [1, 5120], strides = [1, 1]} : vector<3x5120xf32> to vector<1x5120xf32>
    %slice3A_105 = vector.extract_strided_slice %get3A_25 {offsets = [1, 0], sizes = [1, 5120], strides = [1, 1]} : vector<3x5120xf32> to vector<1x5120xf32>
    %slice3A_106 = vector.extract_strided_slice %get3A_25 {offsets = [2, 0], sizes = [1, 5120], strides = [1, 1]} : vector<3x5120xf32> to vector<1x5120xf32>
    %mul3A_107 = arith.mulf %slice3A_102, %slice3A_106 : vector<1x5120xf32>
    %mul3A_108 = arith.mulf %slice3A_103, %slice3A_105 : vector<1x5120xf32>
    %sub3A_109 = arith.subf %mul3A_107, %mul3A_108 : vector<1x5120xf32>
    %mul3A_110 = arith.mulf %slice3A_103, %slice3A_104 : vector<1x5120xf32>
    %mul3A_111 = arith.mulf %slice3A_101, %slice3A_106 : vector<1x5120xf32>
    %sub3A_112 = arith.subf %mul3A_110, %mul3A_111 : vector<1x5120xf32>
    %mul3A_113 = arith.mulf %slice3A_101, %slice3A_105 : vector<1x5120xf32>
    %mul3A_114 = arith.mulf %slice3A_102, %slice3A_104 : vector<1x5120xf32>
    %sub3A_115 = arith.subf %mul3A_113, %mul3A_114 : vector<1x5120xf32>
    %mul3A_116 = arith.mulf %sub3A_109, %sub3A_109 : vector<1x5120xf32>
    %mul3A_117 = arith.mulf %sub3A_112, %sub3A_112 : vector<1x5120xf32>
    %add3A_118 = arith.addf %mul3A_116, %mul3A_117 : vector<1x5120xf32>
    %mul3A_119 = arith.mulf %sub3A_115, %sub3A_115 : vector<1x5120xf32>
    %add3A_120 = arith.addf %add3A_118, %mul3A_119 : vector<1x5120xf32>
    %mul3A_121 = arith.mulf %slice3A_101, %slice3A_104 : vector<1x5120xf32>
    %mul3A_122 = arith.mulf %slice3A_102, %slice3A_105 : vector<1x5120xf32>
    %add3A_123 = arith.addf %mul3A_121, %mul3A_122 : vector<1x5120xf32>
    %mul3A_124 = arith.mulf %slice3A_103, %slice3A_106 : vector<1x5120xf32>
    %add3A_125 = arith.addf %add3A_123, %mul3A_124 : vector<1x5120xf32>
    %mul3A_126 = arith.mulf %add3A_125, %add3A_125 : vector<1x5120xf32>
    %add3A_127 = arith.addf %add3A_120, %mul3A_126 : vector<1x5120xf32>
    %gt3A_128 = arith.constant 9.99999968E-21 : f32
    %gt3A_129 = vector.broadcast %gt3A_128 : f32 to vector<1x5120xf32>
    %gt3A_130 = arith.cmpf ogt, %add3A_127, %gt3A_129 : vector<1x5120xf32>
    %jit3A_131 = arith.constant 1.000000e+00 : f32
    %broadcast_in_dim3A_132 = vector.broadcast %jit3A_131 : f32 to vector<1x5120xf32>
    %select_n3A_133 = arith.select %gt3A_130, %add3A_120, %broadcast_in_dim3A_132 : vector<1x5120xi1>, vector<1x5120xf32>
    %sqrt3A_134 = math.sqrt %select_n3A_133 : vector<1x5120xf32>
    %jit3A_135 = arith.constant 1.000000e+00 : f32
    %broadcast_in_dim3A_136 = vector.broadcast %jit3A_135 : f32 to vector<1x5120xf32>
    %select_n3A_137 = arith.select %gt3A_130, %add3A_125, %broadcast_in_dim3A_136 : vector<1x5120xi1>, vector<1x5120xf32>
    %atan23A_138 = math.atan2 %sqrt3A_134, %select_n3A_137 : vector<1x5120xf32>
    %jit3A_139 = arith.constant 0.000000e+00 : f32
    %broadcast_in_dim3A_140 = vector.broadcast %jit3A_139 : f32 to vector<1x5120xf32>
    %select_n3A_141 = arith.select %gt3A_130, %atan23A_138, %broadcast_in_dim3A_140 : vector<1x5120xi1>, vector<1x5120xf32>
    %get3A_142 = arith.constant 0 : index
    %get3A_143 = arith.constant 0 : index
    %get3A_144 = vector.load %arg5[%get3A_142, %get3A_143] : memref<16x5120xf32, #tpu.memory_space<vmem>>, vector<16x5120xf32>
    %concatenate3A = tpu.concatenate %get3A_144, %select_n3A_19, %select_n3A_62, %select_n3A_100, %select_n3A_141 in 0 : vector<16x5120xf32>, vector<1x5120xf32>, vector<1x5120xf32>, vector<1x5120xf32>, vector<1x5120xf32> -> vector<20x5120xf32>
    %get3A_145 = arith.constant 0 : index
    %get3A_146 = arith.constant 0 : index
    %get3A_147 = vector.load %arg7[%get3A_145, %get3A_146] : memref<20x20xf32, #tpu.memory_space<vmem>>, vector<20x20xf32>
    %dot_general3A = arith.constant dense<0.000000e+00> : vector<20x5120xf32>
    %dot_general3A_148 = tpu.matmul %get3A_147, %concatenate3A, %dot_general3A {dimension_numbers = #tpu.dot_dimension_numbers<[1], [0], [0], [1], [0, 0, 1, 1], [], []>, transpose_lhs_hint = false} : vector<20x20xf32>, vector<20x5120xf32>, vector<20x5120xf32> -> vector<20x5120xf32>
    %get3A_149 = arith.constant 0 : index
    %get3A_150 = arith.constant 0 : index
    %get3A_151 = vector.load %arg8[%get3A_149, %get3A_150] : memref<20x1xf32, #tpu.memory_space<vmem>>, vector<20x1xf32>
    %add3A_152 = vector.broadcast %get3A_151 : vector<20x1xf32> to vector<20x5120xf32>
    %add3A_153 = arith.addf %dot_general3A_148, %add3A_152 : vector<20x5120xf32>
    %max3A = arith.constant 0.000000e+00 : f32
    %max3A_154 = vector.broadcast %max3A : f32 to vector<20x5120xf32>
    %max3A_155 = arith.maximumf %add3A_153, %max3A_154 : vector<20x5120xf32>
    %get3A_156 = arith.constant 0 : index
    %get3A_157 = arith.constant 0 : index
    %get3A_158 = vector.load %arg9[%get3A_156, %get3A_157] : memref<20x20xf32, #tpu.memory_space<vmem>>, vector<20x20xf32>
    %dot_general3A_159 = arith.constant dense<0.000000e+00> : vector<20x5120xf32>
    %dot_general3A_160 = tpu.matmul %get3A_158, %max3A_155, %dot_general3A_159 {dimension_numbers = #tpu.dot_dimension_numbers<[1], [0], [0], [1], [0, 0, 1, 1], [], []>, transpose_lhs_hint = false} : vector<20x20xf32>, vector<20x5120xf32>, vector<20x5120xf32> -> vector<20x5120xf32>
    %get3A_161 = arith.constant 0 : index
    %get3A_162 = arith.constant 0 : index
    %get3A_163 = vector.load %arg10[%get3A_161, %get3A_162] : memref<20x1xf32, #tpu.memory_space<vmem>>, vector<20x1xf32>
    %add3A_164 = vector.broadcast %get3A_163 : vector<20x1xf32> to vector<20x5120xf32>
    %add3A_165 = arith.addf %dot_general3A_160, %add3A_164 : vector<20x5120xf32>
    %max3A_166 = arith.constant 0.000000e+00 : f32
    %max3A_167 = vector.broadcast %max3A_166 : f32 to vector<20x5120xf32>
    %max3A_168 = arith.maximumf %add3A_165, %max3A_167 : vector<20x5120xf32>
    %get3A_169 = arith.constant 0 : index
    %get3A_170 = arith.constant 0 : index
    %get3A_171 = vector.load %arg6[%get3A_169, %get3A_170] : memref<1x5120xf32, #tpu.memory_space<vmem>>, vector<1x5120xf32>
    %gt3A_172 = arith.constant 0.000000e+00 : f32
    %gt3A_173 = vector.broadcast %gt3A_172 : f32 to vector<1x5120xf32>
    %gt3A_174 = arith.cmpf ogt, %get3A_171, %gt3A_173 : vector<1x5120xf32>
    %jit3A_175 = arith.constant 0xFF800000 : f32
    %broadcast_in_dim3A_176 = vector.shape_cast %gt3A_174 : vector<1x5120xi1> to vector<1x5120xi1>
    %broadcast_in_dim3A_177 = vector.broadcast %broadcast_in_dim3A_176 : vector<1x5120xi1> to vector<20x5120xi1>
    %broadcast_in_dim3A_178 = vector.broadcast %jit3A_175 : f32 to vector<20x5120xf32>
    %select_n3A_179 = arith.select %broadcast_in_dim3A_177, %max3A_168, %broadcast_in_dim3A_178 : vector<20x5120xi1>, vector<20x5120xf32>
    %eq3A = arith.constant 0 : i32
    %eq3A_180 = arith.cmpi eq, %arg0, %eq3A : i32
    %convert_element_type3A = arith.extui %eq3A_180 : i1 to i32
    %cond3A = arith.constant 0 : i32
    %cond3A_181 = arith.cmpi ne, %convert_element_type3A, %cond3A : i32
    scf.if %cond3A_181 {
      %swap3A = arith.constant 0 : index
      %swap3A_192 = arith.constant 0 : index
      %swap3A_193 = vector.load %arg14[%swap3A, %swap3A_192] : memref<20x5120xf32, #tpu.memory_space<vmem>>, vector<20x5120xf32>
      tpu.vector_store %arg14[%swap3A, %swap3A_192], %select_n3A_179 {strides = array<i32>} : memref<20x5120xf32, #tpu.memory_space<vmem>>, vector<20x5120xf32>,
    } else {
    }
    %gt3A_182 = arith.constant 0 : i32
    %gt3A_183 = arith.cmpi sgt, %arg0, %gt3A_182 : i32
    %convert_element_type3A_184 = arith.extui %gt3A_183 : i1 to i32
    %cond3A_185 = arith.constant 0 : i32
    %cond3A_186 = arith.cmpi ne, %convert_element_type3A_184, %cond3A_185 : i32
    scf.if %cond3A_186 {
      %get3A_192 = arith.constant 0 : index
      %get3A_193 = arith.constant 0 : index
      %get3A_194 = vector.load %arg14[%get3A_192, %get3A_193] : memref<20x5120xf32, #tpu.memory_space<vmem>>, vector<20x5120xf32>
      %max3A_195 = arith.maximumf %get3A_194, %select_n3A_179 : vector<20x5120xf32>
      %swap3A = arith.constant 0 : index
      %swap3A_196 = arith.constant 0 : index
      %swap3A_197 = vector.load %arg14[%swap3A, %swap3A_196] : memref<20x5120xf32, #tpu.memory_space<vmem>>, vector<20x5120xf32>
      tpu.vector_store %arg14[%swap3A, %swap3A_196], %max3A_195 {strides = array<i32>} : memref<20x5120xf32, #tpu.memory_space<vmem>>, vector<20x5120xf32>,
    } else {
    }
    %eq3A_187 = arith.constant 31 : i32
    %eq3A_188 = arith.cmpi eq, %arg0, %eq3A_187 : i32
    %convert_element_type3A_189 = arith.extui %eq3A_188 : i1 to i32
    %cond3A_190 = arith.constant 0 : i32
    %cond3A_191 = arith.cmpi ne, %convert_element_type3A_189, %cond3A_190 : i32
    scf.if %cond3A_191 {
      %get3A_192 = arith.constant 0 : index
      %get3A_193 = arith.constant 0 : index
      %get3A_194 = vector.load %arg11[%get3A_192, %get3A_193] : memref<16x20xf32, #tpu.memory_space<vmem>>, vector<16x20xf32>
      %get3A_195 = arith.constant 0 : index
      %get3A_196 = arith.constant 0 : index
      %get3A_197 = vector.load %arg14[%get3A_195, %get3A_196] : memref<20x5120xf32, #tpu.memory_space<vmem>>, vector<20x5120xf32>
      %dot_general3A_198 = arith.constant dense<0.000000e+00> : vector<16x5120xf32>
      %dot_general3A_199 = tpu.matmul %get3A_194, %get3A_197, %dot_general3A_198 {dimension_numbers = #tpu.dot_dimension_numbers<[1], [0], [0], [1], [0, 0, 1, 1], [], []>, transpose_lhs_hint = false} : vector<16x20xf32>, vector<20x5120xf32>, vector<16x5120xf32> -> vector<16x5120xf32>
      %get3A_200 = arith.constant 0 : index
      %get3A_201 = arith.constant 0 : index
      %get3A_202 = vector.load %arg12[%get3A_200, %get3A_201] : memref<16x1xf32, #tpu.memory_space<vmem>>, vector<16x1xf32>
      %add3A_203 = vector.broadcast %get3A_202 : vector<16x1xf32> to vector<16x5120xf32>
      %add3A_204 = arith.addf %dot_general3A_199, %add3A_203 : vector<16x5120xf32>
      %max3A_205 = arith.constant 0.000000e+00 : f32
      %max3A_206 = vector.broadcast %max3A_205 : f32 to vector<16x5120xf32>
      %max3A_207 = arith.maximumf %add3A_204, %max3A_206 : vector<16x5120xf32>
      %swap3A = arith.constant 0 : index
      %swap3A_208 = arith.constant 0 : index
      %swap3A_209 = vector.load %arg13[%swap3A, %swap3A_208] : memref<16x5120xf32, #tpu.memory_space<vmem>>, vector<16x5120xf32>
      tpu.vector_store %arg13[%swap3A, %swap3A_208], %max3A_207 {strides = array<i32>} : memref<16x5120xf32, #tpu.memory_space<vmem>>, vector<16x5120xf32>,
    } else {
    }
    return
  }
  func.func @transform_0(%arg0: i32) -> (i32, i32) {
    %c0_i32 = arith.constant 0 : i32
    %c0_i32_0 = arith.constant 0 : i32
    return %c0_i32, %arg0 : i32, i32
  }
  func.func @transform_1(%arg0: i32) -> (i32, i32) {
    %c0_i32 = arith.constant 0 : i32
    %c0_i32_0 = arith.constant 0 : i32
    return %c0_i32, %arg0 : i32, i32
  }
  func.func @transform_2(%arg0: i32) -> (i32, i32) {
    %c0_i32 = arith.constant 0 : i32
    %c0_i32_0 = arith.constant 0 : i32
    return %c0_i32, %arg0 : i32, i32
  }
  func.func @transform_3(%arg0: i32) -> (i32, i32) {
    %c0_i32 = arith.constant 0 : i32
    %c0_i32_0 = arith.constant 0 : i32
    return %c0_i32, %arg0 : i32, i32
  }
  func.func @transform_4(%arg0: i32) -> (i32, i32) {
    %c0_i32 = arith.constant 0 : i32
    %c0_i32_0 = arith.constant 0 : i32
    return %c0_i32, %arg0 : i32, i32
  }
  func.func @transform_5(%arg0: i32) -> (i32, i32) {
    %c0_i32 = arith.constant 0 : i32
    %c0_i32_0 = arith.constant 0 : i32
    return %c0_i32, %arg0 : i32, i32
  }
  func.func @transform_6(%arg0: i32) -> (i32, i32) {
    %c0_i32 = arith.constant 0 : i32
    %c0_i32_0 = arith.constant 0 : i32
    %c0_i32_1 = arith.constant 0 : i32
    return %c0_i32, %c0_i32_0 : i32, i32
  }
  func.func @transform_7(%arg0: i32) -> (i32, i32) {
    %c0_i32 = arith.constant 0 : i32
    %c0_i32_0 = arith.constant 0 : i32
    %c0_i32_1 = arith.constant 0 : i32
    return %c0_i32, %c0_i32_0 : i32, i32
  }
  func.func @transform_8(%arg0: i32) -> (i32, i32) {
    %c0_i32 = arith.constant 0 : i32
    %c0_i32_0 = arith.constant 0 : i32
    %c0_i32_1 = arith.constant 0 : i32
    return %c0_i32, %c0_i32_0 : i32, i32
  }
  func.func @transform_9(%arg0: i32) -> (i32, i32) {
    %c0_i32 = arith.constant 0 : i32
    %c0_i32_0 = arith.constant 0 : i32
    %c0_i32_1 = arith.constant 0 : i32
    return %c0_i32, %c0_i32_0 : i32, i32
  }
  func.func @transform_10(%arg0: i32) -> (i32, i32) {
    %c0_i32 = arith.constant 0 : i32
    %c0_i32_0 = arith.constant 0 : i32
    %c0_i32_1 = arith.constant 0 : i32
    return %c0_i32, %c0_i32_0 : i32, i32
  }
  func.func @transform_11(%arg0: i32) -> (i32, i32) {
    %c0_i32 = arith.constant 0 : i32
    %c0_i32_0 = arith.constant 0 : i32
    %c0_i32_1 = arith.constant 0 : i32
    return %c0_i32, %c0_i32_0 : i32, i32
  }
  func.func @transform_12(%arg0: i32) -> (i32, i32) {
    %c0_i32 = arith.constant 0 : i32
    %c0_i32_0 = arith.constant 0 : i32
    %c0_i32_1 = arith.constant 0 : i32
    return %c0_i32, %c0_i32_0 : i32, i32
  }
}

module attributes {stable_mosaic.version = 14 : i64} {
  func.func @_fps_kernel(%arg0: memref<12x625xf32, #tpu.memory_space<vmem>>, %arg1: memref<2500x3xf32, #tpu.memory_space<vmem>>, %arg2: memref<1250x1xi32, #tpu.memory_space<vmem>>) attributes {dimension_semantics = [], scalar_prefetch = 0 : i64, scratch_operands = 0 : i64, tpu.core_type = #tpu.core_type<tc>} {
    %get3A = arith.constant 0 : index
    %get3A_0 = arith.constant 0 : index
    %get3A_1 = vector.load %arg0[%get3A, %get3A_0] : memref<12x625xf32, #tpu.memory_space<vmem>>, vector<12x625xf32>
    %slice3A = vector.extract_strided_slice %get3A_1 {offsets = [0, 0], sizes = [4, 625], strides = [1, 1]} : vector<12x625xf32> to vector<4x625xf32>
    %slice3A_2 = vector.extract_strided_slice %get3A_1 {offsets = [4, 0], sizes = [4, 625], strides = [1, 1]} : vector<12x625xf32> to vector<4x625xf32>
    %slice3A_3 = vector.extract_strided_slice %get3A_1 {offsets = [8, 0], sizes = [4, 625], strides = [1, 1]} : vector<12x625xf32> to vector<4x625xf32>
    %iota3A = tpu.iota {dimensions = array<i32: 0>} : vector<4x625xi32>
    %mul3A = arith.constant 625 : i32
    %mul3A_4 = vector.broadcast %mul3A : i32 to vector<4x625xi32>
    %mul3A_5 = arith.muli %iota3A, %mul3A_4 : vector<4x625xi32>
    %iota3A_6 = tpu.iota {dimensions = array<i32: 1>} : vector<4x625xi32>
    %add3A = arith.addi %mul3A_5, %iota3A_6 : vector<4x625xi32>
    %slice3A_7 = vector.extract_strided_slice %slice3A {offsets = [0, 0], sizes = [1, 1], strides = [1, 1]} : vector<4x625xf32> to vector<1x1xf32>
    %slice3A_8 = vector.extract_strided_slice %slice3A_2 {offsets = [0, 0], sizes = [1, 1], strides = [1, 1]} : vector<4x625xf32> to vector<1x1xf32>
    %slice3A_9 = vector.extract_strided_slice %slice3A_3 {offsets = [0, 0], sizes = [1, 1], strides = [1, 1]} : vector<4x625xf32> to vector<1x1xf32>
    %sub3A = vector.broadcast %slice3A_7 : vector<1x1xf32> to vector<4x625xf32>
    %sub3A_10 = arith.subf %slice3A, %sub3A : vector<4x625xf32>
    %integer_pow3A = arith.mulf %sub3A_10, %sub3A_10 : vector<4x625xf32>
    %add3A_11 = arith.constant 0.000000e+00 : f32
    %add3A_12 = vector.broadcast %add3A_11 : f32 to vector<4x625xf32>
    %add3A_13 = arith.addf %add3A_12, %integer_pow3A : vector<4x625xf32>
    %sub3A_14 = vector.broadcast %slice3A_8 : vector<1x1xf32> to vector<4x625xf32>
    %sub3A_15 = arith.subf %slice3A_2, %sub3A_14 : vector<4x625xf32>
    %integer_pow3A_16 = arith.mulf %sub3A_15, %sub3A_15 : vector<4x625xf32>
    %add3A_17 = arith.addf %add3A_13, %integer_pow3A_16 : vector<4x625xf32>
    %sub3A_18 = vector.broadcast %slice3A_9 : vector<1x1xf32> to vector<4x625xf32>
    %sub3A_19 = arith.subf %slice3A_3, %sub3A_18 : vector<4x625xf32>
    %integer_pow3A_20 = arith.mulf %sub3A_19, %sub3A_19 : vector<4x625xf32>
    %add3A_21 = arith.addf %add3A_17, %integer_pow3A_20 : vector<4x625xf32>
    %broadcast_in_dim3A = arith.constant 0 : i32
    %broadcast_in_dim3A_22 = vector.broadcast %broadcast_in_dim3A : i32 to vector<1x1xi32>
    %swap3A = arith.constant 0 : index
    %swap3A_23 = arith.constant 0 : index
    %swap3A_24 = vector.load %arg2[%swap3A, %swap3A_23] : memref<1250x1xi32, #tpu.memory_space<vmem>>, vector<1x1xi32>
    tpu.vector_store %arg2[%swap3A, %swap3A_23], %broadcast_in_dim3A_22 {strides = array<i32>} : memref<1250x1xi32, #tpu.memory_space<vmem>>, vector<1x1xi32>,
    %scan3A = arith.constant 1 : i32
    %scan3A_25 = arith.constant 1249 : i32
    %scan3A_26 = arith.addi %scan3A, %scan3A_25 : i32
    %scan3A_27 = arith.constant 1 : i32
    %scan3A_28 = scf.for %scan3A_30 = %scan3A to %scan3A_26 step %scan3A_27 iter_args(%scan3A_31 = %add3A_21) -> (vector<4x625xf32>)  : i32 {
      %reduce_max3A = vector.shape_cast %scan3A_31 : vector<4x625xf32> to vector<1x4x625xf32>
      %reduce_max3A_32 = arith.constant dense<0xFF800000> : vector<1xf32>
      %reduce_max3A_33 = vector.multi_reduction <maximumf>, %reduce_max3A, %reduce_max3A_32 [1, 2] : vector<1x4x625xf32> to vector<1xf32>
      %reduce_max3A_34 = vector.shape_cast %reduce_max3A_33 : vector<1xf32> to vector<1x1x1xf32>
      %reduce_max3A_35 = vector.extract %reduce_max3A_34[0, 0, 0] : f32 from vector<1x1x1xf32>
      %eq3A = vector.broadcast %reduce_max3A_35 : f32 to vector<4x625xf32>
      %eq3A_36 = arith.cmpf oeq, %scan3A_31, %eq3A : vector<4x625xf32>
      %jit3A = arith.constant 2500 : i32
      %broadcast_in_dim3A_37 = vector.broadcast %jit3A : i32 to vector<4x625xi32>
      %select_n3A = arith.select %eq3A_36, %add3A, %broadcast_in_dim3A_37 : vector<4x625xi1>, vector<4x625xi32>
      %reduce_min3A = vector.shape_cast %select_n3A : vector<4x625xi32> to vector<1x4x625xi32>
      %reduce_min3A_38 = arith.constant dense<2147483647> : vector<1xi32>
      %reduce_min3A_39 = vector.multi_reduction <minsi>, %reduce_min3A, %reduce_min3A_38 [1, 2] : vector<1x4x625xi32> to vector<1xi32>
      %reduce_min3A_40 = vector.shape_cast %reduce_min3A_39 : vector<1xi32> to vector<1x1x1xi32>
      %reduce_min3A_41 = vector.extract %reduce_min3A_40[0, 0, 0] : i32 from vector<1x1x1xi32>
      %broadcast_in_dim3A_42 = vector.broadcast %reduce_min3A_41 : i32 to vector<1x1xi32>
      %swap3A_43 = arith.index_cast %scan3A_30 : i32 to index
      %swap3A_44 = arith.constant 0 : index
      %swap3A_45 = vector.load %arg2[%swap3A_43, %swap3A_44] : memref<1250x1xi32, #tpu.memory_space<vmem>>, vector<1x1xi32>
      tpu.vector_store %arg2[%swap3A_43, %swap3A_44], %broadcast_in_dim3A_42 {strides = array<i32>} : memref<1250x1xi32, #tpu.memory_space<vmem>>, vector<1x1xi32>,
      %get3A_46 = arith.index_cast %reduce_min3A_41 : i32 to index
      %get3A_47 = arith.constant 0 : index
      %get3A_48 = vector.load %arg1[%get3A_46, %get3A_47] : memref<2500x3xf32, #tpu.memory_space<vmem>>, vector<1x3xf32>
      %slice3A_49 = vector.extract_strided_slice %get3A_48 {offsets = [0, 0], sizes = [1, 1], strides = [1, 1]} : vector<1x3xf32> to vector<1x1xf32>
      %sub3A_50 = vector.broadcast %slice3A_49 : vector<1x1xf32> to vector<4x625xf32>
      %sub3A_51 = arith.subf %slice3A, %sub3A_50 : vector<4x625xf32>
      %integer_pow3A_52 = arith.mulf %sub3A_51, %sub3A_51 : vector<4x625xf32>
      %add3A_53 = arith.constant 0.000000e+00 : f32
      %add3A_54 = vector.broadcast %add3A_53 : f32 to vector<4x625xf32>
      %add3A_55 = arith.addf %add3A_54, %integer_pow3A_52 : vector<4x625xf32>
      %slice3A_56 = vector.extract_strided_slice %get3A_48 {offsets = [0, 1], sizes = [1, 1], strides = [1, 1]} : vector<1x3xf32> to vector<1x1xf32>
      %sub3A_57 = vector.broadcast %slice3A_56 : vector<1x1xf32> to vector<4x625xf32>
      %sub3A_58 = arith.subf %slice3A_2, %sub3A_57 : vector<4x625xf32>
      %integer_pow3A_59 = arith.mulf %sub3A_58, %sub3A_58 : vector<4x625xf32>
      %add3A_60 = arith.addf %add3A_55, %integer_pow3A_59 : vector<4x625xf32>
      %slice3A_61 = vector.extract_strided_slice %get3A_48 {offsets = [0, 2], sizes = [1, 1], strides = [1, 1]} : vector<1x3xf32> to vector<1x1xf32>
      %sub3A_62 = vector.broadcast %slice3A_61 : vector<1x1xf32> to vector<4x625xf32>
      %sub3A_63 = arith.subf %slice3A_3, %sub3A_62 : vector<4x625xf32>
      %integer_pow3A_64 = arith.mulf %sub3A_63, %sub3A_63 : vector<4x625xf32>
      %add3A_65 = arith.addf %add3A_60, %integer_pow3A_64 : vector<4x625xf32>
      %min3A = arith.minimumf %scan3A_31, %add3A_65 : vector<4x625xf32>
      scf.yield %min3A : vector<4x625xf32>
    }
    %scan3A_29 = arith.constant 1249 : i32
    return
  }
}

module attributes {stable_mosaic.version = 14 : i64} {
  func.func @_radius_kernel(%arg0: i32, %arg1: i32, %arg2: memref<128x3xf32, #tpu.memory_space<vmem>>, %arg3: memref<3x512xf32, #tpu.memory_space<vmem>>, %arg4: memref<512x512xf32, #tpu.memory_space<vmem>>, %arg5: memref<128x32xi32, #tpu.memory_space<vmem>>, %arg6: memref<128x1xf32, #tpu.memory_space<vmem>>, %arg7: memref<128x32xf32, #tpu.memory_space<vmem>>, %arg8: memref<1xi32, #tpu.memory_space<smem>>) attributes {dimension_semantics = [#tpu.dimension_semantics<arbitrary>, #tpu.dimension_semantics<arbitrary>], iteration_bounds = array<i64: 10, 5>, scalar_prefetch = 0 : i64, scratch_operands = 3 : i64, tpu.core_type = #tpu.core_type<tc>, window_params = [{transform_indices = @transform_0, window_bounds = array<i64: 128, 3>}, {transform_indices = @transform_1, window_bounds = array<i64: 3, 512>}, {pipeline_mode = #tpu.pipeline_mode<synchronous>, transform_indices = @transform_2, window_bounds = array<i64: 512, 512>}, {transform_indices = @transform_3, window_bounds = array<i64: 128, 32>}]} {
    %eq3A = arith.constant 0 : i32
    %eq3A_0 = arith.cmpi eq, %arg1, %eq3A : i32
    %convert_element_type3A = arith.extui %eq3A_0 : i1 to i32
    %cond3A = arith.constant 0 : i32
    %cond3A_1 = arith.cmpi ne, %convert_element_type3A, %cond3A : i32
    scf.if %cond3A_1 {
      %broadcast_in_dim3A = arith.constant 0.000000e+00 : f32
      %broadcast_in_dim3A_13 = vector.broadcast %broadcast_in_dim3A : f32 to vector<128x1xf32>
      %swap3A = arith.constant 0 : index
      %swap3A_14 = arith.constant 0 : index
      %swap3A_15 = vector.load %arg6[%swap3A, %swap3A_14] : memref<128x1xf32, #tpu.memory_space<vmem>>, vector<128x1xf32>
      tpu.vector_store %arg6[%swap3A, %swap3A_14], %broadcast_in_dim3A_13 {strides = array<i32>} : memref<128x1xf32, #tpu.memory_space<vmem>>, vector<128x1xf32>,
      %broadcast_in_dim3A_16 = arith.constant 0.000000e+00 : f32
      %broadcast_in_dim3A_17 = vector.broadcast %broadcast_in_dim3A_16 : f32 to vector<128x32xf32>
      %swap3A_18 = arith.constant 0 : index
      %swap3A_19 = arith.constant 0 : index
      %swap3A_20 = vector.load %arg7[%swap3A_18, %swap3A_19] : memref<128x32xf32, #tpu.memory_space<vmem>>, vector<128x32xf32>
      tpu.vector_store %arg7[%swap3A_18, %swap3A_19], %broadcast_in_dim3A_17 {strides = array<i32>} : memref<128x32xf32, #tpu.memory_space<vmem>>, vector<128x32xf32>,
      %swap3A_21 = arith.constant 0 : i32
      %swap3A_22 = arith.constant 0 : index
      %swap3A_23 = memref.load %arg8[%swap3A_22] : memref<1xi32, #tpu.memory_space<smem>>
      memref.store %swap3A_21, %arg8[%swap3A_22] : memref<1xi32, #tpu.memory_space<smem>>
    } else {
    }
    %get3A = arith.constant 0 : index
    %get3A_2 = memref.load %arg8[%get3A] : memref<1xi32, #tpu.memory_space<smem>>
    %eq3A_3 = arith.constant 0 : i32
    %eq3A_4 = arith.cmpi eq, %get3A_2, %eq3A_3 : i32
    %convert_element_type3A_5 = arith.extui %eq3A_4 : i1 to i32
    %cond3A_6 = arith.constant 0 : i32
    %cond3A_7 = arith.cmpi ne, %convert_element_type3A_5, %cond3A_6 : i32
    scf.if %cond3A_7 {
      %get3A_13 = arith.constant 0 : index
      %get3A_14 = arith.constant 0 : index
      %get3A_15 = vector.load %arg2[%get3A_13, %get3A_14] : memref<128x3xf32, #tpu.memory_space<vmem>>, vector<128x3xf32>
      %get3A_16 = arith.constant 0 : index
      %get3A_17 = arith.constant 0 : index
      %get3A_18 = vector.load %arg3[%get3A_16, %get3A_17] : memref<3x512xf32, #tpu.memory_space<vmem>>, vector<3x512xf32>
      %mul3A = arith.mulf %get3A_15, %get3A_15 : vector<128x3xf32>
      %reduce_sum3A = arith.constant dense<0.000000e+00> : vector<128xf32>
      %reduce_sum3A_19 = vector.multi_reduction <add>, %mul3A, %reduce_sum3A [1] : vector<128x3xf32> to vector<128xf32>
      %broadcast_in_dim3A = vector.shape_cast %reduce_sum3A_19 : vector<128xf32> to vector<128x1xf32>
      %mul3A_20 = arith.mulf %get3A_18, %get3A_18 : vector<3x512xf32>
      %reduce_sum3A_21 = arith.constant dense<0.000000e+00> : vector<512xf32>
      %reduce_sum3A_22 = vector.multi_reduction <add>, %mul3A_20, %reduce_sum3A_21 [0] : vector<3x512xf32> to vector<512xf32>
      %broadcast_in_dim3A_23 = vector.shape_cast %reduce_sum3A_22 : vector<512xf32> to vector<1x512xf32>
      %dot_general3A = arith.constant dense<0.000000e+00> : vector<128x512xf32>
      %dot_general3A_24 = tpu.matmul %get3A_15, %get3A_18, %dot_general3A {dimension_numbers = #tpu.dot_dimension_numbers<[1], [0], [0], [1], [0, 0, 1, 1], [], []>, transpose_lhs_hint = false} : vector<128x3xf32>, vector<3x512xf32>, vector<128x512xf32> -> vector<128x512xf32>
      %add3A = vector.broadcast %broadcast_in_dim3A : vector<128x1xf32> to vector<128x512xf32>
      %add3A_25 = vector.broadcast %broadcast_in_dim3A_23 : vector<1x512xf32> to vector<128x512xf32>
      %add3A_26 = arith.addf %add3A, %add3A_25 : vector<128x512xf32>
      %mul3A_27 = arith.constant 2.000000e+00 : f32
      %mul3A_28 = vector.broadcast %mul3A_27 : f32 to vector<128x512xf32>
      %mul3A_29 = arith.mulf %mul3A_28, %dot_general3A_24 : vector<128x512xf32>
      %sub3A = arith.subf %add3A_26, %mul3A_29 : vector<128x512xf32>
      %le3A = arith.constant 1.600000e-01 : f32
      %le3A_30 = vector.broadcast %le3A : f32 to vector<128x512xf32>
      %le3A_31 = arith.cmpf ole, %sub3A, %le3A_30 : vector<128x512xf32>
      %convert_element_type3A_32 = arith.extui %le3A_31 : vector<128x512xi1> to vector<128x512xi32>
      %convert_element_type3A_33 = arith.sitofp %convert_element_type3A_32 : vector<128x512xi32> to vector<128x512xf32>
      %get3A_34 = arith.constant 0 : index
      %get3A_35 = arith.constant 0 : index
      %get3A_36 = vector.load %arg4[%get3A_34, %get3A_35] : memref<512x512xf32, #tpu.memory_space<vmem>>, vector<512x512xf32>
      %dot_general3A_37 = arith.constant dense<0.000000e+00> : vector<128x512xf32>
      %dot_general3A_38 = tpu.matmul %convert_element_type3A_33, %get3A_36, %dot_general3A_37 {dimension_numbers = #tpu.dot_dimension_numbers<[1], [0], [0], [1], [0, 0, 1, 1], [], []>, transpose_lhs_hint = false} : vector<128x512xf32>, vector<512x512xf32>, vector<128x512xf32> -> vector<128x512xf32>
      %get3A_39 = arith.constant 0 : index
      %get3A_40 = arith.constant 0 : index
      %get3A_41 = vector.load %arg6[%get3A_39, %get3A_40] : memref<128x1xf32, #tpu.memory_space<vmem>>, vector<128x1xf32>
      %add3A_42 = vector.broadcast %get3A_41 : vector<128x1xf32> to vector<128x512xf32>
      %add3A_43 = arith.addf %add3A_42, %dot_general3A_38 : vector<128x512xf32>
      %sub3A_44 = arith.constant 1.000000e+00 : f32
      %sub3A_45 = vector.broadcast %sub3A_44 : f32 to vector<128x512xf32>
      %sub3A_46 = arith.subf %add3A_43, %sub3A_45 : vector<128x512xf32>
      %gt3A = arith.constant 0.000000e+00 : f32
      %gt3A_47 = vector.broadcast %gt3A : f32 to vector<128x512xf32>
      %gt3A_48 = arith.cmpf ogt, %convert_element_type3A_33, %gt3A_47 : vector<128x512xf32>
      %lt3A = arith.constant 3.200000e+01 : f32
      %lt3A_49 = vector.broadcast %lt3A : f32 to vector<128x512xf32>
      %lt3A_50 = arith.cmpf olt, %sub3A_46, %lt3A_49 : vector<128x512xf32>
      %and3A = arith.andi %gt3A_48, %lt3A_50 : vector<128x512xi1>
      %mul3A_51 = arith.constant 512 : i32
      %mul3A_52 = arith.muli %arg1, %mul3A_51 : i32
      %iota3A = tpu.iota {dimensions = array<i32: 1>} : vector<1x512xi32>
      %add3A_53 = vector.broadcast %mul3A_52 : i32 to vector<1x512xi32>
      %add3A_54 = arith.addi %add3A_53, %iota3A : vector<1x512xi32>
      %convert_element_type3A_55 = arith.sitofp %add3A_54 : vector<1x512xi32> to vector<1x512xf32>
      %broadcast_in_dim3A_56 = vector.shape_cast %convert_element_type3A_55 : vector<1x512xf32> to vector<1x512xf32>
      %broadcast_in_dim3A_57 = vector.broadcast %broadcast_in_dim3A_56 : vector<1x512xf32> to vector<128x512xf32>
      %eq3A_58 = arith.constant 0.000000e+00 : f32
      %eq3A_59 = vector.broadcast %eq3A_58 : f32 to vector<128x512xf32>
      %eq3A_60 = arith.cmpf oeq, %sub3A_46, %eq3A_59 : vector<128x512xf32>
      %and3A_61 = arith.andi %and3A, %eq3A_60 : vector<128x512xi1>
      %jit3A = arith.constant 0.000000e+00 : f32
      %broadcast_in_dim3A_62 = vector.broadcast %jit3A : f32 to vector<128x512xf32>
      %select_n3A = arith.select %and3A_61, %broadcast_in_dim3A_57, %broadcast_in_dim3A_62 : vector<128x512xi1>, vector<128x512xf32>
      %reduce_sum3A_63 = arith.constant dense<0.000000e+00> : vector<128xf32>
      %reduce_sum3A_64 = vector.multi_reduction <add>, %select_n3A, %reduce_sum3A_63 [1] : vector<128x512xf32> to vector<128xf32>
      %broadcast_in_dim3A_65 = vector.shape_cast %reduce_sum3A_64 : vector<128xf32> to vector<128x1xf32>
      %eq3A_66 = arith.constant 1.000000e+00 : f32
      %eq3A_67 = vector.broadcast %eq3A_66 : f32 to vector<128x512xf32>
      %eq3A_68 = arith.cmpf oeq, %sub3A_46, %eq3A_67 : vector<128x512xf32>
      %and3A_69 = arith.andi %and3A, %eq3A_68 : vector<128x512xi1>
      %jit3A_70 = arith.constant 0.000000e+00 : f32
      %broadcast_in_dim3A_71 = vector.broadcast %jit3A_70 : f32 to vector<128x512xf32>
      %select_n3A_72 = arith.select %and3A_69, %broadcast_in_dim3A_57, %broadcast_in_dim3A_71 : vector<128x512xi1>, vector<128x512xf32>
      %reduce_sum3A_73 = arith.constant dense<0.000000e+00> : vector<128xf32>
      %reduce_sum3A_74 = vector.multi_reduction <add>, %select_n3A_72, %reduce_sum3A_73 [1] : vector<128x512xf32> to vector<128xf32>
      %broadcast_in_dim3A_75 = vector.shape_cast %reduce_sum3A_74 : vector<128xf32> to vector<128x1xf32>
      %eq3A_76 = arith.constant 2.000000e+00 : f32
      %eq3A_77 = vector.broadcast %eq3A_76 : f32 to vector<128x512xf32>
      %eq3A_78 = arith.cmpf oeq, %sub3A_46, %eq3A_77 : vector<128x512xf32>
      %and3A_79 = arith.andi %and3A, %eq3A_78 : vector<128x512xi1>
      %jit3A_80 = arith.constant 0.000000e+00 : f32
      %broadcast_in_dim3A_81 = vector.broadcast %jit3A_80 : f32 to vector<128x512xf32>
      %select_n3A_82 = arith.select %and3A_79, %broadcast_in_dim3A_57, %broadcast_in_dim3A_81 : vector<128x512xi1>, vector<128x512xf32>
      %reduce_sum3A_83 = arith.constant dense<0.000000e+00> : vector<128xf32>
      %reduce_sum3A_84 = vector.multi_reduction <add>, %select_n3A_82, %reduce_sum3A_83 [1] : vector<128x512xf32> to vector<128xf32>
      %broadcast_in_dim3A_85 = vector.shape_cast %reduce_sum3A_84 : vector<128xf32> to vector<128x1xf32>
      %eq3A_86 = arith.constant 3.000000e+00 : f32
      %eq3A_87 = vector.broadcast %eq3A_86 : f32 to vector<128x512xf32>
      %eq3A_88 = arith.cmpf oeq, %sub3A_46, %eq3A_87 : vector<128x512xf32>
      %and3A_89 = arith.andi %and3A, %eq3A_88 : vector<128x512xi1>
      %jit3A_90 = arith.constant 0.000000e+00 : f32
      %broadcast_in_dim3A_91 = vector.broadcast %jit3A_90 : f32 to vector<128x512xf32>
      %select_n3A_92 = arith.select %and3A_89, %broadcast_in_dim3A_57, %broadcast_in_dim3A_91 : vector<128x512xi1>, vector<128x512xf32>
      %reduce_sum3A_93 = arith.constant dense<0.000000e+00> : vector<128xf32>
      %reduce_sum3A_94 = vector.multi_reduction <add>, %select_n3A_92, %reduce_sum3A_93 [1] : vector<128x512xf32> to vector<128xf32>
      %broadcast_in_dim3A_95 = vector.shape_cast %reduce_sum3A_94 : vector<128xf32> to vector<128x1xf32>
      %eq3A_96 = arith.constant 4.000000e+00 : f32
      %eq3A_97 = vector.broadcast %eq3A_96 : f32 to vector<128x512xf32>
      %eq3A_98 = arith.cmpf oeq, %sub3A_46, %eq3A_97 : vector<128x512xf32>
      %and3A_99 = arith.andi %and3A, %eq3A_98 : vector<128x512xi1>
      %jit3A_100 = arith.constant 0.000000e+00 : f32
      %broadcast_in_dim3A_101 = vector.broadcast %jit3A_100 : f32 to vector<128x512xf32>
      %select_n3A_102 = arith.select %and3A_99, %broadcast_in_dim3A_57, %broadcast_in_dim3A_101 : vector<128x512xi1>, vector<128x512xf32>
      %reduce_sum3A_103 = arith.constant dense<0.000000e+00> : vector<128xf32>
      %reduce_sum3A_104 = vector.multi_reduction <add>, %select_n3A_102, %reduce_sum3A_103 [1] : vector<128x512xf32> to vector<128xf32>
      %broadcast_in_dim3A_105 = vector.shape_cast %reduce_sum3A_104 : vector<128xf32> to vector<128x1xf32>
      %eq3A_106 = arith.constant 5.000000e+00 : f32
      %eq3A_107 = vector.broadcast %eq3A_106 : f32 to vector<128x512xf32>
      %eq3A_108 = arith.cmpf oeq, %sub3A_46, %eq3A_107 : vector<128x512xf32>
      %and3A_109 = arith.andi %and3A, %eq3A_108 : vector<128x512xi1>
      %jit3A_110 = arith.constant 0.000000e+00 : f32
      %broadcast_in_dim3A_111 = vector.broadcast %jit3A_110 : f32 to vector<128x512xf32>
      %select_n3A_112 = arith.select %and3A_109, %broadcast_in_dim3A_57, %broadcast_in_dim3A_111 : vector<128x512xi1>, vector<128x512xf32>
      %reduce_sum3A_113 = arith.constant dense<0.000000e+00> : vector<128xf32>
      %reduce_sum3A_114 = vector.multi_reduction <add>, %select_n3A_112, %reduce_sum3A_113 [1] : vector<128x512xf32> to vector<128xf32>
      %broadcast_in_dim3A_115 = vector.shape_cast %reduce_sum3A_114 : vector<128xf32> to vector<128x1xf32>
      %eq3A_116 = arith.constant 6.000000e+00 : f32
      %eq3A_117 = vector.broadcast %eq3A_116 : f32 to vector<128x512xf32>
      %eq3A_118 = arith.cmpf oeq, %sub3A_46, %eq3A_117 : vector<128x512xf32>
      %and3A_119 = arith.andi %and3A, %eq3A_118 : vector<128x512xi1>
      %jit3A_120 = arith.constant 0.000000e+00 : f32
      %broadcast_in_dim3A_121 = vector.broadcast %jit3A_120 : f32 to vector<128x512xf32>
      %select_n3A_122 = arith.select %and3A_119, %broadcast_in_dim3A_57, %broadcast_in_dim3A_121 : vector<128x512xi1>, vector<128x512xf32>
      %reduce_sum3A_123 = arith.constant dense<0.000000e+00> : vector<128xf32>
      %reduce_sum3A_124 = vector.multi_reduction <add>, %select_n3A_122, %reduce_sum3A_123 [1] : vector<128x512xf32> to vector<128xf32>
      %broadcast_in_dim3A_125 = vector.shape_cast %reduce_sum3A_124 : vector<128xf32> to vector<128x1xf32>
      %eq3A_126 = arith.constant 7.000000e+00 : f32
      %eq3A_127 = vector.broadcast %eq3A_126 : f32 to vector<128x512xf32>
      %eq3A_128 = arith.cmpf oeq, %sub3A_46, %eq3A_127 : vector<128x512xf32>
      %and3A_129 = arith.andi %and3A, %eq3A_128 : vector<128x512xi1>
      %jit3A_130 = arith.constant 0.000000e+00 : f32
      %broadcast_in_dim3A_131 = vector.broadcast %jit3A_130 : f32 to vector<128x512xf32>
      %select_n3A_132 = arith.select %and3A_129, %broadcast_in_dim3A_57, %broadcast_in_dim3A_131 : vector<128x512xi1>, vector<128x512xf32>
      %reduce_sum3A_133 = arith.constant dense<0.000000e+00> : vector<128xf32>
      %reduce_sum3A_134 = vector.multi_reduction <add>, %select_n3A_132, %reduce_sum3A_133 [1] : vector<128x512xf32> to vector<128xf32>
      %broadcast_in_dim3A_135 = vector.shape_cast %reduce_sum3A_134 : vector<128xf32> to vector<128x1xf32>
      %eq3A_136 = arith.constant 8.000000e+00 : f32
      %eq3A_137 = vector.broadcast %eq3A_136 : f32 to vector<128x512xf32>
      %eq3A_138 = arith.cmpf oeq, %sub3A_46, %eq3A_137 : vector<128x512xf32>
      %and3A_139 = arith.andi %and3A, %eq3A_138 : vector<128x512xi1>
      %jit3A_140 = arith.constant 0.000000e+00 : f32
      %broadcast_in_dim3A_141 = vector.broadcast %jit3A_140 : f32 to vector<128x512xf32>
      %select_n3A_142 = arith.select %and3A_139, %broadcast_in_dim3A_57, %broadcast_in_dim3A_141 : vector<128x512xi1>, vector<128x512xf32>
      %reduce_sum3A_143 = arith.constant dense<0.000000e+00> : vector<128xf32>
      %reduce_sum3A_144 = vector.multi_reduction <add>, %select_n3A_142, %reduce_sum3A_143 [1] : vector<128x512xf32> to vector<128xf32>
      %broadcast_in_dim3A_145 = vector.shape_cast %reduce_sum3A_144 : vector<128xf32> to vector<128x1xf32>
      %eq3A_146 = arith.constant 9.000000e+00 : f32
      %eq3A_147 = vector.broadcast %eq3A_146 : f32 to vector<128x512xf32>
      %eq3A_148 = arith.cmpf oeq, %sub3A_46, %eq3A_147 : vector<128x512xf32>
      %and3A_149 = arith.andi %and3A, %eq3A_148 : vector<128x512xi1>
      %jit3A_150 = arith.constant 0.000000e+00 : f32
      %broadcast_in_dim3A_151 = vector.broadcast %jit3A_150 : f32 to vector<128x512xf32>
      %select_n3A_152 = arith.select %and3A_149, %broadcast_in_dim3A_57, %broadcast_in_dim3A_151 : vector<128x512xi1>, vector<128x512xf32>
      %reduce_sum3A_153 = arith.constant dense<0.000000e+00> : vector<128xf32>
      %reduce_sum3A_154 = vector.multi_reduction <add>, %select_n3A_152, %reduce_sum3A_153 [1] : vector<128x512xf32> to vector<128xf32>
      %broadcast_in_dim3A_155 = vector.shape_cast %reduce_sum3A_154 : vector<128xf32> to vector<128x1xf32>
      %eq3A_156 = arith.constant 1.000000e+01 : f32
      %eq3A_157 = vector.broadcast %eq3A_156 : f32 to vector<128x512xf32>
      %eq3A_158 = arith.cmpf oeq, %sub3A_46, %eq3A_157 : vector<128x512xf32>
      %and3A_159 = arith.andi %and3A, %eq3A_158 : vector<128x512xi1>
      %jit3A_160 = arith.constant 0.000000e+00 : f32
      %broadcast_in_dim3A_161 = vector.broadcast %jit3A_160 : f32 to vector<128x512xf32>
      %select_n3A_162 = arith.select %and3A_159, %broadcast_in_dim3A_57, %broadcast_in_dim3A_161 : vector<128x512xi1>, vector<128x512xf32>
      %reduce_sum3A_163 = arith.constant dense<0.000000e+00> : vector<128xf32>
      %reduce_sum3A_164 = vector.multi_reduction <add>, %select_n3A_162, %reduce_sum3A_163 [1] : vector<128x512xf32> to vector<128xf32>
      %broadcast_in_dim3A_165 = vector.shape_cast %reduce_sum3A_164 : vector<128xf32> to vector<128x1xf32>
      %eq3A_166 = arith.constant 1.100000e+01 : f32
      %eq3A_167 = vector.broadcast %eq3A_166 : f32 to vector<128x512xf32>
      %eq3A_168 = arith.cmpf oeq, %sub3A_46, %eq3A_167 : vector<128x512xf32>
      %and3A_169 = arith.andi %and3A, %eq3A_168 : vector<128x512xi1>
      %jit3A_170 = arith.constant 0.000000e+00 : f32
      %broadcast_in_dim3A_171 = vector.broadcast %jit3A_170 : f32 to vector<128x512xf32>
      %select_n3A_172 = arith.select %and3A_169, %broadcast_in_dim3A_57, %broadcast_in_dim3A_171 : vector<128x512xi1>, vector<128x512xf32>
      %reduce_sum3A_173 = arith.constant dense<0.000000e+00> : vector<128xf32>
      %reduce_sum3A_174 = vector.multi_reduction <add>, %select_n3A_172, %reduce_sum3A_173 [1] : vector<128x512xf32> to vector<128xf32>
      %broadcast_in_dim3A_175 = vector.shape_cast %reduce_sum3A_174 : vector<128xf32> to vector<128x1xf32>
      %eq3A_176 = arith.constant 1.200000e+01 : f32
      %eq3A_177 = vector.broadcast %eq3A_176 : f32 to vector<128x512xf32>
      %eq3A_178 = arith.cmpf oeq, %sub3A_46, %eq3A_177 : vector<128x512xf32>
      %and3A_179 = arith.andi %and3A, %eq3A_178 : vector<128x512xi1>
      %jit3A_180 = arith.constant 0.000000e+00 : f32
      %broadcast_in_dim3A_181 = vector.broadcast %jit3A_180 : f32 to vector<128x512xf32>
      %select_n3A_182 = arith.select %and3A_179, %broadcast_in_dim3A_57, %broadcast_in_dim3A_181 : vector<128x512xi1>, vector<128x512xf32>
      %reduce_sum3A_183 = arith.constant dense<0.000000e+00> : vector<128xf32>
      %reduce_sum3A_184 = vector.multi_reduction <add>, %select_n3A_182, %reduce_sum3A_183 [1] : vector<128x512xf32> to vector<128xf32>
      %broadcast_in_dim3A_185 = vector.shape_cast %reduce_sum3A_184 : vector<128xf32> to vector<128x1xf32>
      %eq3A_186 = arith.constant 1.300000e+01 : f32
      %eq3A_187 = vector.broadcast %eq3A_186 : f32 to vector<128x512xf32>
      %eq3A_188 = arith.cmpf oeq, %sub3A_46, %eq3A_187 : vector<128x512xf32>
      %and3A_189 = arith.andi %and3A, %eq3A_188 : vector<128x512xi1>
      %jit3A_190 = arith.constant 0.000000e+00 : f32
      %broadcast_in_dim3A_191 = vector.broadcast %jit3A_190 : f32 to vector<128x512xf32>
      %select_n3A_192 = arith.select %and3A_189, %broadcast_in_dim3A_57, %broadcast_in_dim3A_191 : vector<128x512xi1>, vector<128x512xf32>
      %reduce_sum3A_193 = arith.constant dense<0.000000e+00> : vector<128xf32>
      %reduce_sum3A_194 = vector.multi_reduction <add>, %select_n3A_192, %reduce_sum3A_193 [1] : vector<128x512xf32> to vector<128xf32>
      %broadcast_in_dim3A_195 = vector.shape_cast %reduce_sum3A_194 : vector<128xf32> to vector<128x1xf32>
      %eq3A_196 = arith.constant 1.400000e+01 : f32
      %eq3A_197 = vector.broadcast %eq3A_196 : f32 to vector<128x512xf32>
      %eq3A_198 = arith.cmpf oeq, %sub3A_46, %eq3A_197 : vector<128x512xf32>
      %and3A_199 = arith.andi %and3A, %eq3A_198 : vector<128x512xi1>
      %jit3A_200 = arith.constant 0.000000e+00 : f32
      %broadcast_in_dim3A_201 = vector.broadcast %jit3A_200 : f32 to vector<128x512xf32>
      %select_n3A_202 = arith.select %and3A_199, %broadcast_in_dim3A_57, %broadcast_in_dim3A_201 : vector<128x512xi1>, vector<128x512xf32>
      %reduce_sum3A_203 = arith.constant dense<0.000000e+00> : vector<128xf32>
      %reduce_sum3A_204 = vector.multi_reduction <add>, %select_n3A_202, %reduce_sum3A_203 [1] : vector<128x512xf32> to vector<128xf32>
      %broadcast_in_dim3A_205 = vector.shape_cast %reduce_sum3A_204 : vector<128xf32> to vector<128x1xf32>
      %eq3A_206 = arith.constant 1.500000e+01 : f32
      %eq3A_207 = vector.broadcast %eq3A_206 : f32 to vector<128x512xf32>
      %eq3A_208 = arith.cmpf oeq, %sub3A_46, %eq3A_207 : vector<128x512xf32>
      %and3A_209 = arith.andi %and3A, %eq3A_208 : vector<128x512xi1>
      %jit3A_210 = arith.constant 0.000000e+00 : f32
      %broadcast_in_dim3A_211 = vector.broadcast %jit3A_210 : f32 to vector<128x512xf32>
      %select_n3A_212 = arith.select %and3A_209, %broadcast_in_dim3A_57, %broadcast_in_dim3A_211 : vector<128x512xi1>, vector<128x512xf32>
      %reduce_sum3A_213 = arith.constant dense<0.000000e+00> : vector<128xf32>
      %reduce_sum3A_214 = vector.multi_reduction <add>, %select_n3A_212, %reduce_sum3A_213 [1] : vector<128x512xf32> to vector<128xf32>
      %broadcast_in_dim3A_215 = vector.shape_cast %reduce_sum3A_214 : vector<128xf32> to vector<128x1xf32>
      %eq3A_216 = arith.constant 1.600000e+01 : f32
      %eq3A_217 = vector.broadcast %eq3A_216 : f32 to vector<128x512xf32>
      %eq3A_218 = arith.cmpf oeq, %sub3A_46, %eq3A_217 : vector<128x512xf32>
      %and3A_219 = arith.andi %and3A, %eq3A_218 : vector<128x512xi1>
      %jit3A_220 = arith.constant 0.000000e+00 : f32
      %broadcast_in_dim3A_221 = vector.broadcast %jit3A_220 : f32 to vector<128x512xf32>
      %select_n3A_222 = arith.select %and3A_219, %broadcast_in_dim3A_57, %broadcast_in_dim3A_221 : vector<128x512xi1>, vector<128x512xf32>
      %reduce_sum3A_223 = arith.constant dense<0.000000e+00> : vector<128xf32>
      %reduce_sum3A_224 = vector.multi_reduction <add>, %select_n3A_222, %reduce_sum3A_223 [1] : vector<128x512xf32> to vector<128xf32>
      %broadcast_in_dim3A_225 = vector.shape_cast %reduce_sum3A_224 : vector<128xf32> to vector<128x1xf32>
      %eq3A_226 = arith.constant 1.700000e+01 : f32
      %eq3A_227 = vector.broadcast %eq3A_226 : f32 to vector<128x512xf32>
      %eq3A_228 = arith.cmpf oeq, %sub3A_46, %eq3A_227 : vector<128x512xf32>
      %and3A_229 = arith.andi %and3A, %eq3A_228 : vector<128x512xi1>
      %jit3A_230 = arith.constant 0.000000e+00 : f32
      %broadcast_in_dim3A_231 = vector.broadcast %jit3A_230 : f32 to vector<128x512xf32>
      %select_n3A_232 = arith.select %and3A_229, %broadcast_in_dim3A_57, %broadcast_in_dim3A_231 : vector<128x512xi1>, vector<128x512xf32>
      %reduce_sum3A_233 = arith.constant dense<0.000000e+00> : vector<128xf32>
      %reduce_sum3A_234 = vector.multi_reduction <add>, %select_n3A_232, %reduce_sum3A_233 [1] : vector<128x512xf32> to vector<128xf32>
      %broadcast_in_dim3A_235 = vector.shape_cast %reduce_sum3A_234 : vector<128xf32> to vector<128x1xf32>
      %eq3A_236 = arith.constant 1.800000e+01 : f32
      %eq3A_237 = vector.broadcast %eq3A_236 : f32 to vector<128x512xf32>
      %eq3A_238 = arith.cmpf oeq, %sub3A_46, %eq3A_237 : vector<128x512xf32>
      %and3A_239 = arith.andi %and3A, %eq3A_238 : vector<128x512xi1>
      %jit3A_240 = arith.constant 0.000000e+00 : f32
      %broadcast_in_dim3A_241 = vector.broadcast %jit3A_240 : f32 to vector<128x512xf32>
      %select_n3A_242 = arith.select %and3A_239, %broadcast_in_dim3A_57, %broadcast_in_dim3A_241 : vector<128x512xi1>, vector<128x512xf32>
      %reduce_sum3A_243 = arith.constant dense<0.000000e+00> : vector<128xf32>
      %reduce_sum3A_244 = vector.multi_reduction <add>, %select_n3A_242, %reduce_sum3A_243 [1] : vector<128x512xf32> to vector<128xf32>
      %broadcast_in_dim3A_245 = vector.shape_cast %reduce_sum3A_244 : vector<128xf32> to vector<128x1xf32>
      %eq3A_246 = arith.constant 1.900000e+01 : f32
      %eq3A_247 = vector.broadcast %eq3A_246 : f32 to vector<128x512xf32>
      %eq3A_248 = arith.cmpf oeq, %sub3A_46, %eq3A_247 : vector<128x512xf32>
      %and3A_249 = arith.andi %and3A, %eq3A_248 : vector<128x512xi1>
      %jit3A_250 = arith.constant 0.000000e+00 : f32
      %broadcast_in_dim3A_251 = vector.broadcast %jit3A_250 : f32 to vector<128x512xf32>
      %select_n3A_252 = arith.select %and3A_249, %broadcast_in_dim3A_57, %broadcast_in_dim3A_251 : vector<128x512xi1>, vector<128x512xf32>
      %reduce_sum3A_253 = arith.constant dense<0.000000e+00> : vector<128xf32>
      %reduce_sum3A_254 = vector.multi_reduction <add>, %select_n3A_252, %reduce_sum3A_253 [1] : vector<128x512xf32> to vector<128xf32>
      %broadcast_in_dim3A_255 = vector.shape_cast %reduce_sum3A_254 : vector<128xf32> to vector<128x1xf32>
      %eq3A_256 = arith.constant 2.000000e+01 : f32
      %eq3A_257 = vector.broadcast %eq3A_256 : f32 to vector<128x512xf32>
      %eq3A_258 = arith.cmpf oeq, %sub3A_46, %eq3A_257 : vector<128x512xf32>
      %and3A_259 = arith.andi %and3A, %eq3A_258 : vector<128x512xi1>
      %jit3A_260 = arith.constant 0.000000e+00 : f32
      %broadcast_in_dim3A_261 = vector.broadcast %jit3A_260 : f32 to vector<128x512xf32>
      %select_n3A_262 = arith.select %and3A_259, %broadcast_in_dim3A_57, %broadcast_in_dim3A_261 : vector<128x512xi1>, vector<128x512xf32>
      %reduce_sum3A_263 = arith.constant dense<0.000000e+00> : vector<128xf32>
      %reduce_sum3A_264 = vector.multi_reduction <add>, %select_n3A_262, %reduce_sum3A_263 [1] : vector<128x512xf32> to vector<128xf32>
      %broadcast_in_dim3A_265 = vector.shape_cast %reduce_sum3A_264 : vector<128xf32> to vector<128x1xf32>
      %eq3A_266 = arith.constant 2.100000e+01 : f32
      %eq3A_267 = vector.broadcast %eq3A_266 : f32 to vector<128x512xf32>
      %eq3A_268 = arith.cmpf oeq, %sub3A_46, %eq3A_267 : vector<128x512xf32>
      %and3A_269 = arith.andi %and3A, %eq3A_268 : vector<128x512xi1>
      %jit3A_270 = arith.constant 0.000000e+00 : f32
      %broadcast_in_dim3A_271 = vector.broadcast %jit3A_270 : f32 to vector<128x512xf32>
      %select_n3A_272 = arith.select %and3A_269, %broadcast_in_dim3A_57, %broadcast_in_dim3A_271 : vector<128x512xi1>, vector<128x512xf32>
      %reduce_sum3A_273 = arith.constant dense<0.000000e+00> : vector<128xf32>
      %reduce_sum3A_274 = vector.multi_reduction <add>, %select_n3A_272, %reduce_sum3A_273 [1] : vector<128x512xf32> to vector<128xf32>
      %broadcast_in_dim3A_275 = vector.shape_cast %reduce_sum3A_274 : vector<128xf32> to vector<128x1xf32>
      %eq3A_276 = arith.constant 2.200000e+01 : f32
      %eq3A_277 = vector.broadcast %eq3A_276 : f32 to vector<128x512xf32>
      %eq3A_278 = arith.cmpf oeq, %sub3A_46, %eq3A_277 : vector<128x512xf32>
      %and3A_279 = arith.andi %and3A, %eq3A_278 : vector<128x512xi1>
      %jit3A_280 = arith.constant 0.000000e+00 : f32
      %broadcast_in_dim3A_281 = vector.broadcast %jit3A_280 : f32 to vector<128x512xf32>
      %select_n3A_282 = arith.select %and3A_279, %broadcast_in_dim3A_57, %broadcast_in_dim3A_281 : vector<128x512xi1>, vector<128x512xf32>
      %reduce_sum3A_283 = arith.constant dense<0.000000e+00> : vector<128xf32>
      %reduce_sum3A_284 = vector.multi_reduction <add>, %select_n3A_282, %reduce_sum3A_283 [1] : vector<128x512xf32> to vector<128xf32>
      %broadcast_in_dim3A_285 = vector.shape_cast %reduce_sum3A_284 : vector<128xf32> to vector<128x1xf32>
      %eq3A_286 = arith.constant 2.300000e+01 : f32
      %eq3A_287 = vector.broadcast %eq3A_286 : f32 to vector<128x512xf32>
      %eq3A_288 = arith.cmpf oeq, %sub3A_46, %eq3A_287 : vector<128x512xf32>
      %and3A_289 = arith.andi %and3A, %eq3A_288 : vector<128x512xi1>
      %jit3A_290 = arith.constant 0.000000e+00 : f32
      %broadcast_in_dim3A_291 = vector.broadcast %jit3A_290 : f32 to vector<128x512xf32>
      %select_n3A_292 = arith.select %and3A_289, %broadcast_in_dim3A_57, %broadcast_in_dim3A_291 : vector<128x512xi1>, vector<128x512xf32>
      %reduce_sum3A_293 = arith.constant dense<0.000000e+00> : vector<128xf32>
      %reduce_sum3A_294 = vector.multi_reduction <add>, %select_n3A_292, %reduce_sum3A_293 [1] : vector<128x512xf32> to vector<128xf32>
      %broadcast_in_dim3A_295 = vector.shape_cast %reduce_sum3A_294 : vector<128xf32> to vector<128x1xf32>
      %eq3A_296 = arith.constant 2.400000e+01 : f32
      %eq3A_297 = vector.broadcast %eq3A_296 : f32 to vector<128x512xf32>
      %eq3A_298 = arith.cmpf oeq, %sub3A_46, %eq3A_297 : vector<128x512xf32>
      %and3A_299 = arith.andi %and3A, %eq3A_298 : vector<128x512xi1>
      %jit3A_300 = arith.constant 0.000000e+00 : f32
      %broadcast_in_dim3A_301 = vector.broadcast %jit3A_300 : f32 to vector<128x512xf32>
      %select_n3A_302 = arith.select %and3A_299, %broadcast_in_dim3A_57, %broadcast_in_dim3A_301 : vector<128x512xi1>, vector<128x512xf32>
      %reduce_sum3A_303 = arith.constant dense<0.000000e+00> : vector<128xf32>
      %reduce_sum3A_304 = vector.multi_reduction <add>, %select_n3A_302, %reduce_sum3A_303 [1] : vector<128x512xf32> to vector<128xf32>
      %broadcast_in_dim3A_305 = vector.shape_cast %reduce_sum3A_304 : vector<128xf32> to vector<128x1xf32>
      %eq3A_306 = arith.constant 2.500000e+01 : f32
      %eq3A_307 = vector.broadcast %eq3A_306 : f32 to vector<128x512xf32>
      %eq3A_308 = arith.cmpf oeq, %sub3A_46, %eq3A_307 : vector<128x512xf32>
      %and3A_309 = arith.andi %and3A, %eq3A_308 : vector<128x512xi1>
      %jit3A_310 = arith.constant 0.000000e+00 : f32
      %broadcast_in_dim3A_311 = vector.broadcast %jit3A_310 : f32 to vector<128x512xf32>
      %select_n3A_312 = arith.select %and3A_309, %broadcast_in_dim3A_57, %broadcast_in_dim3A_311 : vector<128x512xi1>, vector<128x512xf32>
      %reduce_sum3A_313 = arith.constant dense<0.000000e+00> : vector<128xf32>
      %reduce_sum3A_314 = vector.multi_reduction <add>, %select_n3A_312, %reduce_sum3A_313 [1] : vector<128x512xf32> to vector<128xf32>
      %broadcast_in_dim3A_315 = vector.shape_cast %reduce_sum3A_314 : vector<128xf32> to vector<128x1xf32>
      %eq3A_316 = arith.constant 2.600000e+01 : f32
      %eq3A_317 = vector.broadcast %eq3A_316 : f32 to vector<128x512xf32>
      %eq3A_318 = arith.cmpf oeq, %sub3A_46, %eq3A_317 : vector<128x512xf32>
      %and3A_319 = arith.andi %and3A, %eq3A_318 : vector<128x512xi1>
      %jit3A_320 = arith.constant 0.000000e+00 : f32
      %broadcast_in_dim3A_321 = vector.broadcast %jit3A_320 : f32 to vector<128x512xf32>
      %select_n3A_322 = arith.select %and3A_319, %broadcast_in_dim3A_57, %broadcast_in_dim3A_321 : vector<128x512xi1>, vector<128x512xf32>
      %reduce_sum3A_323 = arith.constant dense<0.000000e+00> : vector<128xf32>
      %reduce_sum3A_324 = vector.multi_reduction <add>, %select_n3A_322, %reduce_sum3A_323 [1] : vector<128x512xf32> to vector<128xf32>
      %broadcast_in_dim3A_325 = vector.shape_cast %reduce_sum3A_324 : vector<128xf32> to vector<128x1xf32>
      %eq3A_326 = arith.constant 2.700000e+01 : f32
      %eq3A_327 = vector.broadcast %eq3A_326 : f32 to vector<128x512xf32>
      %eq3A_328 = arith.cmpf oeq, %sub3A_46, %eq3A_327 : vector<128x512xf32>
      %and3A_329 = arith.andi %and3A, %eq3A_328 : vector<128x512xi1>
      %jit3A_330 = arith.constant 0.000000e+00 : f32
      %broadcast_in_dim3A_331 = vector.broadcast %jit3A_330 : f32 to vector<128x512xf32>
      %select_n3A_332 = arith.select %and3A_329, %broadcast_in_dim3A_57, %broadcast_in_dim3A_331 : vector<128x512xi1>, vector<128x512xf32>
      %reduce_sum3A_333 = arith.constant dense<0.000000e+00> : vector<128xf32>
      %reduce_sum3A_334 = vector.multi_reduction <add>, %select_n3A_332, %reduce_sum3A_333 [1] : vector<128x512xf32> to vector<128xf32>
      %broadcast_in_dim3A_335 = vector.shape_cast %reduce_sum3A_334 : vector<128xf32> to vector<128x1xf32>
      %eq3A_336 = arith.constant 2.800000e+01 : f32
      %eq3A_337 = vector.broadcast %eq3A_336 : f32 to vector<128x512xf32>
      %eq3A_338 = arith.cmpf oeq, %sub3A_46, %eq3A_337 : vector<128x512xf32>
      %and3A_339 = arith.andi %and3A, %eq3A_338 : vector<128x512xi1>
      %jit3A_340 = arith.constant 0.000000e+00 : f32
      %broadcast_in_dim3A_341 = vector.broadcast %jit3A_340 : f32 to vector<128x512xf32>
      %select_n3A_342 = arith.select %and3A_339, %broadcast_in_dim3A_57, %broadcast_in_dim3A_341 : vector<128x512xi1>, vector<128x512xf32>
      %reduce_sum3A_343 = arith.constant dense<0.000000e+00> : vector<128xf32>
      %reduce_sum3A_344 = vector.multi_reduction <add>, %select_n3A_342, %reduce_sum3A_343 [1] : vector<128x512xf32> to vector<128xf32>
      %broadcast_in_dim3A_345 = vector.shape_cast %reduce_sum3A_344 : vector<128xf32> to vector<128x1xf32>
      %eq3A_346 = arith.constant 2.900000e+01 : f32
      %eq3A_347 = vector.broadcast %eq3A_346 : f32 to vector<128x512xf32>
      %eq3A_348 = arith.cmpf oeq, %sub3A_46, %eq3A_347 : vector<128x512xf32>
      %and3A_349 = arith.andi %and3A, %eq3A_348 : vector<128x512xi1>
      %jit3A_350 = arith.constant 0.000000e+00 : f32
      %broadcast_in_dim3A_351 = vector.broadcast %jit3A_350 : f32 to vector<128x512xf32>
      %select_n3A_352 = arith.select %and3A_349, %broadcast_in_dim3A_57, %broadcast_in_dim3A_351 : vector<128x512xi1>, vector<128x512xf32>
      %reduce_sum3A_353 = arith.constant dense<0.000000e+00> : vector<128xf32>
      %reduce_sum3A_354 = vector.multi_reduction <add>, %select_n3A_352, %reduce_sum3A_353 [1] : vector<128x512xf32> to vector<128xf32>
      %broadcast_in_dim3A_355 = vector.shape_cast %reduce_sum3A_354 : vector<128xf32> to vector<128x1xf32>
      %eq3A_356 = arith.constant 3.000000e+01 : f32
      %eq3A_357 = vector.broadcast %eq3A_356 : f32 to vector<128x512xf32>
      %eq3A_358 = arith.cmpf oeq, %sub3A_46, %eq3A_357 : vector<128x512xf32>
      %and3A_359 = arith.andi %and3A, %eq3A_358 : vector<128x512xi1>
      %jit3A_360 = arith.constant 0.000000e+00 : f32
      %broadcast_in_dim3A_361 = vector.broadcast %jit3A_360 : f32 to vector<128x512xf32>
      %select_n3A_362 = arith.select %and3A_359, %broadcast_in_dim3A_57, %broadcast_in_dim3A_361 : vector<128x512xi1>, vector<128x512xf32>
      %reduce_sum3A_363 = arith.constant dense<0.000000e+00> : vector<128xf32>
      %reduce_sum3A_364 = vector.multi_reduction <add>, %select_n3A_362, %reduce_sum3A_363 [1] : vector<128x512xf32> to vector<128xf32>
      %broadcast_in_dim3A_365 = vector.shape_cast %reduce_sum3A_364 : vector<128xf32> to vector<128x1xf32>
      %eq3A_366 = arith.constant 3.100000e+01 : f32
      %eq3A_367 = vector.broadcast %eq3A_366 : f32 to vector<128x512xf32>
      %eq3A_368 = arith.cmpf oeq, %sub3A_46, %eq3A_367 : vector<128x512xf32>
      %and3A_369 = arith.andi %and3A, %eq3A_368 : vector<128x512xi1>
      %jit3A_370 = arith.constant 0.000000e+00 : f32
      %broadcast_in_dim3A_371 = vector.broadcast %jit3A_370 : f32 to vector<128x512xf32>
      %select_n3A_372 = arith.select %and3A_369, %broadcast_in_dim3A_57, %broadcast_in_dim3A_371 : vector<128x512xi1>, vector<128x512xf32>
      %reduce_sum3A_373 = arith.constant dense<0.000000e+00> : vector<128xf32>
      %reduce_sum3A_374 = vector.multi_reduction <add>, %select_n3A_372, %reduce_sum3A_373 [1] : vector<128x512xf32> to vector<128xf32>
      %broadcast_in_dim3A_375 = vector.shape_cast %reduce_sum3A_374 : vector<128xf32> to vector<128x1xf32>
      %get3A_376 = arith.constant 0 : index
      %get3A_377 = arith.constant 0 : index
      %get3A_378 = vector.load %arg7[%get3A_376, %get3A_377] : memref<128x32xf32, #tpu.memory_space<vmem>>, vector<128x32xf32>
      %concatenate3A = tpu.concatenate %broadcast_in_dim3A_65, %broadcast_in_dim3A_75, %broadcast_in_dim3A_85, %broadcast_in_dim3A_95, %broadcast_in_dim3A_105, %broadcast_in_dim3A_115, %broadcast_in_dim3A_125, %broadcast_in_dim3A_135, %broadcast_in_dim3A_145, %broadcast_in_dim3A_155, %broadcast_in_dim3A_165, %broadcast_in_dim3A_175, %broadcast_in_dim3A_185, %broadcast_in_dim3A_195, %broadcast_in_dim3A_205, %broadcast_in_dim3A_215, %broadcast_in_dim3A_225, %broadcast_in_dim3A_235, %broadcast_in_dim3A_245, %broadcast_in_dim3A_255, %broadcast_in_dim3A_265, %broadcast_in_dim3A_275, %broadcast_in_dim3A_285, %broadcast_in_dim3A_295, %broadcast_in_dim3A_305, %broadcast_in_dim3A_315, %broadcast_in_dim3A_325, %broadcast_in_dim3A_335, %broadcast_in_dim3A_345, %broadcast_in_dim3A_355, %broadcast_in_dim3A_365, %broadcast_in_dim3A_375 in 1 : vector<128x1xf32>, vector<128x1xf32>, vector<128x1xf32>, vector<128x1xf32>, vector<128x1xf32>, vector<128x1xf32>, vector<128x1xf32>, vector<128x1xf32>, vector<128x1xf32>, vector<128x1xf32>, vector<128x1xf32>, vector<128x1xf32>, vector<128x1xf32>, vector<128x1xf32>, vector<128x1xf32>, vector<128x1xf32>, vector<128x1xf32>, vector<128x1xf32>, vector<128x1xf32>, vector<128x1xf32>, vector<128x1xf32>, vector<128x1xf32>, vector<128x1xf32>, vector<128x1xf32>, vector<128x1xf32>, vector<128x1xf32>, vector<128x1xf32>, vector<128x1xf32>, vector<128x1xf32>, vector<128x1xf32>, vector<128x1xf32>, vector<128x1xf32> -> vector<128x32xf32>
      %add3A_379 = arith.addf %get3A_378, %concatenate3A : vector<128x32xf32>
      %swap3A = arith.constant 0 : index
      %swap3A_380 = arith.constant 0 : index
      %swap3A_381 = vector.load %arg7[%swap3A, %swap3A_380] : memref<128x32xf32, #tpu.memory_space<vmem>>, vector<128x32xf32>
      tpu.vector_store %arg7[%swap3A, %swap3A_380], %add3A_379 {strides = array<i32>} : memref<128x32xf32, #tpu.memory_space<vmem>>, vector<128x32xf32>,
      %reduce_sum3A_382 = arith.constant dense<0.000000e+00> : vector<128xf32>
      %reduce_sum3A_383 = vector.multi_reduction <add>, %convert_element_type3A_33, %reduce_sum3A_382 [1] : vector<128x512xf32> to vector<128xf32>
      %broadcast_in_dim3A_384 = vector.shape_cast %reduce_sum3A_383 : vector<128xf32> to vector<128x1xf32>
      %add3A_385 = arith.addf %get3A_41, %broadcast_in_dim3A_384 : vector<128x1xf32>
      %swap3A_386 = arith.constant 0 : index
      %swap3A_387 = arith.constant 0 : index
      %swap3A_388 = vector.load %arg6[%swap3A_386, %swap3A_387] : memref<128x1xf32, #tpu.memory_space<vmem>>, vector<128x1xf32>
      tpu.vector_store %arg6[%swap3A_386, %swap3A_387], %add3A_385 {strides = array<i32>} : memref<128x1xf32, #tpu.memory_space<vmem>>, vector<128x1xf32>,
      %ge3A = arith.constant 3.200000e+01 : f32
      %ge3A_389 = vector.broadcast %ge3A : f32 to vector<128x1xf32>
      %ge3A_390 = arith.cmpf oge, %add3A_385, %ge3A_389 : vector<128x1xf32>
      %reduce_and3A = arith.constant 1.000000e+00 : f32
      %reduce_and3A_391 = arith.constant 0.000000e+00 : f32
      %reduce_and3A_392 = vector.broadcast %reduce_and3A : f32 to vector<128x1xf32>
      %reduce_and3A_393 = vector.broadcast %reduce_and3A_391 : f32 to vector<128x1xf32>
      %reduce_and3A_394 = arith.select %ge3A_390, %reduce_and3A_392, %reduce_and3A_393 : vector<128x1xi1>, vector<128x1xf32>
      %reduce_and3A_395 = vector.shape_cast %reduce_and3A_394 : vector<128x1xf32> to vector<1x128x1xf32>
      %reduce_and3A_396 = arith.constant dense<0x7F800000> : vector<1xf32>
      %reduce_and3A_397 = vector.multi_reduction <minimumf>, %reduce_and3A_395, %reduce_and3A_396 [1, 2] : vector<1x128x1xf32> to vector<1xf32>
      %reduce_and3A_398 = vector.shape_cast %reduce_and3A_397 : vector<1xf32> to vector<1x1x1xf32>
      %reduce_and3A_399 = vector.extract %reduce_and3A_398[0, 0, 0] : f32 from vector<1x1x1xf32>
      %reduce_and3A_400 = arith.constant 0.000000e+00 : f32
      %reduce_and3A_401 = arith.cmpf ogt, %reduce_and3A_399, %reduce_and3A_400 : f32
      %convert_element_type3A_402 = arith.extui %reduce_and3A_401 : i1 to i32
      %swap3A_403 = arith.constant 0 : index
      %swap3A_404 = memref.load %arg8[%swap3A_403] : memref<1xi32, #tpu.memory_space<smem>>
      memref.store %convert_element_type3A_402, %arg8[%swap3A_403] : memref<1xi32, #tpu.memory_space<smem>>
    } else {
    }
    %eq3A_8 = arith.constant 4 : i32
    %eq3A_9 = arith.cmpi eq, %arg1, %eq3A_8 : i32
    %convert_element_type3A_10 = arith.extui %eq3A_9 : i1 to i32
    %cond3A_11 = arith.constant 0 : i32
    %cond3A_12 = arith.cmpi ne, %convert_element_type3A_10, %cond3A_11 : i32
    scf.if %cond3A_12 {
      %iota3A = tpu.iota {dimensions = array<i32: 1>} : vector<128x32xi32>
      %convert_element_type3A_13 = arith.sitofp %iota3A : vector<128x32xi32> to vector<128x32xf32>
      %get3A_14 = arith.constant 0 : index
      %get3A_15 = arith.constant 0 : index
      %get3A_16 = vector.load %arg6[%get3A_14, %get3A_15] : memref<128x1xf32, #tpu.memory_space<vmem>>, vector<128x1xf32>
      %lt3A = vector.broadcast %get3A_16 : vector<128x1xf32> to vector<128x32xf32>
      %lt3A_17 = arith.cmpf olt, %convert_element_type3A_13, %lt3A : vector<128x32xf32>
      %get3A_18 = arith.constant 0 : index
      %get3A_19 = arith.constant 0 : index
      %get3A_20 = vector.load %arg7[%get3A_18, %get3A_19] : memref<128x32xf32, #tpu.memory_space<vmem>>, vector<128x32xf32>
      %convert_element_type3A_21 = arith.fptosi %get3A_20 : vector<128x32xf32> to vector<128x32xi32>
      %jit3A = arith.constant -1 : i32
      %broadcast_in_dim3A = vector.broadcast %jit3A : i32 to vector<128x32xi32>
      %select_n3A = arith.select %lt3A_17, %convert_element_type3A_21, %broadcast_in_dim3A : vector<128x32xi1>, vector<128x32xi32>
      %swap3A = arith.constant 0 : index
      %swap3A_22 = arith.constant 0 : index
      %swap3A_23 = vector.load %arg5[%swap3A, %swap3A_22] : memref<128x32xi32, #tpu.memory_space<vmem>>, vector<128x32xi32>
      tpu.vector_store %arg5[%swap3A, %swap3A_22], %select_n3A {strides = array<i32>} : memref<128x32xi32, #tpu.memory_space<vmem>>, vector<128x32xi32>,
    } else {
    }
    return
  }
  func.func @transform_0(%arg0: i32, %arg1: i32) -> (i32, i32) {
    %c0_i32 = arith.constant 0 : i32
    %c0_i32_0 = arith.constant 0 : i32
    return %arg0, %c0_i32 : i32, i32
  }
  func.func @transform_1(%arg0: i32, %arg1: i32) -> (i32, i32) {
    %c0_i32 = arith.constant 0 : i32
    %c0_i32_0 = arith.constant 0 : i32
    return %c0_i32, %arg1 : i32, i32
  }
  func.func @transform_2(%arg0: i32, %arg1: i32) -> (i32, i32) {
    %c0_i32 = arith.constant 0 : i32
    %c0_i32_0 = arith.constant 0 : i32
    %c0_i32_1 = arith.constant 0 : i32
    return %c0_i32, %c0_i32_0 : i32, i32
  }
  func.func @transform_3(%arg0: i32, %arg1: i32) -> (i32, i32) {
    %c0_i32 = arith.constant 0 : i32
    %c0_i32_0 = arith.constant 0 : i32
    return %arg0, %c0_i32 : i32, i32
  }
}

module attributes {stable_mosaic.version = 14 : i64} {
  func.func @_edge_kernel(%arg0: i32, %arg1: memref<3x2560xf32, #tpu.memory_space<vmem>>, %arg2: memref<3x2560xf32, #tpu.memory_space<vmem>>, %arg3: memref<3x2560xf32, #tpu.memory_space<vmem>>, %arg4: memref<3x2560xf32, #tpu.memory_space<vmem>>, %arg5: memref<16x2560xf32, #tpu.memory_space<vmem>>, %arg6: memref<1x2560xf32, #tpu.memory_space<vmem>>, %arg7: memref<20x20xf32, #tpu.memory_space<vmem>>, %arg8: memref<20x1xf32, #tpu.memory_space<vmem>>, %arg9: memref<20x20xf32, #tpu.memory_space<vmem>>, %arg10: memref<20x1xf32, #tpu.memory_space<vmem>>, %arg11: memref<16x20xf32, #tpu.memory_space<vmem>>, %arg12: memref<16x1xf32, #tpu.memory_space<vmem>>, %arg13: memref<16x2560xf32, #tpu.memory_space<vmem>>, %arg14: memref<20x2560xf32, #tpu.memory_space<vmem>>) attributes {dimension_semantics = [#tpu.dimension_semantics<arbitrary>], iteration_bounds = array<i64: 32>, scalar_prefetch = 0 : i64, scratch_operands = 1 : i64, tpu.core_type = #tpu.core_type<tc>, window_params = [{transform_indices = @transform_0, window_bounds = array<i64: 3, 2560>}, {transform_indices = @transform_1, window_bounds = array<i64: 3, 2560>}, {transform_indices = @transform_2, window_bounds = array<i64: 3, 2560>}, {transform_indices = @transform_3, window_bounds = array<i64: 3, 2560>}, {transform_indices = @transform_4, window_bounds = array<i64: 16, 2560>}, {transform_indices = @transform_5, window_bounds = array<i64: 1, 2560>}, {pipeline_mode = #tpu.pipeline_mode<synchronous>, transform_indices = @transform_6, window_bounds = array<i64: 20, 20>}, {pipeline_mode = #tpu.pipeline_mode<synchronous>, transform_indices = @transform_7, window_bounds = array<i64: 20, 1>}, {pipeline_mode = #tpu.pipeline_mode<synchronous>, transform_indices = @transform_8, window_bounds = array<i64: 20, 20>}, {pipeline_mode = #tpu.pipeline_mode<synchronous>, transform_indices = @transform_9, window_bounds = array<i64: 20, 1>}, {pipeline_mode = #tpu.pipeline_mode<synchronous>, transform_indices = @transform_10, window_bounds = array<i64: 16, 20>}, {pipeline_mode = #tpu.pipeline_mode<synchronous>, transform_indices = @transform_11, window_bounds = array<i64: 16, 1>}, {pipeline_mode = #tpu.pipeline_mode<synchronous>, transform_indices = @transform_12, window_bounds = array<i64: 16, 2560>}]} {
    %get3A = arith.constant 0 : index
    %get3A_0 = arith.constant 0 : index
    %get3A_1 = vector.load %arg1[%get3A, %get3A_0] : memref<3x2560xf32, #tpu.memory_space<vmem>>, vector<3x2560xf32>
    %get3A_2 = arith.constant 0 : index
    %get3A_3 = arith.constant 0 : index
    %get3A_4 = vector.load %arg2[%get3A_2, %get3A_3] : memref<3x2560xf32, #tpu.memory_space<vmem>>, vector<3x2560xf32>
    %slice3A = vector.extract_strided_slice %get3A_4 {offsets = [0, 0], sizes = [1, 2560], strides = [1, 1]} : vector<3x2560xf32> to vector<1x2560xf32>
    %slice3A_5 = vector.extract_strided_slice %get3A_1 {offsets = [0, 0], sizes = [1, 2560], strides = [1, 1]} : vector<3x2560xf32> to vector<1x2560xf32>
    %sub3A = arith.subf %slice3A, %slice3A_5 : vector<1x2560xf32>
    %slice3A_6 = vector.extract_strided_slice %get3A_4 {offsets = [1, 0], sizes = [1, 2560], strides = [1, 1]} : vector<3x2560xf32> to vector<1x2560xf32>
    %slice3A_7 = vector.extract_strided_slice %get3A_1 {offsets = [1, 0], sizes = [1, 2560], strides = [1, 1]} : vector<3x2560xf32> to vector<1x2560xf32>
    %sub3A_8 = arith.subf %slice3A_6, %slice3A_7 : vector<1x2560xf32>
    %slice3A_9 = vector.extract_strided_slice %get3A_4 {offsets = [2, 0], sizes = [1, 2560], strides = [1, 1]} : vector<3x2560xf32> to vector<1x2560xf32>
    %slice3A_10 = vector.extract_strided_slice %get3A_1 {offsets = [2, 0], sizes = [1, 2560], strides = [1, 1]} : vector<3x2560xf32> to vector<1x2560xf32>
    %sub3A_11 = arith.subf %slice3A_9, %slice3A_10 : vector<1x2560xf32>
    %mul3A = arith.mulf %sub3A, %sub3A : vector<1x2560xf32>
    %mul3A_12 = arith.mulf %sub3A_8, %sub3A_8 : vector<1x2560xf32>
    %add3A = arith.addf %mul3A, %mul3A_12 : vector<1x2560xf32>
    %mul3A_13 = arith.mulf %sub3A_11, %sub3A_11 : vector<1x2560xf32>
    %add3A_14 = arith.addf %add3A, %mul3A_13 : vector<1x2560xf32>
    %gt3A = arith.constant 9.99999968E-21 : f32
    %gt3A_15 = vector.broadcast %gt3A : f32 to vector<1x2560xf32>
    %gt3A_16 = arith.cmpf ogt, %add3A_14, %gt3A_15 : vector<1x2560xf32>
    %jit3A = arith.constant 1.000000e+00 : f32
    %broadcast_in_dim3A = vector.broadcast %jit3A : f32 to vector<1x2560xf32>
    %select_n3A = arith.select %gt3A_16, %add3A_14, %broadcast_in_dim3A : vector<1x2560xi1>, vector<1x2560xf32>
    %sqrt3A = math.sqrt %select_n3A : vector<1x2560xf32>
    %jit3A_17 = arith.constant 0.000000e+00 : f32
    %broadcast_in_dim3A_18 = vector.broadcast %jit3A_17 : f32 to vector<1x2560xf32>
    %select_n3A_19 = arith.select %gt3A_16, %sqrt3A, %broadcast_in_dim3A_18 : vector<1x2560xi1>, vector<1x2560xf32>
    %get3A_20 = arith.constant 0 : index
    %get3A_21 = arith.constant 0 : index
    %get3A_22 = vector.load %arg3[%get3A_20, %get3A_21] : memref<3x2560xf32, #tpu.memory_space<vmem>>, vector<3x2560xf32>
    %get3A_23 = arith.constant 0 : index
    %get3A_24 = arith.constant 0 : index
    %get3A_25 = vector.load %arg4[%get3A_23, %get3A_24] : memref<3x2560xf32, #tpu.memory_space<vmem>>, vector<3x2560xf32>
    %slice3A_26 = vector.extract_strided_slice %get3A_22 {offsets = [0, 0], sizes = [1, 2560], strides = [1, 1]} : vector<3x2560xf32> to vector<1x2560xf32>
    %slice3A_27 = vector.extract_strided_slice %get3A_22 {offsets = [1, 0], sizes = [1, 2560], strides = [1, 1]} : vector<3x2560xf32> to vector<1x2560xf32>
    %slice3A_28 = vector.extract_strided_slice %get3A_22 {offsets = [2, 0], sizes = [1, 2560], strides = [1, 1]} : vector<3x2560xf32> to vector<1x2560xf32>
    %mul3A_29 = arith.mulf %slice3A_27, %sub3A_11 : vector<1x2560xf32>
    %mul3A_30 = arith.mulf %slice3A_28, %sub3A_8 : vector<1x2560xf32>
    %sub3A_31 = arith.subf %mul3A_29, %mul3A_30 : vector<1x2560xf32>
    %mul3A_32 = arith.mulf %slice3A_28, %sub3A : vector<1x2560xf32>
    %mul3A_33 = arith.mulf %slice3A_26, %sub3A_11 : vector<1x2560xf32>
    %sub3A_34 = arith.subf %mul3A_32, %mul3A_33 : vector<1x2560xf32>
    %mul3A_35 = arith.mulf %slice3A_26, %sub3A_8 : vector<1x2560xf32>
    %mul3A_36 = arith.mulf %slice3A_27, %sub3A : vector<1x2560xf32>
    %sub3A_37 = arith.subf %mul3A_35, %mul3A_36 : vector<1x2560xf32>
    %mul3A_38 = arith.mulf %sub3A_31, %sub3A_31 : vector<1x2560xf32>
    %mul3A_39 = arith.mulf %sub3A_34, %sub3A_34 : vector<1x2560xf32>
    %add3A_40 = arith.addf %mul3A_38, %mul3A_39 : vector<1x2560xf32>
    %mul3A_41 = arith.mulf %sub3A_37, %sub3A_37 : vector<1x2560xf32>
    %add3A_42 = arith.addf %add3A_40, %mul3A_41 : vector<1x2560xf32>
    %mul3A_43 = arith.mulf %slice3A_26, %sub3A : vector<1x2560xf32>
    %mul3A_44 = arith.mulf %slice3A_27, %sub3A_8 : vector<1x2560xf32>
    %add3A_45 = arith.addf %mul3A_43, %mul3A_44 : vector<1x2560xf32>
    %mul3A_46 = arith.mulf %slice3A_28, %sub3A_11 : vector<1x2560xf32>
    %add3A_47 = arith.addf %add3A_45, %mul3A_46 : vector<1x2560xf32>
    %mul3A_48 = arith.mulf %add3A_47, %add3A_47 : vector<1x2560xf32>
    %add3A_49 = arith.addf %add3A_42, %mul3A_48 : vector<1x2560xf32>
    %gt3A_50 = arith.constant 9.99999968E-21 : f32
    %gt3A_51 = vector.broadcast %gt3A_50 : f32 to vector<1x2560xf32>
    %gt3A_52 = arith.cmpf ogt, %add3A_49, %gt3A_51 : vector<1x2560xf32>
    %jit3A_53 = arith.constant 1.000000e+00 : f32
    %broadcast_in_dim3A_54 = vector.broadcast %jit3A_53 : f32 to vector<1x2560xf32>
    %select_n3A_55 = arith.select %gt3A_52, %add3A_42, %broadcast_in_dim3A_54 : vector<1x2560xi1>, vector<1x2560xf32>
    %sqrt3A_56 = math.sqrt %select_n3A_55 : vector<1x2560xf32>
    %jit3A_57 = arith.constant 1.000000e+00 : f32
    %broadcast_in_dim3A_58 = vector.broadcast %jit3A_57 : f32 to vector<1x2560xf32>
    %select_n3A_59 = arith.select %gt3A_52, %add3A_47, %broadcast_in_dim3A_58 : vector<1x2560xi1>, vector<1x2560xf32>
    %atan23A = math.atan2 %sqrt3A_56, %select_n3A_59 : vector<1x2560xf32>
    %jit3A_60 = arith.constant 0.000000e+00 : f32
    %broadcast_in_dim3A_61 = vector.broadcast %jit3A_60 : f32 to vector<1x2560xf32>
    %select_n3A_62 = arith.select %gt3A_52, %atan23A, %broadcast_in_dim3A_61 : vector<1x2560xi1>, vector<1x2560xf32>
    %slice3A_63 = vector.extract_strided_slice %get3A_25 {offsets = [0, 0], sizes = [1, 2560], strides = [1, 1]} : vector<3x2560xf32> to vector<1x2560xf32>
    %slice3A_64 = vector.extract_strided_slice %get3A_25 {offsets = [1, 0], sizes = [1, 2560], strides = [1, 1]} : vector<3x2560xf32> to vector<1x2560xf32>
    %slice3A_65 = vector.extract_strided_slice %get3A_25 {offsets = [2, 0], sizes = [1, 2560], strides = [1, 1]} : vector<3x2560xf32> to vector<1x2560xf32>
    %mul3A_66 = arith.mulf %slice3A_64, %sub3A_11 : vector<1x2560xf32>
    %mul3A_67 = arith.mulf %slice3A_65, %sub3A_8 : vector<1x2560xf32>
    %sub3A_68 = arith.subf %mul3A_66, %mul3A_67 : vector<1x2560xf32>
    %mul3A_69 = arith.mulf %slice3A_65, %sub3A : vector<1x2560xf32>
    %mul3A_70 = arith.mulf %slice3A_63, %sub3A_11 : vector<1x2560xf32>
    %sub3A_71 = arith.subf %mul3A_69, %mul3A_70 : vector<1x2560xf32>
    %mul3A_72 = arith.mulf %slice3A_63, %sub3A_8 : vector<1x2560xf32>
    %mul3A_73 = arith.mulf %slice3A_64, %sub3A : vector<1x2560xf32>
    %sub3A_74 = arith.subf %mul3A_72, %mul3A_73 : vector<1x2560xf32>
    %mul3A_75 = arith.mulf %sub3A_68, %sub3A_68 : vector<1x2560xf32>
    %mul3A_76 = arith.mulf %sub3A_71, %sub3A_71 : vector<1x2560xf32>
    %add3A_77 = arith.addf %mul3A_75, %mul3A_76 : vector<1x2560xf32>
    %mul3A_78 = arith.mulf %sub3A_74, %sub3A_74 : vector<1x2560xf32>
    %add3A_79 = arith.addf %add3A_77, %mul3A_78 : vector<1x2560xf32>
    %mul3A_80 = arith.mulf %slice3A_63, %sub3A : vector<1x2560xf32>
    %mul3A_81 = arith.mulf %slice3A_64, %sub3A_8 : vector<1x2560xf32>
    %add3A_82 = arith.addf %mul3A_80, %mul3A_81 : vector<1x2560xf32>
    %mul3A_83 = arith.mulf %slice3A_65, %sub3A_11 : vector<1x2560xf32>
    %add3A_84 = arith.addf %add3A_82, %mul3A_83 : vector<1x2560xf32>
    %mul3A_85 = arith.mulf %add3A_84, %add3A_84 : vector<1x2560xf32>
    %add3A_86 = arith.addf %add3A_79, %mul3A_85 : vector<1x2560xf32>
    %gt3A_87 = arith.constant 9.99999968E-21 : f32
    %gt3A_88 = vector.broadcast %gt3A_87 : f32 to vector<1x2560xf32>
    %gt3A_89 = arith.cmpf ogt, %add3A_86, %gt3A_88 : vector<1x2560xf32>
    %jit3A_90 = arith.constant 1.000000e+00 : f32
    %broadcast_in_dim3A_91 = vector.broadcast %jit3A_90 : f32 to vector<1x2560xf32>
    %select_n3A_92 = arith.select %gt3A_89, %add3A_79, %broadcast_in_dim3A_91 : vector<1x2560xi1>, vector<1x2560xf32>
    %sqrt3A_93 = math.sqrt %select_n3A_92 : vector<1x2560xf32>
    %jit3A_94 = arith.constant 1.000000e+00 : f32
    %broadcast_in_dim3A_95 = vector.broadcast %jit3A_94 : f32 to vector<1x2560xf32>
    %select_n3A_96 = arith.select %gt3A_89, %add3A_84, %broadcast_in_dim3A_95 : vector<1x2560xi1>, vector<1x2560xf32>
    %atan23A_97 = math.atan2 %sqrt3A_93, %select_n3A_96 : vector<1x2560xf32>
    %jit3A_98 = arith.constant 0.000000e+00 : f32
    %broadcast_in_dim3A_99 = vector.broadcast %jit3A_98 : f32 to vector<1x2560xf32>
    %select_n3A_100 = arith.select %gt3A_89, %atan23A_97, %broadcast_in_dim3A_99 : vector<1x2560xi1>, vector<1x2560xf32>
    %slice3A_101 = vector.extract_strided_slice %get3A_22 {offsets = [0, 0], sizes = [1, 2560], strides = [1, 1]} : vector<3x2560xf32> to vector<1x2560xf32>
    %slice3A_102 = vector.extract_strided_slice %get3A_22 {offsets = [1, 0], sizes = [1, 2560], strides = [1, 1]} : vector<3x2560xf32> to vector<1x2560xf32>
    %slice3A_103 = vector.extract_strided_slice %get3A_22 {offsets = [2, 0], sizes = [1, 2560], strides = [1, 1]} : vector<3x2560xf32> to vector<1x2560xf32>
    %slice3A_104 = vector.extract_strided_slice %get3A_25 {offsets = [0, 0], sizes = [1, 2560], strides = [1, 1]} : vector<3x2560xf32> to vector<1x2560xf32>
    %slice3A_105 = vector.extract_strided_slice %get3A_25 {offsets = [1, 0], sizes = [1, 2560], strides = [1, 1]} : vector<3x2560xf32> to vector<1x2560xf32>
    %slice3A_106 = vector.extract_strided_slice %get3A_25 {offsets = [2, 0], sizes = [1, 2560], strides = [1, 1]} : vector<3x2560xf32> to vector<1x2560xf32>
    %mul3A_107 = arith.mulf %slice3A_102, %slice3A_106 : vector<1x2560xf32>
    %mul3A_108 = arith.mulf %slice3A_103, %slice3A_105 : vector<1x2560xf32>
    %sub3A_109 = arith.subf %mul3A_107, %mul3A_108 : vector<1x2560xf32>
    %mul3A_110 = arith.mulf %slice3A_103, %slice3A_104 : vector<1x2560xf32>
    %mul3A_111 = arith.mulf %slice3A_101, %slice3A_106 : vector<1x2560xf32>
    %sub3A_112 = arith.subf %mul3A_110, %mul3A_111 : vector<1x2560xf32>
    %mul3A_113 = arith.mulf %slice3A_101, %slice3A_105 : vector<1x2560xf32>
    %mul3A_114 = arith.mulf %slice3A_102, %slice3A_104 : vector<1x2560xf32>
    %sub3A_115 = arith.subf %mul3A_113, %mul3A_114 : vector<1x2560xf32>
    %mul3A_116 = arith.mulf %sub3A_109, %sub3A_109 : vector<1x2560xf32>
    %mul3A_117 = arith.mulf %sub3A_112, %sub3A_112 : vector<1x2560xf32>
    %add3A_118 = arith.addf %mul3A_116, %mul3A_117 : vector<1x2560xf32>
    %mul3A_119 = arith.mulf %sub3A_115, %sub3A_115 : vector<1x2560xf32>
    %add3A_120 = arith.addf %add3A_118, %mul3A_119 : vector<1x2560xf32>
    %mul3A_121 = arith.mulf %slice3A_101, %slice3A_104 : vector<1x2560xf32>
    %mul3A_122 = arith.mulf %slice3A_102, %slice3A_105 : vector<1x2560xf32>
    %add3A_123 = arith.addf %mul3A_121, %mul3A_122 : vector<1x2560xf32>
    %mul3A_124 = arith.mulf %slice3A_103, %slice3A_106 : vector<1x2560xf32>
    %add3A_125 = arith.addf %add3A_123, %mul3A_124 : vector<1x2560xf32>
    %mul3A_126 = arith.mulf %add3A_125, %add3A_125 : vector<1x2560xf32>
    %add3A_127 = arith.addf %add3A_120, %mul3A_126 : vector<1x2560xf32>
    %gt3A_128 = arith.constant 9.99999968E-21 : f32
    %gt3A_129 = vector.broadcast %gt3A_128 : f32 to vector<1x2560xf32>
    %gt3A_130 = arith.cmpf ogt, %add3A_127, %gt3A_129 : vector<1x2560xf32>
    %jit3A_131 = arith.constant 1.000000e+00 : f32
    %broadcast_in_dim3A_132 = vector.broadcast %jit3A_131 : f32 to vector<1x2560xf32>
    %select_n3A_133 = arith.select %gt3A_130, %add3A_120, %broadcast_in_dim3A_132 : vector<1x2560xi1>, vector<1x2560xf32>
    %sqrt3A_134 = math.sqrt %select_n3A_133 : vector<1x2560xf32>
    %jit3A_135 = arith.constant 1.000000e+00 : f32
    %broadcast_in_dim3A_136 = vector.broadcast %jit3A_135 : f32 to vector<1x2560xf32>
    %select_n3A_137 = arith.select %gt3A_130, %add3A_125, %broadcast_in_dim3A_136 : vector<1x2560xi1>, vector<1x2560xf32>
    %atan23A_138 = math.atan2 %sqrt3A_134, %select_n3A_137 : vector<1x2560xf32>
    %jit3A_139 = arith.constant 0.000000e+00 : f32
    %broadcast_in_dim3A_140 = vector.broadcast %jit3A_139 : f32 to vector<1x2560xf32>
    %select_n3A_141 = arith.select %gt3A_130, %atan23A_138, %broadcast_in_dim3A_140 : vector<1x2560xi1>, vector<1x2560xf32>
    %get3A_142 = arith.constant 0 : index
    %get3A_143 = arith.constant 0 : index
    %get3A_144 = vector.load %arg5[%get3A_142, %get3A_143] : memref<16x2560xf32, #tpu.memory_space<vmem>>, vector<16x2560xf32>
    %concatenate3A = tpu.concatenate %get3A_144, %select_n3A_19, %select_n3A_62, %select_n3A_100, %select_n3A_141 in 0 : vector<16x2560xf32>, vector<1x2560xf32>, vector<1x2560xf32>, vector<1x2560xf32>, vector<1x2560xf32> -> vector<20x2560xf32>
    %get3A_145 = arith.constant 0 : index
    %get3A_146 = arith.constant 0 : index
    %get3A_147 = vector.load %arg7[%get3A_145, %get3A_146] : memref<20x20xf32, #tpu.memory_space<vmem>>, vector<20x20xf32>
    %dot_general3A = arith.constant dense<0.000000e+00> : vector<20x2560xf32>
    %dot_general3A_148 = tpu.matmul %get3A_147, %concatenate3A, %dot_general3A {dimension_numbers = #tpu.dot_dimension_numbers<[1], [0], [0], [1], [0, 0, 1, 1], [], []>, transpose_lhs_hint = false} : vector<20x20xf32>, vector<20x2560xf32>, vector<20x2560xf32> -> vector<20x2560xf32>
    %get3A_149 = arith.constant 0 : index
    %get3A_150 = arith.constant 0 : index
    %get3A_151 = vector.load %arg8[%get3A_149, %get3A_150] : memref<20x1xf32, #tpu.memory_space<vmem>>, vector<20x1xf32>
    %add3A_152 = vector.broadcast %get3A_151 : vector<20x1xf32> to vector<20x2560xf32>
    %add3A_153 = arith.addf %dot_general3A_148, %add3A_152 : vector<20x2560xf32>
    %max3A = arith.constant 0.000000e+00 : f32
    %max3A_154 = vector.broadcast %max3A : f32 to vector<20x2560xf32>
    %max3A_155 = arith.maximumf %add3A_153, %max3A_154 : vector<20x2560xf32>
    %get3A_156 = arith.constant 0 : index
    %get3A_157 = arith.constant 0 : index
    %get3A_158 = vector.load %arg9[%get3A_156, %get3A_157] : memref<20x20xf32, #tpu.memory_space<vmem>>, vector<20x20xf32>
    %dot_general3A_159 = arith.constant dense<0.000000e+00> : vector<20x2560xf32>
    %dot_general3A_160 = tpu.matmul %get3A_158, %max3A_155, %dot_general3A_159 {dimension_numbers = #tpu.dot_dimension_numbers<[1], [0], [0], [1], [0, 0, 1, 1], [], []>, transpose_lhs_hint = false} : vector<20x20xf32>, vector<20x2560xf32>, vector<20x2560xf32> -> vector<20x2560xf32>
    %get3A_161 = arith.constant 0 : index
    %get3A_162 = arith.constant 0 : index
    %get3A_163 = vector.load %arg10[%get3A_161, %get3A_162] : memref<20x1xf32, #tpu.memory_space<vmem>>, vector<20x1xf32>
    %add3A_164 = vector.broadcast %get3A_163 : vector<20x1xf32> to vector<20x2560xf32>
    %add3A_165 = arith.addf %dot_general3A_160, %add3A_164 : vector<20x2560xf32>
    %max3A_166 = arith.constant 0.000000e+00 : f32
    %max3A_167 = vector.broadcast %max3A_166 : f32 to vector<20x2560xf32>
    %max3A_168 = arith.maximumf %add3A_165, %max3A_167 : vector<20x2560xf32>
    %get3A_169 = arith.constant 0 : index
    %get3A_170 = arith.constant 0 : index
    %get3A_171 = vector.load %arg6[%get3A_169, %get3A_170] : memref<1x2560xf32, #tpu.memory_space<vmem>>, vector<1x2560xf32>
    %gt3A_172 = arith.constant 0.000000e+00 : f32
    %gt3A_173 = vector.broadcast %gt3A_172 : f32 to vector<1x2560xf32>
    %gt3A_174 = arith.cmpf ogt, %get3A_171, %gt3A_173 : vector<1x2560xf32>
    %jit3A_175 = arith.constant 0xFF800000 : f32
    %broadcast_in_dim3A_176 = vector.shape_cast %gt3A_174 : vector<1x2560xi1> to vector<1x2560xi1>
    %broadcast_in_dim3A_177 = vector.broadcast %broadcast_in_dim3A_176 : vector<1x2560xi1> to vector<20x2560xi1>
    %broadcast_in_dim3A_178 = vector.broadcast %jit3A_175 : f32 to vector<20x2560xf32>
    %select_n3A_179 = arith.select %broadcast_in_dim3A_177, %max3A_168, %broadcast_in_dim3A_178 : vector<20x2560xi1>, vector<20x2560xf32>
    %eq3A = arith.constant 0 : i32
    %eq3A_180 = arith.cmpi eq, %arg0, %eq3A : i32
    %convert_element_type3A = arith.extui %eq3A_180 : i1 to i32
    %cond3A = arith.constant 0 : i32
    %cond3A_181 = arith.cmpi ne, %convert_element_type3A, %cond3A : i32
    scf.if %cond3A_181 {
      %swap3A = arith.constant 0 : index
      %swap3A_192 = arith.constant 0 : index
      %swap3A_193 = vector.load %arg14[%swap3A, %swap3A_192] : memref<20x2560xf32, #tpu.memory_space<vmem>>, vector<20x2560xf32>
      tpu.vector_store %arg14[%swap3A, %swap3A_192], %select_n3A_179 {strides = array<i32>} : memref<20x2560xf32, #tpu.memory_space<vmem>>, vector<20x2560xf32>,
    } else {
    }
    %gt3A_182 = arith.constant 0 : i32
    %gt3A_183 = arith.cmpi sgt, %arg0, %gt3A_182 : i32
    %convert_element_type3A_184 = arith.extui %gt3A_183 : i1 to i32
    %cond3A_185 = arith.constant 0 : i32
    %cond3A_186 = arith.cmpi ne, %convert_element_type3A_184, %cond3A_185 : i32
    scf.if %cond3A_186 {
      %get3A_192 = arith.constant 0 : index
      %get3A_193 = arith.constant 0 : index
      %get3A_194 = vector.load %arg14[%get3A_192, %get3A_193] : memref<20x2560xf32, #tpu.memory_space<vmem>>, vector<20x2560xf32>
      %max3A_195 = arith.maximumf %get3A_194, %select_n3A_179 : vector<20x2560xf32>
      %swap3A = arith.constant 0 : index
      %swap3A_196 = arith.constant 0 : index
      %swap3A_197 = vector.load %arg14[%swap3A, %swap3A_196] : memref<20x2560xf32, #tpu.memory_space<vmem>>, vector<20x2560xf32>
      tpu.vector_store %arg14[%swap3A, %swap3A_196], %max3A_195 {strides = array<i32>} : memref<20x2560xf32, #tpu.memory_space<vmem>>, vector<20x2560xf32>,
    } else {
    }
    %eq3A_187 = arith.constant 31 : i32
    %eq3A_188 = arith.cmpi eq, %arg0, %eq3A_187 : i32
    %convert_element_type3A_189 = arith.extui %eq3A_188 : i1 to i32
    %cond3A_190 = arith.constant 0 : i32
    %cond3A_191 = arith.cmpi ne, %convert_element_type3A_189, %cond3A_190 : i32
    scf.if %cond3A_191 {
      %get3A_192 = arith.constant 0 : index
      %get3A_193 = arith.constant 0 : index
      %get3A_194 = vector.load %arg11[%get3A_192, %get3A_193] : memref<16x20xf32, #tpu.memory_space<vmem>>, vector<16x20xf32>
      %get3A_195 = arith.constant 0 : index
      %get3A_196 = arith.constant 0 : index
      %get3A_197 = vector.load %arg14[%get3A_195, %get3A_196] : memref<20x2560xf32, #tpu.memory_space<vmem>>, vector<20x2560xf32>
      %dot_general3A_198 = arith.constant dense<0.000000e+00> : vector<16x2560xf32>
      %dot_general3A_199 = tpu.matmul %get3A_194, %get3A_197, %dot_general3A_198 {dimension_numbers = #tpu.dot_dimension_numbers<[1], [0], [0], [1], [0, 0, 1, 1], [], []>, transpose_lhs_hint = false} : vector<16x20xf32>, vector<20x2560xf32>, vector<16x2560xf32> -> vector<16x2560xf32>
      %get3A_200 = arith.constant 0 : index
      %get3A_201 = arith.constant 0 : index
      %get3A_202 = vector.load %arg12[%get3A_200, %get3A_201] : memref<16x1xf32, #tpu.memory_space<vmem>>, vector<16x1xf32>
      %add3A_203 = vector.broadcast %get3A_202 : vector<16x1xf32> to vector<16x2560xf32>
      %add3A_204 = arith.addf %dot_general3A_199, %add3A_203 : vector<16x2560xf32>
      %max3A_205 = arith.constant 0.000000e+00 : f32
      %max3A_206 = vector.broadcast %max3A_205 : f32 to vector<16x2560xf32>
      %max3A_207 = arith.maximumf %add3A_204, %max3A_206 : vector<16x2560xf32>
      %swap3A = arith.constant 0 : index
      %swap3A_208 = arith.constant 0 : index
      %swap3A_209 = vector.load %arg13[%swap3A, %swap3A_208] : memref<16x2560xf32, #tpu.memory_space<vmem>>, vector<16x2560xf32>
      tpu.vector_store %arg13[%swap3A, %swap3A_208], %max3A_207 {strides = array<i32>} : memref<16x2560xf32, #tpu.memory_space<vmem>>, vector<16x2560xf32>,
    } else {
    }
    return
  }
  func.func @transform_0(%arg0: i32) -> (i32, i32) {
    %c0_i32 = arith.constant 0 : i32
    %c0_i32_0 = arith.constant 0 : i32
    return %c0_i32, %arg0 : i32, i32
  }
  func.func @transform_1(%arg0: i32) -> (i32, i32) {
    %c0_i32 = arith.constant 0 : i32
    %c0_i32_0 = arith.constant 0 : i32
    return %c0_i32, %arg0 : i32, i32
  }
  func.func @transform_2(%arg0: i32) -> (i32, i32) {
    %c0_i32 = arith.constant 0 : i32
    %c0_i32_0 = arith.constant 0 : i32
    return %c0_i32, %arg0 : i32, i32
  }
  func.func @transform_3(%arg0: i32) -> (i32, i32) {
    %c0_i32 = arith.constant 0 : i32
    %c0_i32_0 = arith.constant 0 : i32
    return %c0_i32, %arg0 : i32, i32
  }
  func.func @transform_4(%arg0: i32) -> (i32, i32) {
    %c0_i32 = arith.constant 0 : i32
    %c0_i32_0 = arith.constant 0 : i32
    return %c0_i32, %arg0 : i32, i32
  }
  func.func @transform_5(%arg0: i32) -> (i32, i32) {
    %c0_i32 = arith.constant 0 : i32
    %c0_i32_0 = arith.constant 0 : i32
    return %c0_i32, %arg0 : i32, i32
  }
  func.func @transform_6(%arg0: i32) -> (i32, i32) {
    %c0_i32 = arith.constant 0 : i32
    %c0_i32_0 = arith.constant 0 : i32
    %c0_i32_1 = arith.constant 0 : i32
    return %c0_i32, %c0_i32_0 : i32, i32
  }
  func.func @transform_7(%arg0: i32) -> (i32, i32) {
    %c0_i32 = arith.constant 0 : i32
    %c0_i32_0 = arith.constant 0 : i32
    %c0_i32_1 = arith.constant 0 : i32
    return %c0_i32, %c0_i32_0 : i32, i32
  }
  func.func @transform_8(%arg0: i32) -> (i32, i32) {
    %c0_i32 = arith.constant 0 : i32
    %c0_i32_0 = arith.constant 0 : i32
    %c0_i32_1 = arith.constant 0 : i32
    return %c0_i32, %c0_i32_0 : i32, i32
  }
  func.func @transform_9(%arg0: i32) -> (i32, i32) {
    %c0_i32 = arith.constant 0 : i32
    %c0_i32_0 = arith.constant 0 : i32
    %c0_i32_1 = arith.constant 0 : i32
    return %c0_i32, %c0_i32_0 : i32, i32
  }
  func.func @transform_10(%arg0: i32) -> (i32, i32) {
    %c0_i32 = arith.constant 0 : i32
    %c0_i32_0 = arith.constant 0 : i32
    %c0_i32_1 = arith.constant 0 : i32
    return %c0_i32, %c0_i32_0 : i32, i32
  }
  func.func @transform_11(%arg0: i32) -> (i32, i32) {
    %c0_i32 = arith.constant 0 : i32
    %c0_i32_0 = arith.constant 0 : i32
    %c0_i32_1 = arith.constant 0 : i32
    return %c0_i32, %c0_i32_0 : i32, i32
  }
  func.func @transform_12(%arg0: i32) -> (i32, i32) {
    %c0_i32 = arith.constant 0 : i32
    %c0_i32_0 = arith.constant 0 : i32
    %c0_i32_1 = arith.constant 0 : i32
    return %c0_i32, %c0_i32_0 : i32, i32
  }
}

module attributes {stable_mosaic.version = 14 : i64} {
  func.func @_edge_kernel(%arg0: i32, %arg1: memref<3x1280xf32, #tpu.memory_space<vmem>>, %arg2: memref<3x1280xf32, #tpu.memory_space<vmem>>, %arg3: memref<3x1280xf32, #tpu.memory_space<vmem>>, %arg4: memref<3x1280xf32, #tpu.memory_space<vmem>>, %arg5: memref<16x1280xf32, #tpu.memory_space<vmem>>, %arg6: memref<1x1280xf32, #tpu.memory_space<vmem>>, %arg7: memref<20x20xf32, #tpu.memory_space<vmem>>, %arg8: memref<20x1xf32, #tpu.memory_space<vmem>>, %arg9: memref<20x20xf32, #tpu.memory_space<vmem>>, %arg10: memref<20x1xf32, #tpu.memory_space<vmem>>, %arg11: memref<16x20xf32, #tpu.memory_space<vmem>>, %arg12: memref<16x1xf32, #tpu.memory_space<vmem>>, %arg13: memref<16x1280xf32, #tpu.memory_space<vmem>>, %arg14: memref<20x1280xf32, #tpu.memory_space<vmem>>) attributes {dimension_semantics = [#tpu.dimension_semantics<arbitrary>], iteration_bounds = array<i64: 32>, scalar_prefetch = 0 : i64, scratch_operands = 1 : i64, tpu.core_type = #tpu.core_type<tc>, window_params = [{transform_indices = @transform_0, window_bounds = array<i64: 3, 1280>}, {transform_indices = @transform_1, window_bounds = array<i64: 3, 1280>}, {transform_indices = @transform_2, window_bounds = array<i64: 3, 1280>}, {transform_indices = @transform_3, window_bounds = array<i64: 3, 1280>}, {transform_indices = @transform_4, window_bounds = array<i64: 16, 1280>}, {transform_indices = @transform_5, window_bounds = array<i64: 1, 1280>}, {pipeline_mode = #tpu.pipeline_mode<synchronous>, transform_indices = @transform_6, window_bounds = array<i64: 20, 20>}, {pipeline_mode = #tpu.pipeline_mode<synchronous>, transform_indices = @transform_7, window_bounds = array<i64: 20, 1>}, {pipeline_mode = #tpu.pipeline_mode<synchronous>, transform_indices = @transform_8, window_bounds = array<i64: 20, 20>}, {pipeline_mode = #tpu.pipeline_mode<synchronous>, transform_indices = @transform_9, window_bounds = array<i64: 20, 1>}, {pipeline_mode = #tpu.pipeline_mode<synchronous>, transform_indices = @transform_10, window_bounds = array<i64: 16, 20>}, {pipeline_mode = #tpu.pipeline_mode<synchronous>, transform_indices = @transform_11, window_bounds = array<i64: 16, 1>}, {pipeline_mode = #tpu.pipeline_mode<synchronous>, transform_indices = @transform_12, window_bounds = array<i64: 16, 1280>}]} {
    %get3A = arith.constant 0 : index
    %get3A_0 = arith.constant 0 : index
    %get3A_1 = vector.load %arg1[%get3A, %get3A_0] : memref<3x1280xf32, #tpu.memory_space<vmem>>, vector<3x1280xf32>
    %get3A_2 = arith.constant 0 : index
    %get3A_3 = arith.constant 0 : index
    %get3A_4 = vector.load %arg2[%get3A_2, %get3A_3] : memref<3x1280xf32, #tpu.memory_space<vmem>>, vector<3x1280xf32>
    %slice3A = vector.extract_strided_slice %get3A_4 {offsets = [0, 0], sizes = [1, 1280], strides = [1, 1]} : vector<3x1280xf32> to vector<1x1280xf32>
    %slice3A_5 = vector.extract_strided_slice %get3A_1 {offsets = [0, 0], sizes = [1, 1280], strides = [1, 1]} : vector<3x1280xf32> to vector<1x1280xf32>
    %sub3A = arith.subf %slice3A, %slice3A_5 : vector<1x1280xf32>
    %slice3A_6 = vector.extract_strided_slice %get3A_4 {offsets = [1, 0], sizes = [1, 1280], strides = [1, 1]} : vector<3x1280xf32> to vector<1x1280xf32>
    %slice3A_7 = vector.extract_strided_slice %get3A_1 {offsets = [1, 0], sizes = [1, 1280], strides = [1, 1]} : vector<3x1280xf32> to vector<1x1280xf32>
    %sub3A_8 = arith.subf %slice3A_6, %slice3A_7 : vector<1x1280xf32>
    %slice3A_9 = vector.extract_strided_slice %get3A_4 {offsets = [2, 0], sizes = [1, 1280], strides = [1, 1]} : vector<3x1280xf32> to vector<1x1280xf32>
    %slice3A_10 = vector.extract_strided_slice %get3A_1 {offsets = [2, 0], sizes = [1, 1280], strides = [1, 1]} : vector<3x1280xf32> to vector<1x1280xf32>
    %sub3A_11 = arith.subf %slice3A_9, %slice3A_10 : vector<1x1280xf32>
    %mul3A = arith.mulf %sub3A, %sub3A : vector<1x1280xf32>
    %mul3A_12 = arith.mulf %sub3A_8, %sub3A_8 : vector<1x1280xf32>
    %add3A = arith.addf %mul3A, %mul3A_12 : vector<1x1280xf32>
    %mul3A_13 = arith.mulf %sub3A_11, %sub3A_11 : vector<1x1280xf32>
    %add3A_14 = arith.addf %add3A, %mul3A_13 : vector<1x1280xf32>
    %gt3A = arith.constant 9.99999968E-21 : f32
    %gt3A_15 = vector.broadcast %gt3A : f32 to vector<1x1280xf32>
    %gt3A_16 = arith.cmpf ogt, %add3A_14, %gt3A_15 : vector<1x1280xf32>
    %jit3A = arith.constant 1.000000e+00 : f32
    %broadcast_in_dim3A = vector.broadcast %jit3A : f32 to vector<1x1280xf32>
    %select_n3A = arith.select %gt3A_16, %add3A_14, %broadcast_in_dim3A : vector<1x1280xi1>, vector<1x1280xf32>
    %sqrt3A = math.sqrt %select_n3A : vector<1x1280xf32>
    %jit3A_17 = arith.constant 0.000000e+00 : f32
    %broadcast_in_dim3A_18 = vector.broadcast %jit3A_17 : f32 to vector<1x1280xf32>
    %select_n3A_19 = arith.select %gt3A_16, %sqrt3A, %broadcast_in_dim3A_18 : vector<1x1280xi1>, vector<1x1280xf32>
    %get3A_20 = arith.constant 0 : index
    %get3A_21 = arith.constant 0 : index
    %get3A_22 = vector.load %arg3[%get3A_20, %get3A_21] : memref<3x1280xf32, #tpu.memory_space<vmem>>, vector<3x1280xf32>
    %get3A_23 = arith.constant 0 : index
    %get3A_24 = arith.constant 0 : index
    %get3A_25 = vector.load %arg4[%get3A_23, %get3A_24] : memref<3x1280xf32, #tpu.memory_space<vmem>>, vector<3x1280xf32>
    %slice3A_26 = vector.extract_strided_slice %get3A_22 {offsets = [0, 0], sizes = [1, 1280], strides = [1, 1]} : vector<3x1280xf32> to vector<1x1280xf32>
    %slice3A_27 = vector.extract_strided_slice %get3A_22 {offsets = [1, 0], sizes = [1, 1280], strides = [1, 1]} : vector<3x1280xf32> to vector<1x1280xf32>
    %slice3A_28 = vector.extract_strided_slice %get3A_22 {offsets = [2, 0], sizes = [1, 1280], strides = [1, 1]} : vector<3x1280xf32> to vector<1x1280xf32>
    %mul3A_29 = arith.mulf %slice3A_27, %sub3A_11 : vector<1x1280xf32>
    %mul3A_30 = arith.mulf %slice3A_28, %sub3A_8 : vector<1x1280xf32>
    %sub3A_31 = arith.subf %mul3A_29, %mul3A_30 : vector<1x1280xf32>
    %mul3A_32 = arith.mulf %slice3A_28, %sub3A : vector<1x1280xf32>
    %mul3A_33 = arith.mulf %slice3A_26, %sub3A_11 : vector<1x1280xf32>
    %sub3A_34 = arith.subf %mul3A_32, %mul3A_33 : vector<1x1280xf32>
    %mul3A_35 = arith.mulf %slice3A_26, %sub3A_8 : vector<1x1280xf32>
    %mul3A_36 = arith.mulf %slice3A_27, %sub3A : vector<1x1280xf32>
    %sub3A_37 = arith.subf %mul3A_35, %mul3A_36 : vector<1x1280xf32>
    %mul3A_38 = arith.mulf %sub3A_31, %sub3A_31 : vector<1x1280xf32>
    %mul3A_39 = arith.mulf %sub3A_34, %sub3A_34 : vector<1x1280xf32>
    %add3A_40 = arith.addf %mul3A_38, %mul3A_39 : vector<1x1280xf32>
    %mul3A_41 = arith.mulf %sub3A_37, %sub3A_37 : vector<1x1280xf32>
    %add3A_42 = arith.addf %add3A_40, %mul3A_41 : vector<1x1280xf32>
    %mul3A_43 = arith.mulf %slice3A_26, %sub3A : vector<1x1280xf32>
    %mul3A_44 = arith.mulf %slice3A_27, %sub3A_8 : vector<1x1280xf32>
    %add3A_45 = arith.addf %mul3A_43, %mul3A_44 : vector<1x1280xf32>
    %mul3A_46 = arith.mulf %slice3A_28, %sub3A_11 : vector<1x1280xf32>
    %add3A_47 = arith.addf %add3A_45, %mul3A_46 : vector<1x1280xf32>
    %mul3A_48 = arith.mulf %add3A_47, %add3A_47 : vector<1x1280xf32>
    %add3A_49 = arith.addf %add3A_42, %mul3A_48 : vector<1x1280xf32>
    %gt3A_50 = arith.constant 9.99999968E-21 : f32
    %gt3A_51 = vector.broadcast %gt3A_50 : f32 to vector<1x1280xf32>
    %gt3A_52 = arith.cmpf ogt, %add3A_49, %gt3A_51 : vector<1x1280xf32>
    %jit3A_53 = arith.constant 1.000000e+00 : f32
    %broadcast_in_dim3A_54 = vector.broadcast %jit3A_53 : f32 to vector<1x1280xf32>
    %select_n3A_55 = arith.select %gt3A_52, %add3A_42, %broadcast_in_dim3A_54 : vector<1x1280xi1>, vector<1x1280xf32>
    %sqrt3A_56 = math.sqrt %select_n3A_55 : vector<1x1280xf32>
    %jit3A_57 = arith.constant 1.000000e+00 : f32
    %broadcast_in_dim3A_58 = vector.broadcast %jit3A_57 : f32 to vector<1x1280xf32>
    %select_n3A_59 = arith.select %gt3A_52, %add3A_47, %broadcast_in_dim3A_58 : vector<1x1280xi1>, vector<1x1280xf32>
    %atan23A = math.atan2 %sqrt3A_56, %select_n3A_59 : vector<1x1280xf32>
    %jit3A_60 = arith.constant 0.000000e+00 : f32
    %broadcast_in_dim3A_61 = vector.broadcast %jit3A_60 : f32 to vector<1x1280xf32>
    %select_n3A_62 = arith.select %gt3A_52, %atan23A, %broadcast_in_dim3A_61 : vector<1x1280xi1>, vector<1x1280xf32>
    %slice3A_63 = vector.extract_strided_slice %get3A_25 {offsets = [0, 0], sizes = [1, 1280], strides = [1, 1]} : vector<3x1280xf32> to vector<1x1280xf32>
    %slice3A_64 = vector.extract_strided_slice %get3A_25 {offsets = [1, 0], sizes = [1, 1280], strides = [1, 1]} : vector<3x1280xf32> to vector<1x1280xf32>
    %slice3A_65 = vector.extract_strided_slice %get3A_25 {offsets = [2, 0], sizes = [1, 1280], strides = [1, 1]} : vector<3x1280xf32> to vector<1x1280xf32>
    %mul3A_66 = arith.mulf %slice3A_64, %sub3A_11 : vector<1x1280xf32>
    %mul3A_67 = arith.mulf %slice3A_65, %sub3A_8 : vector<1x1280xf32>
    %sub3A_68 = arith.subf %mul3A_66, %mul3A_67 : vector<1x1280xf32>
    %mul3A_69 = arith.mulf %slice3A_65, %sub3A : vector<1x1280xf32>
    %mul3A_70 = arith.mulf %slice3A_63, %sub3A_11 : vector<1x1280xf32>
    %sub3A_71 = arith.subf %mul3A_69, %mul3A_70 : vector<1x1280xf32>
    %mul3A_72 = arith.mulf %slice3A_63, %sub3A_8 : vector<1x1280xf32>
    %mul3A_73 = arith.mulf %slice3A_64, %sub3A : vector<1x1280xf32>
    %sub3A_74 = arith.subf %mul3A_72, %mul3A_73 : vector<1x1280xf32>
    %mul3A_75 = arith.mulf %sub3A_68, %sub3A_68 : vector<1x1280xf32>
    %mul3A_76 = arith.mulf %sub3A_71, %sub3A_71 : vector<1x1280xf32>
    %add3A_77 = arith.addf %mul3A_75, %mul3A_76 : vector<1x1280xf32>
    %mul3A_78 = arith.mulf %sub3A_74, %sub3A_74 : vector<1x1280xf32>
    %add3A_79 = arith.addf %add3A_77, %mul3A_78 : vector<1x1280xf32>
    %mul3A_80 = arith.mulf %slice3A_63, %sub3A : vector<1x1280xf32>
    %mul3A_81 = arith.mulf %slice3A_64, %sub3A_8 : vector<1x1280xf32>
    %add3A_82 = arith.addf %mul3A_80, %mul3A_81 : vector<1x1280xf32>
    %mul3A_83 = arith.mulf %slice3A_65, %sub3A_11 : vector<1x1280xf32>
    %add3A_84 = arith.addf %add3A_82, %mul3A_83 : vector<1x1280xf32>
    %mul3A_85 = arith.mulf %add3A_84, %add3A_84 : vector<1x1280xf32>
    %add3A_86 = arith.addf %add3A_79, %mul3A_85 : vector<1x1280xf32>
    %gt3A_87 = arith.constant 9.99999968E-21 : f32
    %gt3A_88 = vector.broadcast %gt3A_87 : f32 to vector<1x1280xf32>
    %gt3A_89 = arith.cmpf ogt, %add3A_86, %gt3A_88 : vector<1x1280xf32>
    %jit3A_90 = arith.constant 1.000000e+00 : f32
    %broadcast_in_dim3A_91 = vector.broadcast %jit3A_90 : f32 to vector<1x1280xf32>
    %select_n3A_92 = arith.select %gt3A_89, %add3A_79, %broadcast_in_dim3A_91 : vector<1x1280xi1>, vector<1x1280xf32>
    %sqrt3A_93 = math.sqrt %select_n3A_92 : vector<1x1280xf32>
    %jit3A_94 = arith.constant 1.000000e+00 : f32
    %broadcast_in_dim3A_95 = vector.broadcast %jit3A_94 : f32 to vector<1x1280xf32>
    %select_n3A_96 = arith.select %gt3A_89, %add3A_84, %broadcast_in_dim3A_95 : vector<1x1280xi1>, vector<1x1280xf32>
    %atan23A_97 = math.atan2 %sqrt3A_93, %select_n3A_96 : vector<1x1280xf32>
    %jit3A_98 = arith.constant 0.000000e+00 : f32
    %broadcast_in_dim3A_99 = vector.broadcast %jit3A_98 : f32 to vector<1x1280xf32>
    %select_n3A_100 = arith.select %gt3A_89, %atan23A_97, %broadcast_in_dim3A_99 : vector<1x1280xi1>, vector<1x1280xf32>
    %slice3A_101 = vector.extract_strided_slice %get3A_22 {offsets = [0, 0], sizes = [1, 1280], strides = [1, 1]} : vector<3x1280xf32> to vector<1x1280xf32>
    %slice3A_102 = vector.extract_strided_slice %get3A_22 {offsets = [1, 0], sizes = [1, 1280], strides = [1, 1]} : vector<3x1280xf32> to vector<1x1280xf32>
    %slice3A_103 = vector.extract_strided_slice %get3A_22 {offsets = [2, 0], sizes = [1, 1280], strides = [1, 1]} : vector<3x1280xf32> to vector<1x1280xf32>
    %slice3A_104 = vector.extract_strided_slice %get3A_25 {offsets = [0, 0], sizes = [1, 1280], strides = [1, 1]} : vector<3x1280xf32> to vector<1x1280xf32>
    %slice3A_105 = vector.extract_strided_slice %get3A_25 {offsets = [1, 0], sizes = [1, 1280], strides = [1, 1]} : vector<3x1280xf32> to vector<1x1280xf32>
    %slice3A_106 = vector.extract_strided_slice %get3A_25 {offsets = [2, 0], sizes = [1, 1280], strides = [1, 1]} : vector<3x1280xf32> to vector<1x1280xf32>
    %mul3A_107 = arith.mulf %slice3A_102, %slice3A_106 : vector<1x1280xf32>
    %mul3A_108 = arith.mulf %slice3A_103, %slice3A_105 : vector<1x1280xf32>
    %sub3A_109 = arith.subf %mul3A_107, %mul3A_108 : vector<1x1280xf32>
    %mul3A_110 = arith.mulf %slice3A_103, %slice3A_104 : vector<1x1280xf32>
    %mul3A_111 = arith.mulf %slice3A_101, %slice3A_106 : vector<1x1280xf32>
    %sub3A_112 = arith.subf %mul3A_110, %mul3A_111 : vector<1x1280xf32>
    %mul3A_113 = arith.mulf %slice3A_101, %slice3A_105 : vector<1x1280xf32>
    %mul3A_114 = arith.mulf %slice3A_102, %slice3A_104 : vector<1x1280xf32>
    %sub3A_115 = arith.subf %mul3A_113, %mul3A_114 : vector<1x1280xf32>
    %mul3A_116 = arith.mulf %sub3A_109, %sub3A_109 : vector<1x1280xf32>
    %mul3A_117 = arith.mulf %sub3A_112, %sub3A_112 : vector<1x1280xf32>
    %add3A_118 = arith.addf %mul3A_116, %mul3A_117 : vector<1x1280xf32>
    %mul3A_119 = arith.mulf %sub3A_115, %sub3A_115 : vector<1x1280xf32>
    %add3A_120 = arith.addf %add3A_118, %mul3A_119 : vector<1x1280xf32>
    %mul3A_121 = arith.mulf %slice3A_101, %slice3A_104 : vector<1x1280xf32>
    %mul3A_122 = arith.mulf %slice3A_102, %slice3A_105 : vector<1x1280xf32>
    %add3A_123 = arith.addf %mul3A_121, %mul3A_122 : vector<1x1280xf32>
    %mul3A_124 = arith.mulf %slice3A_103, %slice3A_106 : vector<1x1280xf32>
    %add3A_125 = arith.addf %add3A_123, %mul3A_124 : vector<1x1280xf32>
    %mul3A_126 = arith.mulf %add3A_125, %add3A_125 : vector<1x1280xf32>
    %add3A_127 = arith.addf %add3A_120, %mul3A_126 : vector<1x1280xf32>
    %gt3A_128 = arith.constant 9.99999968E-21 : f32
    %gt3A_129 = vector.broadcast %gt3A_128 : f32 to vector<1x1280xf32>
    %gt3A_130 = arith.cmpf ogt, %add3A_127, %gt3A_129 : vector<1x1280xf32>
    %jit3A_131 = arith.constant 1.000000e+00 : f32
    %broadcast_in_dim3A_132 = vector.broadcast %jit3A_131 : f32 to vector<1x1280xf32>
    %select_n3A_133 = arith.select %gt3A_130, %add3A_120, %broadcast_in_dim3A_132 : vector<1x1280xi1>, vector<1x1280xf32>
    %sqrt3A_134 = math.sqrt %select_n3A_133 : vector<1x1280xf32>
    %jit3A_135 = arith.constant 1.000000e+00 : f32
    %broadcast_in_dim3A_136 = vector.broadcast %jit3A_135 : f32 to vector<1x1280xf32>
    %select_n3A_137 = arith.select %gt3A_130, %add3A_125, %broadcast_in_dim3A_136 : vector<1x1280xi1>, vector<1x1280xf32>
    %atan23A_138 = math.atan2 %sqrt3A_134, %select_n3A_137 : vector<1x1280xf32>
    %jit3A_139 = arith.constant 0.000000e+00 : f32
    %broadcast_in_dim3A_140 = vector.broadcast %jit3A_139 : f32 to vector<1x1280xf32>
    %select_n3A_141 = arith.select %gt3A_130, %atan23A_138, %broadcast_in_dim3A_140 : vector<1x1280xi1>, vector<1x1280xf32>
    %get3A_142 = arith.constant 0 : index
    %get3A_143 = arith.constant 0 : index
    %get3A_144 = vector.load %arg5[%get3A_142, %get3A_143] : memref<16x1280xf32, #tpu.memory_space<vmem>>, vector<16x1280xf32>
    %concatenate3A = tpu.concatenate %get3A_144, %select_n3A_19, %select_n3A_62, %select_n3A_100, %select_n3A_141 in 0 : vector<16x1280xf32>, vector<1x1280xf32>, vector<1x1280xf32>, vector<1x1280xf32>, vector<1x1280xf32> -> vector<20x1280xf32>
    %get3A_145 = arith.constant 0 : index
    %get3A_146 = arith.constant 0 : index
    %get3A_147 = vector.load %arg7[%get3A_145, %get3A_146] : memref<20x20xf32, #tpu.memory_space<vmem>>, vector<20x20xf32>
    %dot_general3A = arith.constant dense<0.000000e+00> : vector<20x1280xf32>
    %dot_general3A_148 = tpu.matmul %get3A_147, %concatenate3A, %dot_general3A {dimension_numbers = #tpu.dot_dimension_numbers<[1], [0], [0], [1], [0, 0, 1, 1], [], []>, transpose_lhs_hint = false} : vector<20x20xf32>, vector<20x1280xf32>, vector<20x1280xf32> -> vector<20x1280xf32>
    %get3A_149 = arith.constant 0 : index
    %get3A_150 = arith.constant 0 : index
    %get3A_151 = vector.load %arg8[%get3A_149, %get3A_150] : memref<20x1xf32, #tpu.memory_space<vmem>>, vector<20x1xf32>
    %add3A_152 = vector.broadcast %get3A_151 : vector<20x1xf32> to vector<20x1280xf32>
    %add3A_153 = arith.addf %dot_general3A_148, %add3A_152 : vector<20x1280xf32>
    %max3A = arith.constant 0.000000e+00 : f32
    %max3A_154 = vector.broadcast %max3A : f32 to vector<20x1280xf32>
    %max3A_155 = arith.maximumf %add3A_153, %max3A_154 : vector<20x1280xf32>
    %get3A_156 = arith.constant 0 : index
    %get3A_157 = arith.constant 0 : index
    %get3A_158 = vector.load %arg9[%get3A_156, %get3A_157] : memref<20x20xf32, #tpu.memory_space<vmem>>, vector<20x20xf32>
    %dot_general3A_159 = arith.constant dense<0.000000e+00> : vector<20x1280xf32>
    %dot_general3A_160 = tpu.matmul %get3A_158, %max3A_155, %dot_general3A_159 {dimension_numbers = #tpu.dot_dimension_numbers<[1], [0], [0], [1], [0, 0, 1, 1], [], []>, transpose_lhs_hint = false} : vector<20x20xf32>, vector<20x1280xf32>, vector<20x1280xf32> -> vector<20x1280xf32>
    %get3A_161 = arith.constant 0 : index
    %get3A_162 = arith.constant 0 : index
    %get3A_163 = vector.load %arg10[%get3A_161, %get3A_162] : memref<20x1xf32, #tpu.memory_space<vmem>>, vector<20x1xf32>
    %add3A_164 = vector.broadcast %get3A_163 : vector<20x1xf32> to vector<20x1280xf32>
    %add3A_165 = arith.addf %dot_general3A_160, %add3A_164 : vector<20x1280xf32>
    %max3A_166 = arith.constant 0.000000e+00 : f32
    %max3A_167 = vector.broadcast %max3A_166 : f32 to vector<20x1280xf32>
    %max3A_168 = arith.maximumf %add3A_165, %max3A_167 : vector<20x1280xf32>
    %get3A_169 = arith.constant 0 : index
    %get3A_170 = arith.constant 0 : index
    %get3A_171 = vector.load %arg6[%get3A_169, %get3A_170] : memref<1x1280xf32, #tpu.memory_space<vmem>>, vector<1x1280xf32>
    %gt3A_172 = arith.constant 0.000000e+00 : f32
    %gt3A_173 = vector.broadcast %gt3A_172 : f32 to vector<1x1280xf32>
    %gt3A_174 = arith.cmpf ogt, %get3A_171, %gt3A_173 : vector<1x1280xf32>
    %jit3A_175 = arith.constant 0xFF800000 : f32
    %broadcast_in_dim3A_176 = vector.shape_cast %gt3A_174 : vector<1x1280xi1> to vector<1x1280xi1>
    %broadcast_in_dim3A_177 = vector.broadcast %broadcast_in_dim3A_176 : vector<1x1280xi1> to vector<20x1280xi1>
    %broadcast_in_dim3A_178 = vector.broadcast %jit3A_175 : f32 to vector<20x1280xf32>
    %select_n3A_179 = arith.select %broadcast_in_dim3A_177, %max3A_168, %broadcast_in_dim3A_178 : vector<20x1280xi1>, vector<20x1280xf32>
    %eq3A = arith.constant 0 : i32
    %eq3A_180 = arith.cmpi eq, %arg0, %eq3A : i32
    %convert_element_type3A = arith.extui %eq3A_180 : i1 to i32
    %cond3A = arith.constant 0 : i32
    %cond3A_181 = arith.cmpi ne, %convert_element_type3A, %cond3A : i32
    scf.if %cond3A_181 {
      %swap3A = arith.constant 0 : index
      %swap3A_192 = arith.constant 0 : index
      %swap3A_193 = vector.load %arg14[%swap3A, %swap3A_192] : memref<20x1280xf32, #tpu.memory_space<vmem>>, vector<20x1280xf32>
      tpu.vector_store %arg14[%swap3A, %swap3A_192], %select_n3A_179 {strides = array<i32>} : memref<20x1280xf32, #tpu.memory_space<vmem>>, vector<20x1280xf32>,
    } else {
    }
    %gt3A_182 = arith.constant 0 : i32
    %gt3A_183 = arith.cmpi sgt, %arg0, %gt3A_182 : i32
    %convert_element_type3A_184 = arith.extui %gt3A_183 : i1 to i32
    %cond3A_185 = arith.constant 0 : i32
    %cond3A_186 = arith.cmpi ne, %convert_element_type3A_184, %cond3A_185 : i32
    scf.if %cond3A_186 {
      %get3A_192 = arith.constant 0 : index
      %get3A_193 = arith.constant 0 : index
      %get3A_194 = vector.load %arg14[%get3A_192, %get3A_193] : memref<20x1280xf32, #tpu.memory_space<vmem>>, vector<20x1280xf32>
      %max3A_195 = arith.maximumf %get3A_194, %select_n3A_179 : vector<20x1280xf32>
      %swap3A = arith.constant 0 : index
      %swap3A_196 = arith.constant 0 : index
      %swap3A_197 = vector.load %arg14[%swap3A, %swap3A_196] : memref<20x1280xf32, #tpu.memory_space<vmem>>, vector<20x1280xf32>
      tpu.vector_store %arg14[%swap3A, %swap3A_196], %max3A_195 {strides = array<i32>} : memref<20x1280xf32, #tpu.memory_space<vmem>>, vector<20x1280xf32>,
    } else {
    }
    %eq3A_187 = arith.constant 31 : i32
    %eq3A_188 = arith.cmpi eq, %arg0, %eq3A_187 : i32
    %convert_element_type3A_189 = arith.extui %eq3A_188 : i1 to i32
    %cond3A_190 = arith.constant 0 : i32
    %cond3A_191 = arith.cmpi ne, %convert_element_type3A_189, %cond3A_190 : i32
    scf.if %cond3A_191 {
      %get3A_192 = arith.constant 0 : index
      %get3A_193 = arith.constant 0 : index
      %get3A_194 = vector.load %arg11[%get3A_192, %get3A_193] : memref<16x20xf32, #tpu.memory_space<vmem>>, vector<16x20xf32>
      %get3A_195 = arith.constant 0 : index
      %get3A_196 = arith.constant 0 : index
      %get3A_197 = vector.load %arg14[%get3A_195, %get3A_196] : memref<20x1280xf32, #tpu.memory_space<vmem>>, vector<20x1280xf32>
      %dot_general3A_198 = arith.constant dense<0.000000e+00> : vector<16x1280xf32>
      %dot_general3A_199 = tpu.matmul %get3A_194, %get3A_197, %dot_general3A_198 {dimension_numbers = #tpu.dot_dimension_numbers<[1], [0], [0], [1], [0, 0, 1, 1], [], []>, transpose_lhs_hint = false} : vector<16x20xf32>, vector<20x1280xf32>, vector<16x1280xf32> -> vector<16x1280xf32>
      %get3A_200 = arith.constant 0 : index
      %get3A_201 = arith.constant 0 : index
      %get3A_202 = vector.load %arg12[%get3A_200, %get3A_201] : memref<16x1xf32, #tpu.memory_space<vmem>>, vector<16x1xf32>
      %add3A_203 = vector.broadcast %get3A_202 : vector<16x1xf32> to vector<16x1280xf32>
      %add3A_204 = arith.addf %dot_general3A_199, %add3A_203 : vector<16x1280xf32>
      %max3A_205 = arith.constant 0.000000e+00 : f32
      %max3A_206 = vector.broadcast %max3A_205 : f32 to vector<16x1280xf32>
      %max3A_207 = arith.maximumf %add3A_204, %max3A_206 : vector<16x1280xf32>
      %swap3A = arith.constant 0 : index
      %swap3A_208 = arith.constant 0 : index
      %swap3A_209 = vector.load %arg13[%swap3A, %swap3A_208] : memref<16x1280xf32, #tpu.memory_space<vmem>>, vector<16x1280xf32>
      tpu.vector_store %arg13[%swap3A, %swap3A_208], %max3A_207 {strides = array<i32>} : memref<16x1280xf32, #tpu.memory_space<vmem>>, vector<16x1280xf32>,
    } else {
    }
    return
  }
  func.func @transform_0(%arg0: i32) -> (i32, i32) {
    %c0_i32 = arith.constant 0 : i32
    %c0_i32_0 = arith.constant 0 : i32
    return %c0_i32, %arg0 : i32, i32
  }
  func.func @transform_1(%arg0: i32) -> (i32, i32) {
    %c0_i32 = arith.constant 0 : i32
    %c0_i32_0 = arith.constant 0 : i32
    return %c0_i32, %arg0 : i32, i32
  }
  func.func @transform_2(%arg0: i32) -> (i32, i32) {
    %c0_i32 = arith.constant 0 : i32
    %c0_i32_0 = arith.constant 0 : i32
    return %c0_i32, %arg0 : i32, i32
  }
  func.func @transform_3(%arg0: i32) -> (i32, i32) {
    %c0_i32 = arith.constant 0 : i32
    %c0_i32_0 = arith.constant 0 : i32
    return %c0_i32, %arg0 : i32, i32
  }
  func.func @transform_4(%arg0: i32) -> (i32, i32) {
    %c0_i32 = arith.constant 0 : i32
    %c0_i32_0 = arith.constant 0 : i32
    return %c0_i32, %arg0 : i32, i32
  }
  func.func @transform_5(%arg0: i32) -> (i32, i32) {
    %c0_i32 = arith.constant 0 : i32
    %c0_i32_0 = arith.constant 0 : i32
    return %c0_i32, %arg0 : i32, i32
  }
  func.func @transform_6(%arg0: i32) -> (i32, i32) {
    %c0_i32 = arith.constant 0 : i32
    %c0_i32_0 = arith.constant 0 : i32
    %c0_i32_1 = arith.constant 0 : i32
    return %c0_i32, %c0_i32_0 : i32, i32
  }
  func.func @transform_7(%arg0: i32) -> (i32, i32) {
    %c0_i32 = arith.constant 0 : i32
    %c0_i32_0 = arith.constant 0 : i32
    %c0_i32_1 = arith.constant 0 : i32
    return %c0_i32, %c0_i32_0 : i32, i32
  }
  func.func @transform_8(%arg0: i32) -> (i32, i32) {
    %c0_i32 = arith.constant 0 : i32
    %c0_i32_0 = arith.constant 0 : i32
    %c0_i32_1 = arith.constant 0 : i32
    return %c0_i32, %c0_i32_0 : i32, i32
  }
  func.func @transform_9(%arg0: i32) -> (i32, i32) {
    %c0_i32 = arith.constant 0 : i32
    %c0_i32_0 = arith.constant 0 : i32
    %c0_i32_1 = arith.constant 0 : i32
    return %c0_i32, %c0_i32_0 : i32, i32
  }
  func.func @transform_10(%arg0: i32) -> (i32, i32) {
    %c0_i32 = arith.constant 0 : i32
    %c0_i32_0 = arith.constant 0 : i32
    %c0_i32_1 = arith.constant 0 : i32
    return %c0_i32, %c0_i32_0 : i32, i32
  }
  func.func @transform_11(%arg0: i32) -> (i32, i32) {
    %c0_i32 = arith.constant 0 : i32
    %c0_i32_0 = arith.constant 0 : i32
    %c0_i32_1 = arith.constant 0 : i32
    return %c0_i32, %c0_i32_0 : i32, i32
  }
  func.func @transform_12(%arg0: i32) -> (i32, i32) {
    %c0_i32 = arith.constant 0 : i32
    %c0_i32_0 = arith.constant 0 : i32
    %c0_i32_1 = arith.constant 0 : i32
    return %c0_i32, %c0_i32_0 : i32, i32
  }
}

module attributes {stable_mosaic.version = 14 : i64} {
  func.func @_final_kernel(%arg0: memref<16x1250xf32, #tpu.memory_space<vmem>>, %arg1: memref<16x16xf32, #tpu.memory_space<vmem>>, %arg2: memref<16x1xf32, #tpu.memory_space<vmem>>, %arg3: memref<10x16xf32, #tpu.memory_space<vmem>>, %arg4: memref<10x1xf32, #tpu.memory_space<vmem>>, %arg5: memref<10x1xf32, #tpu.memory_space<vmem>>) attributes {dimension_semantics = [], scalar_prefetch = 0 : i64, scratch_operands = 0 : i64, tpu.core_type = #tpu.core_type<tc>} {
    %get3A = arith.constant 0 : index
    %get3A_0 = arith.constant 0 : index
    %get3A_1 = vector.load %arg0[%get3A, %get3A_0] : memref<16x1250xf32, #tpu.memory_space<vmem>>, vector<16x1250xf32>
    %reduce_max3A = arith.constant dense<0xFF800000> : vector<16xf32>
    %reduce_max3A_2 = vector.multi_reduction <maximumf>, %get3A_1, %reduce_max3A [1] : vector<16x1250xf32> to vector<16xf32>
    %broadcast_in_dim3A = vector.shape_cast %reduce_max3A_2 : vector<16xf32> to vector<16x1xf32>
    %get3A_3 = arith.constant 0 : index
    %get3A_4 = arith.constant 0 : index
    %get3A_5 = vector.load %arg1[%get3A_3, %get3A_4] : memref<16x16xf32, #tpu.memory_space<vmem>>, vector<16x16xf32>
    %dot_general3A = arith.constant dense<0.000000e+00> : vector<16x1xf32>
    %dot_general3A_6 = tpu.matmul %get3A_5, %broadcast_in_dim3A, %dot_general3A {dimension_numbers = #tpu.dot_dimension_numbers<[1], [0], [0], [1], [0, 0, 1, 1], [], []>, transpose_lhs_hint = false} : vector<16x16xf32>, vector<16x1xf32>, vector<16x1xf32> -> vector<16x1xf32>
    %get3A_7 = arith.constant 0 : index
    %get3A_8 = arith.constant 0 : index
    %get3A_9 = vector.load %arg2[%get3A_7, %get3A_8] : memref<16x1xf32, #tpu.memory_space<vmem>>, vector<16x1xf32>
    %add3A = arith.addf %dot_general3A_6, %get3A_9 : vector<16x1xf32>
    %max3A = arith.constant 0.000000e+00 : f32
    %max3A_10 = vector.broadcast %max3A : f32 to vector<16x1xf32>
    %max3A_11 = arith.maximumf %add3A, %max3A_10 : vector<16x1xf32>
    %get3A_12 = arith.constant 0 : index
    %get3A_13 = arith.constant 0 : index
    %get3A_14 = vector.load %arg3[%get3A_12, %get3A_13] : memref<10x16xf32, #tpu.memory_space<vmem>>, vector<10x16xf32>
    %dot_general3A_15 = arith.constant dense<0.000000e+00> : vector<10x1xf32>
    %dot_general3A_16 = tpu.matmul %get3A_14, %max3A_11, %dot_general3A_15 {dimension_numbers = #tpu.dot_dimension_numbers<[1], [0], [0], [1], [0, 0, 1, 1], [], []>, transpose_lhs_hint = false} : vector<10x16xf32>, vector<16x1xf32>, vector<10x1xf32> -> vector<10x1xf32>
    %get3A_17 = arith.constant 0 : index
    %get3A_18 = arith.constant 0 : index
    %get3A_19 = vector.load %arg4[%get3A_17, %get3A_18] : memref<10x1xf32, #tpu.memory_space<vmem>>, vector<10x1xf32>
    %add3A_20 = arith.addf %dot_general3A_16, %get3A_19 : vector<10x1xf32>
    %swap3A = arith.constant 0 : index
    %swap3A_21 = arith.constant 0 : index
    %swap3A_22 = vector.load %arg5[%swap3A, %swap3A_21] : memref<10x1xf32, #tpu.memory_space<vmem>>, vector<10x1xf32>
    tpu.vector_store %arg5[%swap3A, %swap3A_21], %add3A_20 {strides = array<i32>} : memref<10x1xf32, #tpu.memory_space<vmem>>, vector<10x1xf32>,
    return
  }
}

</mosaic_0001>

<sc_bundles>
// kernel: gather_offload_async_start.1
scs
__scs_entry_jumppad:
0x0: {  	(pc) =	sbr.rel $0x88, $3  }
0x1: {  	(tag) =	ssettag $0x0;
	lr =	simm.s32 $0x1  }
0x2: {  	[smem:$0x3F84] =	sst lr;
	_ =	strace $0xD0000000  }
0x3: {  	_ = 	snop  }
0x4: {  	_ = 	snop  }
0x5: {  	_ = 	snop  }
0x6: {  	_ = 	snop  }
0x7: {  	_ = 	snop  }
__scs_overlays_trampoline_lowered:
0x8: {  	[smem:$0x3F93] =	sst s0  }
0x9: {  	[smem:$0x3F94] =	sst s1  }
0xa: {  	[smem:$0x3F95] =	sst s2  }
0xb: {  	[smem:$0x3F96] =	sst s3  }
0xc: {  	[smem:$0x3F97] =	sst s4  }
0xd: {  	[smem:$0x3F98] =	sst s5  }
0xe: {  	[smem:$0x3F99] =	sst s6  }
0xf: {  	[smem:$0x3F9A] =	sst s7  }
0x10: {  	[smem:$0x3F9B] =	sst s8  }
0x11: {  	[smem:$0x3F9C] =	sst s9;
	s0 =	simm.s32 @!p0 $0x0  }
0x12: {  	s1 =	sld [smem:$0x3F82];
	s0 =	simm.s32 @p0 $0x1  }
0x13: {  	[smem:$0x3F9D] =	sst s0;
	s0 =	simm.s32 @!p1 $0x0  }
0x14: {  	s2 =	sld [smem:$0x3F81];
	s0 =	simm.s32 @p1 $0x1  }
0x15: {  	[smem:$0x3F9E] =	sst s0;
	s0 =	simm.s32 @!p2 $0x0  }
0x16: {  	s3 =	sld [smem:$0x3FDB];
	s0 =	simm.s32 @p2 $0x1  }
0x17: {  	s4 =	simm.s32 $0x1BF5;
	[smem:$0x3FA0] =	sst s0  }
0x18: {  	s0 =	sld [smem:$0x3F83];
	_ =	swait.ge [sflag:s4], $0x0  }
0x19: {  	s7 =	sld [smem:$0x3F84]  }
0x1a: {  	s8 =	sadd.s32 $0xFFFFE003, lr  }
0x1b: {  	s9 =	sadd.s32 $0xFFFFFEF7, lr;
	s5 =	simm.s32 $0xFFFFFFFF;
	p2 =	slt.u32 s8, $0xFFFFF086  }
0x1c: {  	p1 =	slt.u32 s9, $0xF7A;
	s5 =	simm.s32 @!p2 $0x0  }
0x1d: {  	s5 =	simm.s32 @p1 $0x1;
	p0 =	seq.s32 s7, s2  }
0x1e: {  	s7 =	smul.u32 @!p0 $0xF7A, s2;
	p2 =	seq.s32 @!p0 s5, $0x0  }
0x1f: {  	s9 =	smul.u32 $0xF7A, s1;
	s8 =	simm.s32 @!p0 $0x1BF5;
	p2 =	por !p2, p0  }
0x20: {  	[sflag:s8] =	ssyncset.s32 @!p0 $0xFFFFF086;
	s6 =	sadd.s32 @!p0 s3, s7;
	s7 =	simm.s32 @!p0 $0x108  }
0x21: {  	s3 =	sadd.s32 s3, s9;
	s6 =	sadd.s32 @!p0 $0x88, s6;
	s7 =	simm.s32 @p2 $0x1082  }
0x22: {  	[simem:s7], [sflag:s8] =	dma.local @!p0 [hbm:s6], $0xF7A  }
0x23: {  	s9 =	sor.u32 $0xD0000000, s2;
	s6 =	simm.s32 $0x108;
	_ =	swait.ge @!p0 [sflag:s8], $0x0  }
0x24: {  	s3 =	sadd.s32 $0x88, s3;
	s6 =	simm.s32 @!p1 $0x1082;
	[sflag:s4] =	ssyncset.s32 $0xFFFFF086  }
0x25: {  	[simem:s6], [sflag:s4] =	dma.local [hbm:s3], $0xF7A  }
0x26: {  	[smem:$0x3F84] =	sst s1;
	(tag) =	ssettag s2;
	_ =	strace s9  }
0x27: {  	s1 =	sld [smem:$0x3F94]  }
0x28: {  	s2 =	sld [smem:$0x3F95]  }
0x29: {  	s4 =	sld [smem:$0x3F97]  }
0x2a: {  	p0 =	seq.s32 s5, $0x0;
	s5 =	sld [smem:$0x3F98]  }
0x2b: {  	s6 =	sld [smem:$0x3F99]  }
0x2c: {  	s7 =	sld [smem:$0x3F9A]  }
0x2d: {  	s3 =	simm.s32 $0x108;
	s8 =	sld [smem:$0x3F9B]  }
0x2e: {  	s3 =	simm.s32 @!p0 $0x1082;
	s9 =	sld [smem:$0x3F9C]  }
0x2f: {  	lr =	sadd.s32 s0, s3;
	s0 =	sld [smem:$0x3F93]  }
0x30: {  	s3 =	sld [smem:$0x3F96]  }
0x31: {  	[smem:$0x3F9F] =	sst s10  }
0x32: {  	s10 =	sld [smem:$0x3F9D];
	_ =	sdelay $0x3  }
0x33: {  	p0 =	seq.s32 s10, $0x1;
	s10 =	sld [smem:$0x3F9F];
	_ =	sdelay $0x3  }
0x34: {  	[smem:$0x3F9F] =	sst s10  }
0x35: {  	s10 =	sld [smem:$0x3F9E];
	_ =	sdelay $0x3  }
0x36: {  	p1 =	seq.s32 s10, $0x1;
	s10 =	sld [smem:$0x3F9F];
	_ =	sdelay $0x3  }
0x37: {  	[smem:$0x3F9F] =	sst s10  }
0x38: {  	s10 =	sld [smem:$0x3FA0]  }
0x39: {  	_ = 	snop;
	(pc) =	sbr.ind lr, $3  }
0x3a: {  	_ = 	snop  }
0x3b: {  	_ = 	snop  }
0x3c: {  	p2 =	seq.s32 s10, $0x1;
	s10 =	sld [smem:$0x3F9F]  }
0x3d: {  	_ =	shalt  }
0x3e: {  	_ =	shalt  }
0x3f: {  	_ =	shalt  }
0x40: {  	_ =	shalt  }
0x41: {  	_ =	shalt  }
0x42: {  	_ =	shalt  }
0x43: {  	_ =	shalt  }
0x44: {  	_ =	shalt  }
0x45: {  	_ =	shalt  }
0x46: {  	_ =	shalt  }
0x47: {  	_ =	shalt  }
0x48: {  	_ =	shalt  }
0x49: {  	_ =	shalt  }
0x4a: {  	_ =	shalt  }
0x4b: {  	_ =	shalt  }
0x4c: {  	_ =	shalt  }
0x4d: {  	_ =	shalt  }
0x4e: {  	_ =	shalt  }
0x4f: {  	_ =	shalt  }
0x50: {  	_ =	shalt  }
0x51: {  	_ =	shalt  }
0x52: {  	_ =	shalt  }
0x53: {  	_ =	shalt  }
0x54: {  	_ =	shalt  }
0x55: {  	_ =	shalt  }
0x56: {  	_ =	shalt  }
0x57: {  	_ =	shalt  }
0x58: {  	_ =	shalt  }
0x59: {  	_ =	shalt  }
0x5a: {  	_ =	shalt  }
0x5b: {  	_ =	shalt  }
0x5c: {  	_ =	shalt  }
0x5d: {  	_ =	shalt  }
0x5e: {  	_ =	shalt  }
0x5f: {  	_ =	shalt  }
0x60: {  	_ =	shalt  }
0x61: {  	_ =	shalt  }
0x62: {  	_ =	shalt  }
0x63: {  	_ =	shalt  }
0x64: {  	_ =	shalt  }
0x65: {  	_ =	shalt  }
0x66: {  	_ =	shalt  }
0x67: {  	_ =	shalt  }
0x68: {  	_ =	shalt  }
0x69: {  	_ =	shalt  }
0x6a: {  	_ =	shalt  }
0x6b: {  	_ =	shalt  }
0x6c: {  	_ =	shalt  }
0x6d: {  	_ =	shalt  }
0x6e: {  	_ =	shalt  }
0x6f: {  	_ =	shalt  }
0x70: {  	_ =	shalt  }
0x71: {  	_ =	shalt  }
0x72: {  	_ =	shalt  }
0x73: {  	_ =	shalt  }
0x74: {  	_ =	shalt  }
0x75: {  	_ =	shalt  }
0x76: {  	_ =	shalt  }
0x77: {  	_ =	shalt  }
0x78: {  	_ =	shalt  }
0x79: {  	_ =	shalt  }
0x7a: {  	_ =	shalt  }
0x7b: {  	_ =	shalt  }
0x7c: {  	_ =	shalt  }
0x7d: {  	_ =	shalt  }
0x7e: {  	_ =	shalt  }
0x7f: {  	_ =	shalt  }
0x80: {  	_ =	shalt  }
0x81: {  	_ =	shalt  }
0x82: {  	_ =	shalt  }
0x83: {  	_ =	shalt  }
0x84: {  	_ =	shalt  }
0x85: {  	_ =	shalt  }
0x86: {  	_ =	shalt  }
0x87: {  	_ =	shalt  }
.Lfunc_end0:
.L_simem_size_0:
called_computation.1_lowered:
.L_overlay_start_0:
0x88: {  	s0 =	sld [smem:$0x3FD9]  }
0x89: {  	s1 =	sld [smem:$0x3FFE];
	_ =	sdelay $0x3  }
0x8a: {  	s0 =	sadd.s32 s1, s0  }
0x8b: {  	[smem:$0x3FAB] =	sst s0  }
0x8c: {  	_ = 	snop  }
0x8d: {  	(tm) =	ssettm $0x1  }
0x8e: {  	s15 =	sld [smem:$0x3FFB];
	_ =	sdelay $0x3  }
0x8f: {  	_ =	strace s15  }
0x90: {  	s0 =	sld [smem:$0x3FFC];
	_ =	sdelay $0x3  }
0x91: {  	_ =	strace s0  }
0x92: {  	s0 =	sld [smem:$0x3FFD];
	_ =	sdelay $0x3  }
0x93: {  	_ =	strace s0  }
0x94: {  	_ =	strace $0x8FFFFFFF  }
0x95: {  	s16 =	sld [smem:$0x3FDB];
	_ =	sdelay $0x1  }
0x96: {  	s17 =	simm.s32 $_scs_section_size  }
0x97: {  	s2 =	simm.s32 $_size__tile_overlayer_lowered;
	s3 =	simm.s32 $_tile_overlayer_lowered  }
0x98: {  	s20 =	simm.s32 $0x1BFF;
	s19 =	sshll.u32 s3, $0x1;
	s0 =	sadd.s32 s17, s16  }
0x99: {  	s4 =	simm.s32 $0x0;
	s18 =	sshll.u32 s2, $0x1;
	s2 =	sadd.s32 s19, s0  }
0x9a: {  	[timem:s4], [sflag:s20] =	dma.local [hbm:s2], s18  }
0x9b: {  	_ =	swait.ge [sflag:s20], s18  }
0x9c: {  	s1 =	ssub.s32 $0x0, s18;
	[sflag:s20] =	ssyncset.done $0x0  }
0x9d: {  	[sflag:s20] =	ssyncadd.s32 s1;
	_ =	sdelay $0x1  }
0x9e: {  	s21 =	simm.s32 $0x1B8B  }
0x9f: {  	_ =	swait.ge [sflag:s21], $0x1  }
0xa0: {  	[sflag:s21] =	ssyncset.done $0x0  }
0xa1: {  	s23 =	simm.s32 $0x1B8E;
	s22 =	sld [smem:$0x3FFE];
	[sflag:s21] =	ssyncadd.s32 $0xFFFFFFFF  }
0xa2: {  	s24 =	simm.s32 $execute0_lowered;
	[smem:$0x3FD2] =	sst s23  }
0xa3: {  	s2 =	sshll.u32 s24, $0x1;
	_ =	strace $0x80000049;
	[dreg:$0x1] =	wrdreg $0xFFFFFFFF  }
0xa4: {  	s25 =	simm.s32 $_size_execute0_lowered;
	s0 =	sadd.s32 s0, s2;
	[dreg:$0x0] =	wrdreg $0x0  }
0xa5: {  	s2 =	sshll.u32 s25, $0x1;
	[dreg:$0x2] =	wrdreg s0  }
0xa6: {  	[dreg:$0x3] =	wrdreg s2  }
0xa7: {  	[dreg:$0x4] =	wrdreg $0xC0  }
0xa8: {  	_ =	task [dreg:s4], $0x5FFFF  }
0xa9: {  	[dreg:$0x1] =	wrdreg $0xFFFFFFFF  }
0xaa: {  	[dreg:$0x0] =	wrdreg $0x60  }
0xab: {  	[dreg:$0x2] =	wrdreg s22  }
0xac: {  	[dreg:$0x3] =	wrdreg $0xA  }
0xad: {  	_ =	task.clear_ibuf [dreg:s4], $0x4FFFF;
	_ =	strace $0x90000049  }
0xae: {  	s26 =	simm.s32 $0xA;
	_ =	strace $0x8000004B  }
0xaf: {  	_ =	swait.ge [sflag:s26], $0x1  }
0xb0: {  	[sflag:s26] =	ssyncadd.s32 $0xFFFFFFFF  }
0xb1: {  	_ =	strace $0x9000004B  }
0xb2: {  	_ =	sfence  }
0xb3: {  	s28 =	sld [smem:$0x0];
	_ =	sdelay $0x1  }
0xb4: {  	s29 =	srdreg.scid  }
0xb5: {  	s30 =	sshll.u32 s29, $0xD;
	s31 =	sshrl.u32 s29, $0x2  }
0xb6: {  	s1 =	sand.u32 $0x1, s29;
	s2 =	sand.u32 $0x4000, s30;
	s0 =	sadd.s32 s31, s28  }
0xb7: {  	s1 =	sor.u32 s2, s1;
	s0 =	sshll.u32 s0, $0x11  }
0xb8: {  	s0 =	sor.u32 s0, s1  }
0xb9: {  	s0 =	sadd.s32 $0x8F2B, s0  }
0xba: {  	[sflag:s0] =	ssyncadd.remote.s32 $0x1  }
0xbb: {  	_ =	sfence.sel $0xFFFF  }
0xbc: {  	[dreg:$0x0] =	wrdreg $0xFFFFFFFF;
	(pc) =	sbr.abs _section_cstart, $3  }
0xbd: {  	[dreg:$0x1] =	wrdreg $0xFFFFFFFF  }
0xbe: {  	_ =	task.clear_ibuf [dreg:s4], $0x2FFFF;
	_ =	strace $0x9FFFFFFF  }
0xbf: {  	(tm) =	ssettm $0x7FFFFFFF  }
tec
execute0_lowered:
.L_overlay_start_1:
0x0: {  	(tag) =	ssettag $0x1  }
0x1: {  	s0 =	stileid.u32  }
0x2: {  	s1 =	smin.u32 s0, $0x9  }
0x3: {  	s1 =	sadd.s32 s0, s1  }
0x4: {  	s2 =	simm.s32 $0x190;
	p0 =	slt.u32 s0, $0x9;
	s1 =	smul.u32 $0xC8, s1  }
0x5: {  	s2 =	simm.s32 @!p0 $0xC8  }
0x6: {  	s2 =	sadd.s32 s2, s1  }
0x7: {  	s3 =	smin.u32 s2, $0x1388  }
0x8: {  	s7 =	ssub.s32 s3, s1  }
0x9: {  	p0 =	sgt.s32 s7, $0x0  }
0xa: {  	s7 =	simm.s32 @!p0 $0x0  }
0xb: {  	s31 =	sand.u32 $0xFFF8, s7  }
0xc: {  	s2 =	sshrl.u32 s31, $0x3  }
0xd: {  	s2 =	smul.u32 $0x147B, s2  }
0xe: {  	s9 =	rddreg [dreg:$0x0];
	s6 =	simm.s32 $0x1;
	s11 =	simm.s32 $0x3  }
0xf: {  	s13 =	simm.s32 $0x0;
	s12 =	simm.s32 $0x0;
	s8 =	sshrl.u32 s2, $0x11  }
0x10: {  	s4 =	sadd.s32 $0x2EE00, s9;
	s5 =	sadd.s32 $0x2EA00, s9;
	s10 =	smul.u32 $0xC8, s8  }
.Ltmp0:
0x11: {  	s9 =	sadd.s32 $0x69A00, s9;
	s2 =	rddreg [dreg:$0x1];
	(pc) =	sbr.rel .LBB2_1-.Ltmp0, $4  }
0x12: {  	_ =	strace $0x8000004A;
	p0 =	sne.s32 s7, s10;
	s10 =	simm.s32 $0x1  }
0x13: {  	[sflag:s6] =	ssyncpa.u1 $0x0;
	s7 =	simm.s32 $0x2;
	s10 =	simm.s32 @!p0 $0x0  }
0x14: {  	[sflag:s7] =	ssyncpa.u1 $0x0;
	p0 =	por $0x0, $0x0;
	s8 =	sadd.s32 s8, s10  }
0x15: {  	vm0 =	vmmov $0xff;
	vm1 =	vcmask $0x3F20;
	[sflag:s11] =	ssyncpa.u1 $0x0;
	s11 =	smov.u32 s1;
	s10 =	sadd.s32 $0x1, s8  }
.LBB2_6:
0x16: {  	[hbm:s17] =	stream.linear.scatter [tilespmem:s14], [sflag:$0x3], $0x400, $0x38;
	[tilespmem:$0xC990] =	vst v63  }
.LBB2_7:
0x17: {  	s13 =	sadd.s32 $0xC8, s11  }
0x18: {  	s15 =	smov.u32 s1;
	p2 =	slt.s32 s13, s3  }
0x19: {  	s15 =	smov.u32 @p2 s13;
	p2 =	sne.s32 s12, s10  }
.Ltmp1:
0x1a: {  	p1 =	slt.u32 s12, $0x2;
	(pc) =	sbr.rel @!p2 .LBB2_8-.Ltmp1, $4  }
0x1b: {  	s14 =	simm.s32 @!p1 $0x3  }
0x1c: {  	s16 =	sadd.s32 $0x1, s12;
	_ =	swait.ge @!p1 [sflag:s14], $0x6400  }
0x1d: {  	p0 =	por !p0, !p0;
	s13 =	smov.u32 s11;
	[sflag:s14] =	ssyncset.done @!p1 $0x0  }
0x1e: {  	s12 =	smov.u32 s16;
	s11 =	smov.u32 s15;
	[sflag:s14] =	ssyncadd.s32 @!p1 $0xFFFF9C00  }
.LBB2_1:
0x1f: {  	p1 =	sge.u32 s12, s8  }
0x20: {  	s14 =	sxor.u32 @!p1 $0xFFFFFFFF, s12  }
0x21: {  	s14 =	sand.u32 @!p1 $0x1, s14  }
0x22: {  	s14 =	smul.u32 @!p1 $0x320, s14  }
0x23: {  	s31 =	sadd.s32 $0xFFFFFFFF, s12;
	s15 =	sshrl.u32 @!p1 s11, $0x3  }
0x24: {  	s16 =	sand.u32 @!p1 $0x7, s11;
	s15 =	sadd.s32 @!p1 s5, s15;
	s14 =	sshrl.u32 @!p1 s14, $0x2  }
0x25: {  	[tilespmem:s14], [sflag:$0x2] =	stream.linear.gather @!p1 [hbm4b:s15+s16], $0xC8, $0x38;
	[tilespmem:$0xC990] =	vst v63  }
0x26: {  	p1 =	sge.u32 s31, s8  }
.Ltmp2:
0x27: {  	_ = 	snop;
	(pc) =	sbr.rel @p1 .LBB2_7-.Ltmp2, $1  }
0x28: {  	_ =	sdelay $0x3  }
0x29: {  	s14 =	simm.s32 $0x1  }
0x2a: {  	s14 =	simm.s32 @!p0 $0x0  }
0x2b: {  	s15 =	smul.u32 $0x320, s14  }
0x2c: {  	_ =	swait.ge [sflag:s7], $0xC8  }
0x2d: {  	[sflag:s7] =	ssyncset.done $0x0;
	s16 =	sshrl.u32 s15, $0x2  }
0x2e: {  	[sflag:s7] =	ssyncadd.s32 $0xFFFFFF38;
	s15 =	sadd.s32 $0x0, s16  }
0x2f: {  	v0 =	vld.msk [tilespmem:s15+$0x0 ss:$0x1], $0xffff;
	_ =	sdelay $0x4  }
0x30: {  	vm2 =	vgt.s32 v0, $0x0  }
0x31: {  	v0 =	vnsel vm2, $0x0, v0  }
0x32: {  	v0 =	vmin.u32 v0, $0x270F  }
0x33: {  	v0 =	vshll.u32 v0, $0x4  }
0x34: {  	s14 =	smul.u32 $0x19000, s14  }
0x35: {  	s31 =	sand.u32 $0x1, s12  }
0x36: {  	s17 =	smul.u32 $0x320, s31;
	s14 =	sshrl.u32 s14, $0x2  }
0x37: {  	s19 =	smul.u32 $0x19000, s31;
	s14 =	sor.u32 $0x190, s14  }
0x38: {  	[tilespmem:s14], [sflag:$0x1] =	stream.indirect_vreg.gather [hbm:s4], $0x80, v0, vm0, $0x38;
	[tilespmem:$0xC990] =	vst v63  }
0x39: {  	s18 =	sshrl.u32 s17, $0x2;
	s20 =	sadd.s32 $0x10, s16;
	s15 =	sadd.s32 $0x400, s14  }
0x3a: {  	[tilespmem:s15], [sflag:$0x1] =	stream.indirect_vreg.gather [hbm:s4], $0x80, v0, vm1, $0x38;
	[tilespmem:$0xC990] =	vst v63  }
0x3b: {  	s17 =	sshrl.u32 s19, $0x2;
	s19 =	smov.u32 s14;
	v0 =	vld.msk [tilespmem:s20+$0x0 ss:$0x1], $0xffff;
	s20 =	simm.s32 $0x80  }
.LBB2_3:
0x3c: {  	p1 =	sne.s32 s20, $0x2C0;
	_ =	sdelay $0x4  }
0x3d: {  	vm2 =	vgt.s32 v0, $0x0  }
0x3e: {  	v0 =	vnsel vm2, $0x0, v0  }
0x3f: {  	v0 =	vmin.u32 v0, $0x270F  }
0x40: {  	v0 =	vshll.u32 v0, $0x4;
	_ =	sdelay $0x3  }
.Ltmp3:
0x41: {  	s21 =	sshra.s32 s20, $0x2;
	s19 =	sadd.s32 $0x800, s19;
	(pc) =	sbr.rel @p1 .LBB2_3-.Ltmp3, $4  }
0x42: {  	[tilespmem:s19], [sflag:$0x1] =	stream.indirect_vreg.gather [hbm:s4], $0x80, v0, vm0, $0x38;
	[tilespmem:$0xC990] =	vst v63  }
0x43: {  	s21 =	sadd.s32 s21, s16;
	s22 =	sadd.s32 $0x400, s19  }
0x44: {  	[tilespmem:s22], [sflag:$0x1] =	stream.indirect_vreg.gather [hbm:s4], $0x80, v0, vm1, $0x38;
	[tilespmem:$0xC990] =	vst v63  }
0x45: {  	s20 =	sadd.s32 $0x40, s20;
	v0 =	vld.msk [tilespmem:s21+$0x0 ss:$0x1], $0xffff  }
0x46: {  	_ =	sdelay $0x3  }
0x47: {  	vm2 =	vgt.s32 v0, $0x0  }
0x48: {  	v0 =	vnsel vm2, $0x0, v0  }
0x49: {  	v0 =	vmin.u32 v0, $0x270F  }
0x4a: {  	v0 =	vshll.u32 v0, $0x4;
	_ =	sdelay $0x3  }
0x4b: {  	s16 =	sadd.s32 $0x800, s19  }
0x4c: {  	[tilespmem:s16], [sflag:$0x1] =	stream.indirect_vreg.gather [hbm:s4], $0x80, v0, vm0, $0x38;
	[tilespmem:$0xC990] =	vst v63  }
0x4d: {  	s16 =	sadd.s32 $0x400, s16  }
0x4e: {  	[tilespmem:s16], [sflag:$0x1] =	stream.indirect_vreg.gather [hbm:s4], $0x80, v0, vm1, $0x38;
	[tilespmem:$0xC990] =	vst v63  }
0x4f: {  	v0 =	vld.msk [tilespmem:s18+$0xC0 ss:$0x1], $0xff;
	_ =	sdelay $0x4  }
0x50: {  	vm2 =	vgt.s32 v0, $0x0  }
0x51: {  	v0 =	vnsel vm2, $0x0, v0  }
0x52: {  	v0 =	vmin.u32 v0, $0x270F  }
0x53: {  	v0 =	vshll.u32 v0, $0x4;
	_ =	sdelay $0x3  }
0x54: {  	s31 =	sadd.s32 $0x6190, s17  }
0x55: {  	[tilespmem:s31], [sflag:$0x1] =	stream.indirect_vreg.gather [hbm:s4], $0x80, v0, vm0, $0x38;
	[tilespmem:$0xC990] =	vst v63  }
0x56: {  	s13 =	sshll.u32 s13, $0x4;
	_ =	swait.ge [sflag:s6], $0x6400  }
0x57: {  	s13 =	sadd.s32 s13, s9;
	[sflag:s6] =	ssyncset.done $0x0  }
0x58: {  	s17 =	sadd.s32 $0x0, s13;
	s16 =	simm.s32 $0x80;
	[sflag:s6] =	ssyncadd.s32 $0xFFFF9C00  }
.LBB2_5:
0x59: {  	[hbm:s17] =	stream.linear.scatter [tilespmem:s14], [sflag:$0x3], $0x400, $0x38;
	[tilespmem:$0xC990] =	vst v63  }
0x5a: {  	s17 =	smov.u32 s16;
	s14 =	smov.u32 s15;
	p1 =	sne.s32 s16, $0xC00  }
.Ltmp4:
0x5b: {  	s16 =	sadd.s32 $0x80, s16;
	(pc) =	sbr.rel @p1 .LBB2_5-.Ltmp4, $2  }
0x5c: {  	_ =	sdelay $0x2  }
0x5d: {  	s15 =	sadd.s32 $0x400, s15;
	s17 =	sadd.s32 s17, s13  }
.Ltmp5:
0x5e: {  	_ = 	snop;
	(pc) =	sbr.rel .LBB2_6-.Ltmp5, $1  }
0x5f: {  	_ =	sdelay $0x3  }
.LBB2_8:
0x60: {  	_ =	sfence.sel $0x180000  }
0x61: {  	s1 =	simm.s32 $0x2;
	[bflag:$0x0] =	sbarrier.arrive $0xFFFF  }
0x62: {  	s30 =	simm.s32 $0x3;
	[sflag:s1] =	ssyncpa.u1 $0x1  }
0x63: {  	s31 =	simm.s32 $0x1;
	[sflag:s30] =	ssyncpa.u1 $0x1  }
0x64: {  	[sflag:s31] =	ssyncpa.u1 $0x1  }
0x65: {  	p0 =	sne.s32 s0, $0x0;
	_ =	strace $0x9000004A  }
0x66: {  	s0 =	sadd.s32 @!p0 $0x100000, s2;
	[bflag:$0x2] =	sbarrier.arrive $0xFFFF  }
0x67: {  	[sflag:s0] =	ssyncadd.tile.s32 @!p0 $0x1;
	_ =	shalt  }
.Lfunc_end2:
_tile_overlayer_lowered:
.L_overlay_start_2:
0x68: {  	(tag) =	ssettag $0x2  }
0x69: {  	s0 =	rddreg [dreg:$0x0];
	s2 =	stileid.u32  }
0x6a: {  	s1 =	rddreg [dreg:$0x1];
	p0 =	sne.s32 s2, $0x0  }
0x6b: {  	s3 =	rddreg [dreg:$0x2];
	[bflag:$0x3] =	sbarrier.arrive $0xFFFF;
	s2 =	simm.s32 @!p0 $0x1C01  }
0x6c: {  	[timem:s3], [sflag:s2] =	dma.local @!p0 [hbm:s0], s1  }
0x6d: {  	s0 =	simm.s32 @!p0 $0x1  }
0x6e: {  	_ =	swait.ge @!p0 [sflag:s0], s1  }
0x6f: {  	s1 =	ssub.s32 @!p0 $0x0, s1;
	[sflag:s0] =	ssyncset.done @!p0 $0x0  }
0x70: {  	[sflag:s0] =	ssyncadd.s32 @!p0 s1  }
0x71: {  	[bflag:$0x3] =	sbarrier.arrive $0xFFFF  }
0x72: {  	_ =	shalt  }

// kernel: gather_offload_async_start
scs
__scs_entry_jumppad:
0x0: {  	(pc) =	sbr.rel $0x88, $3  }
0x1: {  	(tag) =	ssettag $0x0;
	lr =	simm.s32 $0x1  }
0x2: {  	[smem:$0x3F84] =	sst lr;
	_ =	strace $0xD0000000  }
0x3: {  	_ = 	snop  }
0x4: {  	_ = 	snop  }
0x5: {  	_ = 	snop  }
0x6: {  	_ = 	snop  }
0x7: {  	_ = 	snop  }
__scs_overlays_trampoline_lowered:
0x8: {  	[smem:$0x3F93] =	sst s0  }
0x9: {  	[smem:$0x3F94] =	sst s1  }
0xa: {  	[smem:$0x3F95] =	sst s2  }
0xb: {  	[smem:$0x3F96] =	sst s3  }
0xc: {  	[smem:$0x3F97] =	sst s4  }
0xd: {  	[smem:$0x3F98] =	sst s5  }
0xe: {  	[smem:$0x3F99] =	sst s6  }
0xf: {  	[smem:$0x3F9A] =	sst s7  }
0x10: {  	[smem:$0x3F9B] =	sst s8  }
0x11: {  	[smem:$0x3F9C] =	sst s9;
	s0 =	simm.s32 @!p0 $0x0  }
0x12: {  	s1 =	sld [smem:$0x3F82];
	s0 =	simm.s32 @p0 $0x1  }
0x13: {  	[smem:$0x3F9D] =	sst s0;
	s0 =	simm.s32 @!p1 $0x0  }
0x14: {  	s2 =	sld [smem:$0x3F81];
	s0 =	simm.s32 @p1 $0x1  }
0x15: {  	[smem:$0x3F9E] =	sst s0;
	s0 =	simm.s32 @!p2 $0x0  }
0x16: {  	s3 =	sld [smem:$0x3FDB];
	s0 =	simm.s32 @p2 $0x1  }
0x17: {  	s4 =	simm.s32 $0x1BF5;
	[smem:$0x3FA0] =	sst s0  }
0x18: {  	s0 =	sld [smem:$0x3F83];
	_ =	swait.ge [sflag:s4], $0x0  }
0x19: {  	s7 =	sld [smem:$0x3F84]  }
0x1a: {  	s8 =	sadd.s32 $0xFFFFE003, lr  }
0x1b: {  	s9 =	sadd.s32 $0xFFFFFEF7, lr;
	s5 =	simm.s32 $0xFFFFFFFF;
	p2 =	slt.u32 s8, $0xFFFFF086  }
0x1c: {  	p1 =	slt.u32 s9, $0xF7A;
	s5 =	simm.s32 @!p2 $0x0  }
0x1d: {  	s5 =	simm.s32 @p1 $0x1;
	p0 =	seq.s32 s7, s2  }
0x1e: {  	s7 =	smul.u32 @!p0 $0xF7A, s2;
	p2 =	seq.s32 @!p0 s5, $0x0  }
0x1f: {  	s9 =	smul.u32 $0xF7A, s1;
	s8 =	simm.s32 @!p0 $0x1BF5;
	p2 =	por !p2, p0  }
0x20: {  	[sflag:s8] =	ssyncset.s32 @!p0 $0xFFFFF086;
	s6 =	sadd.s32 @!p0 s3, s7;
	s7 =	simm.s32 @!p0 $0x108  }
0x21: {  	s3 =	sadd.s32 s3, s9;
	s6 =	sadd.s32 @!p0 $0x88, s6;
	s7 =	simm.s32 @p2 $0x1082  }
0x22: {  	[simem:s7], [sflag:s8] =	dma.local @!p0 [hbm:s6], $0xF7A  }
0x23: {  	s9 =	sor.u32 $0xD0000000, s2;
	s6 =	simm.s32 $0x108;
	_ =	swait.ge @!p0 [sflag:s8], $0x0  }
0x24: {  	s3 =	sadd.s32 $0x88, s3;
	s6 =	simm.s32 @!p1 $0x1082;
	[sflag:s4] =	ssyncset.s32 $0xFFFFF086  }
0x25: {  	[simem:s6], [sflag:s4] =	dma.local [hbm:s3], $0xF7A  }
0x26: {  	[smem:$0x3F84] =	sst s1;
	(tag) =	ssettag s2;
	_ =	strace s9  }
0x27: {  	s1 =	sld [smem:$0x3F94]  }
0x28: {  	s2 =	sld [smem:$0x3F95]  }
0x29: {  	s4 =	sld [smem:$0x3F97]  }
0x2a: {  	p0 =	seq.s32 s5, $0x0;
	s5 =	sld [smem:$0x3F98]  }
0x2b: {  	s6 =	sld [smem:$0x3F99]  }
0x2c: {  	s7 =	sld [smem:$0x3F9A]  }
0x2d: {  	s3 =	simm.s32 $0x108;
	s8 =	sld [smem:$0x3F9B]  }
0x2e: {  	s3 =	simm.s32 @!p0 $0x1082;
	s9 =	sld [smem:$0x3F9C]  }
0x2f: {  	lr =	sadd.s32 s0, s3;
	s0 =	sld [smem:$0x3F93]  }
0x30: {  	s3 =	sld [smem:$0x3F96]  }
0x31: {  	[smem:$0x3F9F] =	sst s10  }
0x32: {  	s10 =	sld [smem:$0x3F9D];
	_ =	sdelay $0x3  }
0x33: {  	p0 =	seq.s32 s10, $0x1;
	s10 =	sld [smem:$0x3F9F];
	_ =	sdelay $0x3  }
0x34: {  	[smem:$0x3F9F] =	sst s10  }
0x35: {  	s10 =	sld [smem:$0x3F9E];
	_ =	sdelay $0x3  }
0x36: {  	p1 =	seq.s32 s10, $0x1;
	s10 =	sld [smem:$0x3F9F];
	_ =	sdelay $0x3  }
0x37: {  	[smem:$0x3F9F] =	sst s10  }
0x38: {  	s10 =	sld [smem:$0x3FA0]  }
0x39: {  	_ = 	snop;
	(pc) =	sbr.ind lr, $3  }
0x3a: {  	_ = 	snop  }
0x3b: {  	_ = 	snop  }
0x3c: {  	p2 =	seq.s32 s10, $0x1;
	s10 =	sld [smem:$0x3F9F]  }
0x3d: {  	_ =	shalt  }
0x3e: {  	_ =	shalt  }
0x3f: {  	_ =	shalt  }
0x40: {  	_ =	shalt  }
0x41: {  	_ =	shalt  }
0x42: {  	_ =	shalt  }
0x43: {  	_ =	shalt  }
0x44: {  	_ =	shalt  }
0x45: {  	_ =	shalt  }
0x46: {  	_ =	shalt  }
0x47: {  	_ =	shalt  }
0x48: {  	_ =	shalt  }
0x49: {  	_ =	shalt  }
0x4a: {  	_ =	shalt  }
0x4b: {  	_ =	shalt  }
0x4c: {  	_ =	shalt  }
0x4d: {  	_ =	shalt  }
0x4e: {  	_ =	shalt  }
0x4f: {  	_ =	shalt  }
0x50: {  	_ =	shalt  }
0x51: {  	_ =	shalt  }
0x52: {  	_ =	shalt  }
0x53: {  	_ =	shalt  }
0x54: {  	_ =	shalt  }
0x55: {  	_ =	shalt  }
0x56: {  	_ =	shalt  }
0x57: {  	_ =	shalt  }
0x58: {  	_ =	shalt  }
0x59: {  	_ =	shalt  }
0x5a: {  	_ =	shalt  }
0x5b: {  	_ =	shalt  }
0x5c: {  	_ =	shalt  }
0x5d: {  	_ =	shalt  }
0x5e: {  	_ =	shalt  }
0x5f: {  	_ =	shalt  }
0x60: {  	_ =	shalt  }
0x61: {  	_ =	shalt  }
0x62: {  	_ =	shalt  }
0x63: {  	_ =	shalt  }
0x64: {  	_ =	shalt  }
0x65: {  	_ =	shalt  }
0x66: {  	_ =	shalt  }
0x67: {  	_ =	shalt  }
0x68: {  	_ =	shalt  }
0x69: {  	_ =	shalt  }
0x6a: {  	_ =	shalt  }
0x6b: {  	_ =	shalt  }
0x6c: {  	_ =	shalt  }
0x6d: {  	_ =	shalt  }
0x6e: {  	_ =	shalt  }
0x6f: {  	_ =	shalt  }
0x70: {  	_ =	shalt  }
0x71: {  	_ =	shalt  }
0x72: {  	_ =	shalt  }
0x73: {  	_ =	shalt  }
0x74: {  	_ =	shalt  }
0x75: {  	_ =	shalt  }
0x76: {  	_ =	shalt  }
0x77: {  	_ =	shalt  }
0x78: {  	_ =	shalt  }
0x79: {  	_ =	shalt  }
0x7a: {  	_ =	shalt  }
0x7b: {  	_ =	shalt  }
0x7c: {  	_ =	shalt  }
0x7d: {  	_ =	shalt  }
0x7e: {  	_ =	shalt  }
0x7f: {  	_ =	shalt  }
0x80: {  	_ =	shalt  }
0x81: {  	_ =	shalt  }
0x82: {  	_ =	shalt  }
0x83: {  	_ =	shalt  }
0x84: {  	_ =	shalt  }
0x85: {  	_ =	shalt  }
0x86: {  	_ =	shalt  }
0x87: {  	_ =	shalt  }
.Lfunc_end0:
.L_simem_size_0:
called_computation_lowered:
.L_overlay_start_0:
0x88: {  	s0 =	sld [smem:$0x3FD9]  }
0x89: {  	s1 =	sld [smem:$0x3FFE];
	_ =	sdelay $0x3  }
0x8a: {  	s0 =	sadd.s32 s1, s0  }
0x8b: {  	[smem:$0x3FAB] =	sst s0  }
0x8c: {  	_ = 	snop  }
0x8d: {  	(tm) =	ssettm $0x1  }
0x8e: {  	s15 =	sld [smem:$0x3FFB];
	_ =	sdelay $0x3  }
0x8f: {  	_ =	strace s15  }
0x90: {  	s0 =	sld [smem:$0x3FFC];
	_ =	sdelay $0x3  }
0x91: {  	_ =	strace s0  }
0x92: {  	s0 =	sld [smem:$0x3FFD];
	_ =	sdelay $0x3  }
0x93: {  	_ =	strace s0  }
0x94: {  	_ =	strace $0x8FFFFFFF  }
0x95: {  	s16 =	sld [smem:$0x3FDB];
	_ =	sdelay $0x1  }
0x96: {  	s17 =	simm.s32 $_scs_section_size  }
0x97: {  	s2 =	simm.s32 $_size__tile_overlayer_lowered;
	s3 =	simm.s32 $_tile_overlayer_lowered  }
0x98: {  	s20 =	simm.s32 $0x1BFF;
	s19 =	sshll.u32 s3, $0x1;
	s0 =	sadd.s32 s17, s16  }
0x99: {  	s4 =	simm.s32 $0x0;
	s18 =	sshll.u32 s2, $0x1;
	s2 =	sadd.s32 s19, s0  }
0x9a: {  	[timem:s4], [sflag:s20] =	dma.local [hbm:s2], s18  }
0x9b: {  	_ =	swait.ge [sflag:s20], s18  }
0x9c: {  	s1 =	ssub.s32 $0x0, s18;
	[sflag:s20] =	ssyncset.done $0x0  }
0x9d: {  	[sflag:s20] =	ssyncadd.s32 s1;
	_ =	sdelay $0x1  }
0x9e: {  	s21 =	simm.s32 $0x1B8B  }
0x9f: {  	_ =	swait.ge [sflag:s21], $0x1  }
0xa0: {  	[sflag:s21] =	ssyncset.done $0x0  }
0xa1: {  	s23 =	simm.s32 $0x1B8E;
	s22 =	sld [smem:$0x3FFE];
	[sflag:s21] =	ssyncadd.s32 $0xFFFFFFFF  }
0xa2: {  	s24 =	simm.s32 $execute0_lowered;
	[smem:$0x3FD2] =	sst s23  }
0xa3: {  	s2 =	sshll.u32 s24, $0x1;
	_ =	strace $0x80000046;
	[dreg:$0x1] =	wrdreg $0xFFFFFFFF  }
0xa4: {  	s25 =	simm.s32 $_size_execute0_lowered;
	s0 =	sadd.s32 s0, s2;
	[dreg:$0x0] =	wrdreg $0x0  }
0xa5: {  	s2 =	sshll.u32 s25, $0x1;
	[dreg:$0x2] =	wrdreg s0  }
0xa6: {  	[dreg:$0x3] =	wrdreg s2  }
0xa7: {  	[dreg:$0x4] =	wrdreg $0xC0  }
0xa8: {  	_ =	task [dreg:s4], $0x5FFFF  }
0xa9: {  	[dreg:$0x1] =	wrdreg $0xFFFFFFFF  }
0xaa: {  	[dreg:$0x0] =	wrdreg $0x60  }
0xab: {  	[dreg:$0x2] =	wrdreg s22  }
0xac: {  	[dreg:$0x3] =	wrdreg $0x9  }
0xad: {  	_ =	task.clear_ibuf [dreg:s4], $0x4FFFF;
	_ =	strace $0x90000046  }
0xae: {  	s26 =	simm.s32 $0x9;
	_ =	strace $0x80000048  }
0xaf: {  	_ =	swait.ge [sflag:s26], $0x1  }
0xb0: {  	[sflag:s26] =	ssyncadd.s32 $0xFFFFFFFF  }
0xb1: {  	_ =	strace $0x90000048  }
0xb2: {  	_ =	sfence  }
0xb3: {  	s28 =	sld [smem:$0x0];
	_ =	sdelay $0x1  }
0xb4: {  	s29 =	srdreg.scid  }
0xb5: {  	s30 =	sshll.u32 s29, $0xD;
	s31 =	sshrl.u32 s29, $0x2  }
0xb6: {  	s1 =	sand.u32 $0x1, s29;
	s2 =	sand.u32 $0x4000, s30;
	s0 =	sadd.s32 s31, s28  }
0xb7: {  	s1 =	sor.u32 s2, s1;
	s0 =	sshll.u32 s0, $0x11  }
0xb8: {  	s0 =	sor.u32 s0, s1  }
0xb9: {  	s0 =	sadd.s32 $0x8F2B, s0  }
0xba: {  	[sflag:s0] =	ssyncadd.remote.s32 $0x1  }
0xbb: {  	_ =	sfence.sel $0xFFFF  }
0xbc: {  	[dreg:$0x0] =	wrdreg $0xFFFFFFFF;
	(pc) =	sbr.abs _section_cstart, $3  }
0xbd: {  	[dreg:$0x1] =	wrdreg $0xFFFFFFFF  }
0xbe: {  	_ =	task.clear_ibuf [dreg:s4], $0x2FFFF;
	_ =	strace $0x9FFFFFFF  }
0xbf: {  	(tm) =	ssettm $0x7FFFFFFF  }
tec
execute0_lowered:
.L_overlay_start_1:
0x0: {  	(tag) =	ssettag $0x1  }
0x1: {  	s0 =	stileid.u32  }
0x2: {  	s1 =	smin.u32 s0, $0x9  }
0x3: {  	s1 =	sadd.s32 s0, s1  }
0x4: {  	s2 =	simm.s32 $0x190;
	p0 =	slt.u32 s0, $0x9;
	s1 =	smul.u32 $0xC8, s1  }
0x5: {  	s2 =	simm.s32 @!p0 $0xC8  }
0x6: {  	s2 =	sadd.s32 s2, s1  }
0x7: {  	s3 =	smin.u32 s2, $0x1388  }
0x8: {  	s7 =	ssub.s32 s3, s1  }
0x9: {  	p0 =	sgt.s32 s7, $0x0  }
0xa: {  	s7 =	simm.s32 @!p0 $0x0  }
0xb: {  	s31 =	sand.u32 $0xFFF8, s7  }
0xc: {  	s2 =	sshrl.u32 s31, $0x3  }
0xd: {  	s2 =	smul.u32 $0x147B, s2  }
0xe: {  	s9 =	rddreg [dreg:$0x0];
	s6 =	simm.s32 $0x1;
	s11 =	simm.s32 $0x3  }
0xf: {  	s13 =	simm.s32 $0x0;
	s12 =	simm.s32 $0x0;
	s8 =	sshrl.u32 s2, $0x11  }
0x10: {  	s4 =	sadd.s32 $0x7800, s9;
	s5 =	sadd.s32 $0x2EA00, s9;
	s10 =	smul.u32 $0xC8, s8  }
.Ltmp0:
0x11: {  	s9 =	sadd.s32 $0x56000, s9;
	s2 =	rddreg [dreg:$0x1];
	(pc) =	sbr.rel .LBB2_1-.Ltmp0, $4  }
0x12: {  	_ =	strace $0x80000047;
	p0 =	sne.s32 s7, s10;
	s10 =	simm.s32 $0x1  }
0x13: {  	[sflag:s6] =	ssyncpa.u1 $0x0;
	s7 =	simm.s32 $0x2;
	s10 =	simm.s32 @!p0 $0x0  }
0x14: {  	[sflag:s7] =	ssyncpa.u1 $0x0;
	p0 =	por $0x0, $0x0;
	s8 =	sadd.s32 s8, s10  }
0x15: {  	vm0 =	vmmov $0xff;
	vm1 =	vcmask $0x3F20;
	[sflag:s11] =	ssyncpa.u1 $0x0;
	s11 =	smov.u32 s1;
	s10 =	sadd.s32 $0x1, s8  }
.LBB2_6:
0x16: {  	[hbm:s17] =	stream.linear.scatter [tilespmem:s14], [sflag:$0x3], $0x400, $0x38;
	[tilespmem:$0xC990] =	vst v63  }
.LBB2_7:
0x17: {  	s13 =	sadd.s32 $0xC8, s11  }
0x18: {  	s15 =	smov.u32 s1;
	p2 =	slt.s32 s13, s3  }
0x19: {  	s15 =	smov.u32 @p2 s13;
	p2 =	sne.s32 s12, s10  }
.Ltmp1:
0x1a: {  	p1 =	slt.u32 s12, $0x2;
	(pc) =	sbr.rel @!p2 .LBB2_8-.Ltmp1, $4  }
0x1b: {  	s14 =	simm.s32 @!p1 $0x3  }
0x1c: {  	s16 =	sadd.s32 $0x1, s12;
	_ =	swait.ge @!p1 [sflag:s14], $0x6400  }
0x1d: {  	p0 =	por !p0, !p0;
	s13 =	smov.u32 s11;
	[sflag:s14] =	ssyncset.done @!p1 $0x0  }
0x1e: {  	s12 =	smov.u32 s16;
	s11 =	smov.u32 s15;
	[sflag:s14] =	ssyncadd.s32 @!p1 $0xFFFF9C00  }
.LBB2_1:
0x1f: {  	p1 =	sge.u32 s12, s8  }
0x20: {  	s14 =	sxor.u32 @!p1 $0xFFFFFFFF, s12  }
0x21: {  	s14 =	sand.u32 @!p1 $0x1, s14  }
0x22: {  	s14 =	smul.u32 @!p1 $0x320, s14  }
0x23: {  	s31 =	sadd.s32 $0xFFFFFFFF, s12;
	s15 =	sshrl.u32 @!p1 s11, $0x3  }
0x24: {  	s16 =	sand.u32 @!p1 $0x7, s11;
	s15 =	sadd.s32 @!p1 s5, s15;
	s14 =	sshrl.u32 @!p1 s14, $0x2  }
0x25: {  	[tilespmem:s14], [sflag:$0x2] =	stream.linear.gather @!p1 [hbm4b:s15+s16], $0xC8, $0x38;
	[tilespmem:$0xC990] =	vst v63  }
0x26: {  	p1 =	sge.u32 s31, s8  }
.Ltmp2:
0x27: {  	_ = 	snop;
	(pc) =	sbr.rel @p1 .LBB2_7-.Ltmp2, $1  }
0x28: {  	_ =	sdelay $0x3  }
0x29: {  	s14 =	simm.s32 $0x1  }
0x2a: {  	s14 =	simm.s32 @!p0 $0x0  }
0x2b: {  	s15 =	smul.u32 $0x320, s14  }
0x2c: {  	_ =	swait.ge [sflag:s7], $0xC8  }
0x2d: {  	[sflag:s7] =	ssyncset.done $0x0;
	s16 =	sshrl.u32 s15, $0x2  }
0x2e: {  	[sflag:s7] =	ssyncadd.s32 $0xFFFFFF38;
	s15 =	sadd.s32 $0x0, s16  }
0x2f: {  	v0 =	vld.msk [tilespmem:s15+$0x0 ss:$0x1], $0xffff;
	_ =	sdelay $0x4  }
0x30: {  	vm2 =	vgt.s32 v0, $0x0  }
0x31: {  	v0 =	vnsel vm2, $0x0, v0  }
0x32: {  	v0 =	vmin.u32 v0, $0x270F  }
0x33: {  	v0 =	vshll.u32 v0, $0x4  }
0x34: {  	s14 =	smul.u32 $0x19000, s14  }
0x35: {  	s31 =	sand.u32 $0x1, s12  }
0x36: {  	s17 =	smul.u32 $0x320, s31;
	s14 =	sshrl.u32 s14, $0x2  }
0x37: {  	s19 =	smul.u32 $0x19000, s31;
	s14 =	sor.u32 $0x190, s14  }
0x38: {  	[tilespmem:s14], [sflag:$0x1] =	stream.indirect_vreg.gather [hbm:s4], $0x80, v0, vm0, $0x38;
	[tilespmem:$0xC990] =	vst v63  }
0x39: {  	s18 =	sshrl.u32 s17, $0x2;
	s20 =	sadd.s32 $0x10, s16;
	s15 =	sadd.s32 $0x400, s14  }
0x3a: {  	[tilespmem:s15], [sflag:$0x1] =	stream.indirect_vreg.gather [hbm:s4], $0x80, v0, vm1, $0x38;
	[tilespmem:$0xC990] =	vst v63  }
0x3b: {  	s17 =	sshrl.u32 s19, $0x2;
	s19 =	smov.u32 s14;
	v0 =	vld.msk [tilespmem:s20+$0x0 ss:$0x1], $0xffff;
	s20 =	simm.s32 $0x80  }
.LBB2_3:
0x3c: {  	p1 =	sne.s32 s20, $0x2C0;
	_ =	sdelay $0x4  }
0x3d: {  	vm2 =	vgt.s32 v0, $0x0  }
0x3e: {  	v0 =	vnsel vm2, $0x0, v0  }
0x3f: {  	v0 =	vmin.u32 v0, $0x270F  }
0x40: {  	v0 =	vshll.u32 v0, $0x4;
	_ =	sdelay $0x3  }
.Ltmp3:
0x41: {  	s21 =	sshra.s32 s20, $0x2;
	s19 =	sadd.s32 $0x800, s19;
	(pc) =	sbr.rel @p1 .LBB2_3-.Ltmp3, $4  }
0x42: {  	[tilespmem:s19], [sflag:$0x1] =	stream.indirect_vreg.gather [hbm:s4], $0x80, v0, vm0, $0x38;
	[tilespmem:$0xC990] =	vst v63  }
0x43: {  	s21 =	sadd.s32 s21, s16;
	s22 =	sadd.s32 $0x400, s19  }
0x44: {  	[tilespmem:s22], [sflag:$0x1] =	stream.indirect_vreg.gather [hbm:s4], $0x80, v0, vm1, $0x38;
	[tilespmem:$0xC990] =	vst v63  }
0x45: {  	s20 =	sadd.s32 $0x40, s20;
	v0 =	vld.msk [tilespmem:s21+$0x0 ss:$0x1], $0xffff  }
0x46: {  	_ =	sdelay $0x3  }
0x47: {  	vm2 =	vgt.s32 v0, $0x0  }
0x48: {  	v0 =	vnsel vm2, $0x0, v0  }
0x49: {  	v0 =	vmin.u32 v0, $0x270F  }
0x4a: {  	v0 =	vshll.u32 v0, $0x4;
	_ =	sdelay $0x3  }
0x4b: {  	s16 =	sadd.s32 $0x800, s19  }
0x4c: {  	[tilespmem:s16], [sflag:$0x1] =	stream.indirect_vreg.gather [hbm:s4], $0x80, v0, vm0, $0x38;
	[tilespmem:$0xC990] =	vst v63  }
0x4d: {  	s16 =	sadd.s32 $0x400, s16  }
0x4e: {  	[tilespmem:s16], [sflag:$0x1] =	stream.indirect_vreg.gather [hbm:s4], $0x80, v0, vm1, $0x38;
	[tilespmem:$0xC990] =	vst v63  }
0x4f: {  	v0 =	vld.msk [tilespmem:s18+$0xC0 ss:$0x1], $0xff;
	_ =	sdelay $0x4  }
0x50: {  	vm2 =	vgt.s32 v0, $0x0  }
0x51: {  	v0 =	vnsel vm2, $0x0, v0  }
0x52: {  	v0 =	vmin.u32 v0, $0x270F  }
0x53: {  	v0 =	vshll.u32 v0, $0x4;
	_ =	sdelay $0x3  }
0x54: {  	s31 =	sadd.s32 $0x6190, s17  }
0x55: {  	[tilespmem:s31], [sflag:$0x1] =	stream.indirect_vreg.gather [hbm:s4], $0x80, v0, vm0, $0x38;
	[tilespmem:$0xC990] =	vst v63  }
0x56: {  	s13 =	sshll.u32 s13, $0x4;
	_ =	swait.ge [sflag:s6], $0x6400  }
0x57: {  	s13 =	sadd.s32 s13, s9;
	[sflag:s6] =	ssyncset.done $0x0  }
0x58: {  	s17 =	sadd.s32 $0x0, s13;
	s16 =	simm.s32 $0x80;
	[sflag:s6] =	ssyncadd.s32 $0xFFFF9C00  }
.LBB2_5:
0x59: {  	[hbm:s17] =	stream.linear.scatter [tilespmem:s14], [sflag:$0x3], $0x400, $0x38;
	[tilespmem:$0xC990] =	vst v63  }
0x5a: {  	s17 =	smov.u32 s16;
	s14 =	smov.u32 s15;
	p1 =	sne.s32 s16, $0xC00  }
.Ltmp4:
0x5b: {  	s16 =	sadd.s32 $0x80, s16;
	(pc) =	sbr.rel @p1 .LBB2_5-.Ltmp4, $2  }
0x5c: {  	_ =	sdelay $0x2  }
0x5d: {  	s15 =	sadd.s32 $0x400, s15;
	s17 =	sadd.s32 s17, s13  }
.Ltmp5:
0x5e: {  	_ = 	snop;
	(pc) =	sbr.rel .LBB2_6-.Ltmp5, $1  }
0x5f: {  	_ =	sdelay $0x3  }
.LBB2_8:
0x60: {  	_ =	sfence.sel $0x180000  }
0x61: {  	s1 =	simm.s32 $0x2;
	[bflag:$0x0] =	sbarrier.arrive $0xFFFF  }
0x62: {  	s30 =	simm.s32 $0x3;
	[sflag:s1] =	ssyncpa.u1 $0x1  }
0x63: {  	s31 =	simm.s32 $0x1;
	[sflag:s30] =	ssyncpa.u1 $0x1  }
0x64: {  	[sflag:s31] =	ssyncpa.u1 $0x1  }
0x65: {  	p0 =	sne.s32 s0, $0x0;
	_ =	strace $0x90000047  }
0x66: {  	s0 =	sadd.s32 @!p0 $0x100000, s2;
	[bflag:$0x2] =	sbarrier.arrive $0xFFFF  }
0x67: {  	[sflag:s0] =	ssyncadd.tile.s32 @!p0 $0x1;
	_ =	shalt  }
.Lfunc_end2:
_tile_overlayer_lowered:
.L_overlay_start_2:
0x68: {  	(tag) =	ssettag $0x2  }
0x69: {  	s0 =	rddreg [dreg:$0x0];
	s2 =	stileid.u32  }
0x6a: {  	s1 =	rddreg [dreg:$0x1];
	p0 =	sne.s32 s2, $0x0  }
0x6b: {  	s3 =	rddreg [dreg:$0x2];
	[bflag:$0x3] =	sbarrier.arrive $0xFFFF;
	s2 =	simm.s32 @!p0 $0x1C01  }
0x6c: {  	[timem:s3], [sflag:s2] =	dma.local @!p0 [hbm:s0], s1  }
0x6d: {  	s0 =	simm.s32 @!p0 $0x1  }
0x6e: {  	_ =	swait.ge @!p0 [sflag:s0], s1  }
0x6f: {  	s1 =	ssub.s32 @!p0 $0x0, s1;
	[sflag:s0] =	ssyncset.done @!p0 $0x0  }
0x70: {  	[sflag:s0] =	ssyncadd.s32 @!p0 s1  }
0x71: {  	[bflag:$0x3] =	sbarrier.arrive $0xFFFF  }
0x72: {  	_ =	shalt  }

</sc_bundles>
